<compile_context>
chip_gen: v7x
topology: tpu7x:2x2x1
jax: 0.10.2.dev20260603
libtpu: 0.0.44.dev20260713+nightly
codegen_flags: <defaults>
</compile_context>

<pallas_src>
import functools

import jax
import jax.numpy as jnp
from jax import lax
from jax.experimental import pallas as pl
from jax.experimental.pallas import tpu as pltpu
from jax.experimental.pallas import tpu_sc as plsc

N = 10000
E = 320000
FIN = 128
FOUT = 128
ALPHA = 0.2

NC = 2
NS = 16
NW = NC * NS
EPT = E // NW
L = 16

KM = 64
NCM = 156
TK = EPT - NCM * KM
NT = NCM // 3

ROWS_PER_TILE = 624

_mesh = plsc.VectorSubcoreMesh(
    core_axis_name="c", subcore_axis_name="s", num_cores=NC, num_subcores=NS)
_sc_params = pltpu.CompilerParams(needs_layout_passes=False)


def _tc_head_body(x_ref, w_ref, alv_ref, arv_ref, h_ref, al_ref, ar_ref):
  h = jnp.dot(x_ref[...], w_ref[...], preferred_element_type=jnp.float32)
  h_ref[...] = h
  al_ref[...] = jnp.sum(h * alv_ref[...], axis=1).reshape(1, -1)
  ar_ref[...] = jnp.sum(h * arv_ref[...], axis=1).reshape(1, -1)


def _tc_head(x, w, alv, arv):
  return pl.pallas_call(
      _tc_head_body,
      out_shape=[
          jax.ShapeDtypeStruct((N, FOUT), jnp.float32),
          jax.ShapeDtypeStruct((1, N), jnp.float32),
          jax.ShapeDtypeStruct((1, N), jnp.float32),
      ],
  )(x, w, alv, arv)


def _sc_body(h_hbm, esrc_hbm, edst_hbm, al_hbm, ar_hbm, out_hbm, den_hbm,
             al_v, ar_v,
             src0_v, src1_v, src2_v, dk0_v, dk1_v, dk2_v,
             ex0_v, ex1_v, ex2_v, rows0_v, rows1_v, rows2_v, sidx_v,
             acc_sh, den_sh,
             sg0, sg1, sg2, ss0, ss1, ss2, si0, si1, si2):
  c = lax.axis_index("c")
  s = lax.axis_index("s")
  wid = s * NC + c
  extra = N - NS * ROWS_PER_TILE
  rows = (rows0_v, rows1_v, rows2_v)
  srck = (src0_v, src1_v, src2_v)
  exk = (ex0_v, ex1_v, ex2_v)
  dk = (dk0_v, dk1_v, dk2_v)
  sg = (sg0, sg1, sg2)
  ss = (ss0, ss1, ss2)
  si = (si0, si1, si2)

  def _zr(r, carry):
    for cc in range(FOUT // L):
      rows0_v[r, pl.ds(cc * L, L)] = jnp.zeros((L,), jnp.float32)
    return carry
  lax.fori_loop(0, KM, _zr, 0)

  nz = ROWS_PER_TILE // KM
  zrem = ROWS_PER_TILE - nz * KM

  def _zacc(t, carry):
    pltpu.sync_copy(rows0_v.at[pl.ds(0, KM)],
                    acc_sh.at[pl.ds(s * ROWS_PER_TILE + t * KM, KM)])
    return carry
  lax.fori_loop(0, nz, _zacc, 0)
  pltpu.sync_copy(rows0_v.at[pl.ds(0, zrem)],
                  acc_sh.at[pl.ds(s * ROWS_PER_TILE + nz * KM, zrem)])

  @pl.when(s == NS - 1)
  def _():
    pltpu.sync_copy(rows0_v.at[pl.ds(0, extra)],
                    acc_sh.at[pl.ds(NS * ROWS_PER_TILE, extra)])

  def _zden(i, carry):
    al_v[pl.ds(i * L, L)] = jnp.zeros((L,), jnp.float32)
    return carry
  lax.fori_loop(0, (ROWS_PER_TILE + extra) // L, _zden, 0)
  pltpu.sync_copy(al_v.at[pl.ds(0, ROWS_PER_TILE)],
                  den_sh.at[pl.ds(s * ROWS_PER_TILE, ROWS_PER_TILE)])

  @pl.when(s == NS - 1)
  def _():
    pltpu.sync_copy(al_v.at[pl.ds(ROWS_PER_TILE, extra)],
                    den_sh.at[pl.ds(NS * ROWS_PER_TILE, extra)])

  pltpu.sync_copy(al_hbm, al_v)
  pltpu.sync_copy(ar_hbm, ar_v)
  plsc.subcore_barrier()

  ebase = wid * EPT

  def _idx_start(j, b):
    jw = lax.rem(j, NCM) * KM
    pltpu.async_copy(edst_hbm.at[pl.ds(ebase + jw, KM)], dk[b], si[b])
    pltpu.async_copy(esrc_hbm.at[pl.ds(ebase + jw, KM)],
                     srck[b].at[0], si[b])

  def _idx_wait(b):
    pltpu.make_async_copy(edst_hbm.at[pl.ds(ebase, KM)],
                          dk[b], si[b]).wait()
    pltpu.make_async_copy(esrc_hbm.at[pl.ds(ebase, KM)],
                          srck[b].at[0], si[b]).wait()

  def _gather_start(b):
    pltpu.async_copy(h_hbm.at[dk[b]], rows[b], sg[b])

  def _gather_wait(b):
    pltpu.make_async_copy(h_hbm.at[dk[b]], rows[b], sg[b]).wait()

  def _scatter_start(b):
    pltpu.async_copy(rows[b], acc_sh.at[sidx_v.at[b]], ss[b], add=True)

  def _scatter_wait(b):
    pltpu.make_async_copy(rows[b], acc_sh.at[sidx_v.at[b]], ss[b]).wait()

  def _ex(b):
    for i in range(KM // L):
      sl = pl.ds(i * L, L)
      sv = srck[b][0, sl]
      dv = dk[b][pl.ds(i * L, L)]
      a1 = plsc.load_gather(al_v, [sv])
      a2 = plsc.load_gather(ar_v, [dv])
      v = a1 + a2
      e = jnp.where(v > 0, v, ALPHA * v)
      exk[b][sl] = jnp.exp(e)
    pltpu.sync_copy(exk[b], den_sh.at[srck[b].at[0]], add=True)

  def _scale(b):
    rv = rows[b]
    ev_ref = exk[b]

    def _srow(r):
      ev = plsc.load_gather(ev_ref, [jnp.full((L,), 0, jnp.int32) + r])
      for cc in range(FOUT // L):
        sl = pl.ds(cc * L, L)
        rv[r, sl] = rv[r, sl] * ev
    plsc.parallel_loop(0, KM, unroll=4)(_srow)

  _idx_start(0, 0)
  _idx_wait(0)
  _idx_start(1, 1)
  _gather_start(0)

  def _step(jj, u):
    j3 = 3 * jj + u
    b = u
    nb = (u + 1) % 3
    pb = (u + 2) % 3

    def _advance():
      _idx_wait(nb)
      _scatter_wait(nb)
      _gather_start(nb)

    def _advance_nowait():
      _idx_wait(nb)
      _gather_start(nb)

    if u == 2:
      @pl.when(jj < NT - 1)
      def _():
        _advance()
    elif u == 0:
      @pl.when(jj > 0)
      def _():
        _advance()
      @pl.when(jj == 0)
      def _():
        _advance_nowait()
    else:
      @pl.when(jj > 0)
      def _():
        _advance()
      @pl.when(jj == 0)
      def _():
        _advance_nowait()
    _gather_wait(b)
    _ex(b)
    for i in range(KM // L):
      sl = pl.ds(i * L, L)
      sidx_v[b, sl] = srck[b][0, sl]
    _idx_start(j3 + 2, pb)
    _scale(b)
    _scatter_start(b)

  def _ring(jj, carry):
    for u in range(3):
      _step(jj, u)
    return carry
  lax.fori_loop(0, NT, _ring, 0)

  _scatter_wait(0)
  _scatter_wait(1)
  _idx_wait(0)
  _scatter_wait(2)
  _idx_wait(1)

  tb = ebase + NCM * KM
  pltpu.sync_copy(edst_hbm.at[pl.ds(tb, TK)], dk0_v.at[pl.ds(0, TK)])
  pltpu.sync_copy(esrc_hbm.at[pl.ds(tb, TK)], src0_v.at[0, pl.ds(0, TK)])
  sv = src0_v[0, pl.ds(0, L)]
  dv = dk0_v[pl.ds(0, L)]
  a1 = plsc.load_gather(al_v, [sv])
  a2 = plsc.load_gather(ar_v, [dv])
  v = a1 + a2
  e = jnp.where(v > 0, v, ALPHA * v)
  ex0_v[pl.ds(0, L)] = jnp.exp(e)
  pltpu.sync_copy(ex0_v.at[pl.ds(0, TK)],
                  den_sh.at[src0_v.at[0, pl.ds(0, TK)]], add=True)
  pltpu.async_copy(h_hbm.at[dk0_v.at[pl.ds(0, TK)]],
                   rows0_v.at[pl.ds(0, TK)], sg0).wait()

  def _trow(r, carry):
    ev = plsc.load_gather(ex0_v, [jnp.full((L,), 0, jnp.int32) + r])
    for cc in range(FOUT // L):
      sl = pl.ds(cc * L, L)
      rows0_v[r, sl] = rows0_v[r, sl] * ev
    return carry
  lax.fori_loop(0, TK, _trow, 0)
  pltpu.sync_copy(rows0_v.at[pl.ds(0, TK)],
                  acc_sh.at[src0_v.at[0, pl.ds(0, TK)]], add=True)

  plsc.subcore_barrier()
  pltpu.sync_copy(acc_sh.at[pl.ds(s * ROWS_PER_TILE, ROWS_PER_TILE)],
                  out_hbm.at[c, pl.ds(s * ROWS_PER_TILE, ROWS_PER_TILE)])

  @pl.when(s == NS - 1)
  def _():
    pltpu.sync_copy(acc_sh.at[pl.ds(NS * ROWS_PER_TILE, extra)],
                    out_hbm.at[c, pl.ds(NS * ROWS_PER_TILE, extra)])

  @pl.when(s == 0)
  def _():
    pltpu.sync_copy(den_sh, den_hbm.at[c])


_sc_kernel = functools.partial(
    pl.kernel,
    out_type=(
        jax.ShapeDtypeStruct((NC, N, FOUT), jnp.float32),
        jax.ShapeDtypeStruct((NC, N), jnp.float32),
    ),
    mesh=_mesh,
    compiler_params=_sc_params,
    scratch_types=[
        pltpu.VMEM((N,), jnp.float32),
        pltpu.VMEM((N,), jnp.float32),
        pltpu.VMEM((1, KM), jnp.int32),
        pltpu.VMEM((1, KM), jnp.int32),
        pltpu.VMEM((1, KM), jnp.int32),
        pltpu.VMEM((KM,), jnp.int32),
        pltpu.VMEM((KM,), jnp.int32),
        pltpu.VMEM((KM,), jnp.int32),
        pltpu.VMEM((KM,), jnp.float32),
        pltpu.VMEM((KM,), jnp.float32),
        pltpu.VMEM((KM,), jnp.float32),
        pltpu.VMEM((KM, FOUT), jnp.float32),
        pltpu.VMEM((KM, FOUT), jnp.float32),
        pltpu.VMEM((KM, FOUT), jnp.float32),
        pltpu.VMEM((3, KM), jnp.int32),
        pltpu.VMEM_SHARED((N, FOUT), jnp.float32),
        pltpu.VMEM_SHARED((N,), jnp.float32),
        pltpu.SemaphoreType.DMA,
        pltpu.SemaphoreType.DMA,
        pltpu.SemaphoreType.DMA,
        pltpu.SemaphoreType.DMA,
        pltpu.SemaphoreType.DMA,
        pltpu.SemaphoreType.DMA,
        pltpu.SemaphoreType.DMA,
        pltpu.SemaphoreType.DMA,
        pltpu.SemaphoreType.DMA,
    ],
)(_sc_body)


def _tc_fin_body(p_ref, den_ref, o_ref):
  d = jnp.maximum(den_ref[0] + den_ref[1], 1e-16)
  o_ref[...] = (p_ref[0] + p_ref[1]) / d


def _tc_fin(part, den):
  bn = 1000
  return pl.pallas_call(
      _tc_fin_body,
      grid=(N // bn,),
      in_specs=[pl.BlockSpec((NC, bn, FOUT), lambda i: (0, i, 0)),
                pl.BlockSpec((NC, bn, 1), lambda i: (0, i, 0))],
      out_specs=pl.BlockSpec((bn, FOUT), lambda i: (i, 0)),
      out_shape=jax.ShapeDtypeStruct((N, FOUT), jnp.float32),
  )(part, den.reshape(NC, N, 1))


def kernel(x, edge, W, a_l, a_r):
  alv = a_l.reshape(1, FOUT)
  arv = a_r.reshape(1, FOUT)
  h, al2, ar2 = _tc_head(x, W, alv, arv)
  al = al2.reshape(N)
  ar = ar2.reshape(N)
  part, denp = _sc_kernel(h, edge[0], edge[1], al, ar)
  return _tc_fin(part, denp)

# --- scband reference (transcript-rebuilt; emitter-appended) ---
"""Pipeline reference for scband-gatlayer-4269197492331 (READ-ONLY COPY).

The authoritative reference and input builder live on the scoring server;
editing this copy changes nothing except your own understanding.
"""

import jax, jax.numpy as jnp
import numpy as np
import math

N = 10000
E = 320000
IN_FEAT = 128
OUT_FEAT = 128
NHEAD = 1
ALPHA = 0.2


def setup_inputs(seed: int = 0) -> dict:
    key = jax.random.key(seed)
    k1, k2, k3, k4, k5 = jax.random.split(key, 5)
    x = jax.random.normal(k1, (N, IN_FEAT), dtype=jnp.float32)
    edge = jax.random.randint(k2, (2, E), 0, N, dtype=jnp.int32)
    # W: uniform(-stdv, stdv) with stdv = sqrt(6/(in + out*nhead)) per reset_parameteres
    stdv_w = math.sqrt(6.0 / (IN_FEAT + OUT_FEAT * NHEAD))
    W = jax.random.uniform(k3, (IN_FEAT, OUT_FEAT * NHEAD), minval=-stdv_w, maxval=stdv_w, dtype=jnp.float32)
    # a_l, a_r: shape (1, nhead, out); stdv = sqrt(6/(nhead + out))
    stdv_a = math.sqrt(6.0 / (NHEAD + OUT_FEAT))
    a_l = jax.random.uniform(k4, (1, NHEAD, OUT_FEAT), minval=-stdv_a, maxval=stdv_a, dtype=jnp.float32)
    a_r = jax.random.uniform(k5, (1, NHEAD, OUT_FEAT), minval=-stdv_a, maxval=stdv_a, dtype=jnp.float32)
    return {"x": x, "edge": edge, "W": W, "a_l": a_l, "a_r": a_r}


def _leaky_relu(v, alpha):
    return jnp.where(v > 0, v, alpha * v)


def reference(x, edge, W, a_l, a_r):
    n = x.shape[0]
    h = jnp.matmul(x, W).reshape(-1, NHEAD, OUT_FEAT)  # [N, nhead, out]
    al = (a_l * h).sum(axis=-1)  # [N, nhead]
    ar = (a_r * h).sum(axis=-1)  # [N, nhead]
    src = edge[0]
    dst = edge[1]
    e = _leaky_relu(al[src] + ar[dst], ALPHA)  # [E, nhead]
    # multi-head edge softmax grouped by destination-of-aggregation node (edge[0])
    m = jax.ops.segment_max(e, src, num_segments=n)
    m = jnp.where(jnp.isfinite(m), m, 0.0)
    m = jax.lax.stop_gradient(m)
    ex = jnp.exp(e - m[src])
    denom = jax.ops.segment_sum(ex, src, num_segments=n)
    att = ex / jnp.maximum(denom[src], 1e-16)  # [E, nhead]
    # dropout p=0.0 -> identity
    hh = jnp.transpose(h, (1, 0, 2))  # [nhead, N, out]
    outs = []
    for k in range(NHEAD):
        msg = att[:, k:k + 1] * hh[k][dst]  # gather source features, weight by attention
        outs.append(jax.ops.segment_sum(msg, src, num_segments=n))  # scatter-add to rows
    # concat=True
    return jnp.concatenate(outs, axis=1)  # [N, nhead*out]

if __name__ == "__main__":
    import jax
    _d = setup_inputs()
    print(jax.jit(kernel)(*tuple(_d.values())))

</pallas_src>

<mosaic_0001>
#map = affine_map<(d0, d1) -> (0, 0)>
#map1 = affine_map<(d0, d1) -> (0)>
#map2 = affine_map<(d0, d1) -> (0, 0, 0)>
module attributes {stable_mosaic.version = 14 : i64} {
  func.func @_sc_body(%arg0: i32, %arg1: i32, %arg2: memref<10000x128xf32, #tpu.memory_space<hbm>>, %arg3: memref<320000xi32, #tpu.memory_space<hbm>>, %arg4: memref<320000xi32, #tpu.memory_space<hbm>>, %arg5: memref<10000xf32, #tpu.memory_space<hbm>>, %arg6: memref<10000xf32, #tpu.memory_space<hbm>>, %arg7: memref<2x10000x128xf32, #tpu.memory_space<hbm>>, %arg8: memref<2x10000xf32, #tpu.memory_space<hbm>>, %arg9: memref<10000xf32, #tpu.memory_space<vmem>>, %arg10: memref<10000xf32, #tpu.memory_space<vmem>>, %arg11: memref<1x64xi32, #tpu.memory_space<vmem>>, %arg12: memref<1x64xi32, #tpu.memory_space<vmem>>, %arg13: memref<1x64xi32, #tpu.memory_space<vmem>>, %arg14: memref<64xi32, #tpu.memory_space<vmem>>, %arg15: memref<64xi32, #tpu.memory_space<vmem>>, %arg16: memref<64xi32, #tpu.memory_space<vmem>>, %arg17: memref<64xf32, #tpu.memory_space<vmem>>, %arg18: memref<64xf32, #tpu.memory_space<vmem>>, %arg19: memref<64xf32, #tpu.memory_space<vmem>>, %arg20: memref<64x128xf32, #tpu.memory_space<vmem>>, %arg21: memref<64x128xf32, #tpu.memory_space<vmem>>, %arg22: memref<64x128xf32, #tpu.memory_space<vmem>>, %arg23: memref<3x64xi32, #tpu.memory_space<vmem>>, %arg24: memref<10000x128xf32, #tpu.memory_space<vmem_shared>>, %arg25: memref<10000xf32, #tpu.memory_space<vmem_shared>>, %arg26: memref<!tpu.dma_semaphore, #tpu.memory_space<semaphore_mem>>, %arg27: memref<!tpu.dma_semaphore, #tpu.memory_space<semaphore_mem>>, %arg28: memref<!tpu.dma_semaphore, #tpu.memory_space<semaphore_mem>>, %arg29: memref<!tpu.dma_semaphore, #tpu.memory_space<semaphore_mem>>, %arg30: memref<!tpu.dma_semaphore, #tpu.memory_space<semaphore_mem>>, %arg31: memref<!tpu.dma_semaphore, #tpu.memory_space<semaphore_mem>>, %arg32: memref<!tpu.dma_semaphore, #tpu.memory_space<semaphore_mem>>, %arg33: memref<!tpu.dma_semaphore, #tpu.memory_space<semaphore_mem>>, %arg34: memref<!tpu.dma_semaphore, #tpu.memory_space<semaphore_mem>>) attributes {dimension_semantics = [#tpu.dimension_semantics<core_parallel>, #tpu.dimension_semantics<subcore_parallel>], iteration_bounds = array<i64: 2, 16>, scalar_prefetch = 0 : i64, scratch_operands = 26 : i64, tpu.core_type = #tpu.core_type<sc_vector_subcore>, window_params = [{transform_indices = #map}, {transform_indices = #map1}, {transform_indices = #map1}, {transform_indices = #map1}, {transform_indices = #map1}, {transform_indices = #map2}, {transform_indices = #map}]} {
    %mul3A = arith.constant 2 : i32
    %mul3A_0 = arith.muli %arg1, %mul3A : i32
    %add3A = arith.addi %mul3A_0, %arg0 : i32
    %scan3A = arith.constant 0 : i32
    %scan3A_1 = arith.constant 0 : i32
    %scan3A_2 = arith.constant 64 : i32
    %scan3A_3 = arith.addi %scan3A_1, %scan3A_2 : i32
    %scan3A_4 = arith.constant 1 : i32
    scf.for %scan3A_183 = %scan3A_1 to %scan3A_3 step %scan3A_4  : i32 {
      %broadcast_in_dim3A = arith.constant 0.000000e+00 : f32
      %broadcast_in_dim3A_184 = vector.broadcast %broadcast_in_dim3A : f32 to vector<16xf32>
      %swap3A_185 = arith.index_cast %scan3A_183 : i32 to index
      %swap3A_186 = arith.constant 0 : index
      %swap3A_187 = tpu.vector_load %arg20[%swap3A_185, %swap3A_186] {strides = array<i32>} : memref<64x128xf32, #tpu.memory_space<vmem>>, vector<16xf32>,
      tpu.vector_store %arg20[%swap3A_185, %swap3A_186], %broadcast_in_dim3A_184 {strides = array<i32>} : memref<64x128xf32, #tpu.memory_space<vmem>>, vector<16xf32>,
      %broadcast_in_dim3A_188 = arith.constant 0.000000e+00 : f32
      %broadcast_in_dim3A_189 = vector.broadcast %broadcast_in_dim3A_188 : f32 to vector<16xf32>
      %swap3A_190 = arith.index_cast %scan3A_183 : i32 to index
      %swap3A_191 = arith.constant 16 : index
      %swap3A_192 = tpu.vector_load %arg20[%swap3A_190, %swap3A_191] {strides = array<i32>} : memref<64x128xf32, #tpu.memory_space<vmem>>, vector<16xf32>,
      tpu.vector_store %arg20[%swap3A_190, %swap3A_191], %broadcast_in_dim3A_189 {strides = array<i32>} : memref<64x128xf32, #tpu.memory_space<vmem>>, vector<16xf32>,
      %broadcast_in_dim3A_193 = arith.constant 0.000000e+00 : f32
      %broadcast_in_dim3A_194 = vector.broadcast %broadcast_in_dim3A_193 : f32 to vector<16xf32>
      %swap3A_195 = arith.index_cast %scan3A_183 : i32 to index
      %swap3A_196 = arith.constant 32 : index
      %swap3A_197 = tpu.vector_load %arg20[%swap3A_195, %swap3A_196] {strides = array<i32>} : memref<64x128xf32, #tpu.memory_space<vmem>>, vector<16xf32>,
      tpu.vector_store %arg20[%swap3A_195, %swap3A_196], %broadcast_in_dim3A_194 {strides = array<i32>} : memref<64x128xf32, #tpu.memory_space<vmem>>, vector<16xf32>,
      %broadcast_in_dim3A_198 = arith.constant 0.000000e+00 : f32
      %broadcast_in_dim3A_199 = vector.broadcast %broadcast_in_dim3A_198 : f32 to vector<16xf32>
      %swap3A_200 = arith.index_cast %scan3A_183 : i32 to index
      %swap3A_201 = arith.constant 48 : index
      %swap3A_202 = tpu.vector_load %arg20[%swap3A_200, %swap3A_201] {strides = array<i32>} : memref<64x128xf32, #tpu.memory_space<vmem>>, vector<16xf32>,
      tpu.vector_store %arg20[%swap3A_200, %swap3A_201], %broadcast_in_dim3A_199 {strides = array<i32>} : memref<64x128xf32, #tpu.memory_space<vmem>>, vector<16xf32>,
      %broadcast_in_dim3A_203 = arith.constant 0.000000e+00 : f32
      %broadcast_in_dim3A_204 = vector.broadcast %broadcast_in_dim3A_203 : f32 to vector<16xf32>
      %swap3A_205 = arith.index_cast %scan3A_183 : i32 to index
      %swap3A_206 = arith.constant 64 : index
      %swap3A_207 = tpu.vector_load %arg20[%swap3A_205, %swap3A_206] {strides = array<i32>} : memref<64x128xf32, #tpu.memory_space<vmem>>, vector<16xf32>,
      tpu.vector_store %arg20[%swap3A_205, %swap3A_206], %broadcast_in_dim3A_204 {strides = array<i32>} : memref<64x128xf32, #tpu.memory_space<vmem>>, vector<16xf32>,
      %broadcast_in_dim3A_208 = arith.constant 0.000000e+00 : f32
      %broadcast_in_dim3A_209 = vector.broadcast %broadcast_in_dim3A_208 : f32 to vector<16xf32>
      %swap3A_210 = arith.index_cast %scan3A_183 : i32 to index
      %swap3A_211 = arith.constant 80 : index
      %swap3A_212 = tpu.vector_load %arg20[%swap3A_210, %swap3A_211] {strides = array<i32>} : memref<64x128xf32, #tpu.memory_space<vmem>>, vector<16xf32>,
      tpu.vector_store %arg20[%swap3A_210, %swap3A_211], %broadcast_in_dim3A_209 {strides = array<i32>} : memref<64x128xf32, #tpu.memory_space<vmem>>, vector<16xf32>,
      %broadcast_in_dim3A_213 = arith.constant 0.000000e+00 : f32
      %broadcast_in_dim3A_214 = vector.broadcast %broadcast_in_dim3A_213 : f32 to vector<16xf32>
      %swap3A_215 = arith.index_cast %scan3A_183 : i32 to index
      %swap3A_216 = arith.constant 96 : index
      %swap3A_217 = tpu.vector_load %arg20[%swap3A_215, %swap3A_216] {strides = array<i32>} : memref<64x128xf32, #tpu.memory_space<vmem>>, vector<16xf32>,
      tpu.vector_store %arg20[%swap3A_215, %swap3A_216], %broadcast_in_dim3A_214 {strides = array<i32>} : memref<64x128xf32, #tpu.memory_space<vmem>>, vector<16xf32>,
      %broadcast_in_dim3A_218 = arith.constant 0.000000e+00 : f32
      %broadcast_in_dim3A_219 = vector.broadcast %broadcast_in_dim3A_218 : f32 to vector<16xf32>
      %swap3A_220 = arith.index_cast %scan3A_183 : i32 to index
      %swap3A_221 = arith.constant 112 : index
      %swap3A_222 = tpu.vector_load %arg20[%swap3A_220, %swap3A_221] {strides = array<i32>} : memref<64x128xf32, #tpu.memory_space<vmem>>, vector<16xf32>,
      tpu.vector_store %arg20[%swap3A_220, %swap3A_221], %broadcast_in_dim3A_219 {strides = array<i32>} : memref<64x128xf32, #tpu.memory_space<vmem>>, vector<16xf32>,
    }
    %scan3A_5 = arith.constant 64 : i32
    %scan3A_6 = arith.constant 0 : i32
    %scan3A_7 = arith.constant 0 : i32
    %scan3A_8 = arith.constant 9 : i32
    %scan3A_9 = arith.addi %scan3A_7, %scan3A_8 : i32
    %scan3A_10 = arith.constant 1 : i32
    scf.for %scan3A_183 = %scan3A_7 to %scan3A_9 step %scan3A_10  : i32 {
      %mul3A_184 = arith.constant 624 : i32
      %mul3A_185 = arith.muli %arg1, %mul3A_184 : i32
      %mul3A_186 = arith.constant 64 : i32
      %mul3A_187 = arith.muli %scan3A_183, %mul3A_186 : i32
      %add3A_188 = arith.addi %mul3A_185, %mul3A_187 : i32
      "tpu.region"() ({
        %run_scoped3A_189 = tpu.sem_alloc : memref<!tpu.dma_semaphore, #tpu.memory_space<semaphore_mem>>
        %dma_start3A_190 = arith.constant 0 : i32
        %dma_start3A_191 = arith.constant 0 : i32
        %dma_start3A_192 = tpu.memref_slice %arg20[%dma_start3A_190, %dma_start3A_191] : memref<64x128xf32, #tpu.memory_space<vmem>> -> memref<64x128xf32, #tpu.memory_space<vmem>>
        %dma_start3A_193 = arith.constant 0 : i32
        %dma_start3A_194 = tpu.memref_slice %arg24[%add3A_188, %dma_start3A_193] : memref<10000x128xf32, #tpu.memory_space<vmem_shared>> -> memref<64x128xf32, #tpu.memory_space<vmem_shared>>
        %dma_start3A_195 = arith.constant 0 : i32
        %dma_start3A_196 = tpu.memref_slice %arg24[%add3A_188, %dma_start3A_195] : memref<10000x128xf32, #tpu.memory_space<vmem_shared>> -> memref<64x128xf32, #tpu.memory_space<vmem_shared>>
        %dma_start3A_197 = arith.constant 0 : i32
        %dma_start3A_198 = arith.constant 0 : i32
        %dma_start3A_199 = tpu.memref_slice %arg20[%dma_start3A_197, %dma_start3A_198] : memref<64x128xf32, #tpu.memory_space<vmem>> -> memref<64x128xf32, #tpu.memory_space<vmem>>
        tpu.enqueue_dma source(%dma_start3A_199 : memref<64x128xf32, #tpu.memory_space<vmem>>) target(%dma_start3A_196 : memref<64x128xf32, #tpu.memory_space<vmem_shared>>) target_semaphore(%run_scoped3A_189 : memref<!tpu.dma_semaphore, #tpu.memory_space<semaphore_mem>>)
        %dma_wait3A_200 = arith.constant 0 : i32
        %dma_wait3A_201 = arith.constant 0 : i32
        %dma_wait3A_202 = tpu.memref_slice %arg20[%dma_wait3A_200, %dma_wait3A_201] : memref<64x128xf32, #tpu.memory_space<vmem>> -> memref<64x128xf32, #tpu.memory_space<vmem>>
        %dma_wait3A_203 = arith.constant 0 : i32
        %dma_wait3A_204 = tpu.memref_slice %arg24[%add3A_188, %dma_wait3A_203] : memref<10000x128xf32, #tpu.memory_space<vmem_shared>> -> memref<64x128xf32, #tpu.memory_space<vmem_shared>>
        %dma_wait3A_205 = arith.constant 0 : i32
        %dma_wait3A_206 = tpu.memref_slice %arg24[%add3A_188, %dma_wait3A_205] : memref<10000x128xf32, #tpu.memory_space<vmem_shared>> -> memref<64x128xf32, #tpu.memory_space<vmem_shared>>
        %dma_wait3A_207 = arith.constant 0 : i32
        %dma_wait3A_208 = arith.constant 0 : i32
        %dma_wait3A_209 = tpu.memref_slice %arg20[%dma_wait3A_207, %dma_wait3A_208] : memref<64x128xf32, #tpu.memory_space<vmem>> -> memref<64x128xf32, #tpu.memory_space<vmem>>
        tpu.wait_dma2 semaphore(%run_scoped3A_189 : memref<!tpu.dma_semaphore, #tpu.memory_space<semaphore_mem>>) src(%dma_wait3A_209 : memref<64x128xf32, #tpu.memory_space<vmem>>) dst(%dma_wait3A_206 : memref<64x128xf32, #tpu.memory_space<vmem_shared>>)
        tpu.yield
      }) : () -> ()
    }
    %scan3A_11 = arith.constant 9 : i32
    %mul3A_12 = arith.constant 624 : i32
    %mul3A_13 = arith.muli %arg1, %mul3A_12 : i32
    %add3A_14 = arith.constant 576 : i32
    %add3A_15 = arith.addi %mul3A_13, %add3A_14 : i32
    "tpu.region"() ({
      %run_scoped3A_183 = tpu.sem_alloc : memref<!tpu.dma_semaphore, #tpu.memory_space<semaphore_mem>>
      %dma_start3A_184 = arith.constant 0 : i32
      %dma_start3A_185 = arith.constant 0 : i32
      %dma_start3A_186 = tpu.memref_slice %arg20[%dma_start3A_184, %dma_start3A_185] : memref<64x128xf32, #tpu.memory_space<vmem>> -> memref<48x128xf32, #tpu.memory_space<vmem>>
      %dma_start3A_187 = arith.constant 0 : i32
      %dma_start3A_188 = tpu.memref_slice %arg24[%add3A_15, %dma_start3A_187] : memref<10000x128xf32, #tpu.memory_space<vmem_shared>> -> memref<48x128xf32, #tpu.memory_space<vmem_shared>>
      %dma_start3A_189 = arith.constant 0 : i32
      %dma_start3A_190 = tpu.memref_slice %arg24[%add3A_15, %dma_start3A_189] : memref<10000x128xf32, #tpu.memory_space<vmem_shared>> -> memref<48x128xf32, #tpu.memory_space<vmem_shared>>
      %dma_start3A_191 = arith.constant 0 : i32
      %dma_start3A_192 = arith.constant 0 : i32
      %dma_start3A_193 = tpu.memref_slice %arg20[%dma_start3A_191, %dma_start3A_192] : memref<64x128xf32, #tpu.memory_space<vmem>> -> memref<48x128xf32, #tpu.memory_space<vmem>>
      tpu.enqueue_dma source(%dma_start3A_193 : memref<48x128xf32, #tpu.memory_space<vmem>>) target(%dma_start3A_190 : memref<48x128xf32, #tpu.memory_space<vmem_shared>>) target_semaphore(%run_scoped3A_183 : memref<!tpu.dma_semaphore, #tpu.memory_space<semaphore_mem>>)
      %dma_wait3A_194 = arith.constant 0 : i32
      %dma_wait3A_195 = arith.constant 0 : i32
      %dma_wait3A_196 = tpu.memref_slice %arg20[%dma_wait3A_194, %dma_wait3A_195] : memref<64x128xf32, #tpu.memory_space<vmem>> -> memref<48x128xf32, #tpu.memory_space<vmem>>
      %dma_wait3A_197 = arith.constant 0 : i32
      %dma_wait3A_198 = tpu.memref_slice %arg24[%add3A_15, %dma_wait3A_197] : memref<10000x128xf32, #tpu.memory_space<vmem_shared>> -> memref<48x128xf32, #tpu.memory_space<vmem_shared>>
      %dma_wait3A_199 = arith.constant 0 : i32
      %dma_wait3A_200 = tpu.memref_slice %arg24[%add3A_15, %dma_wait3A_199] : memref<10000x128xf32, #tpu.memory_space<vmem_shared>> -> memref<48x128xf32, #tpu.memory_space<vmem_shared>>
      %dma_wait3A_201 = arith.constant 0 : i32
      %dma_wait3A_202 = arith.constant 0 : i32
      %dma_wait3A_203 = tpu.memref_slice %arg20[%dma_wait3A_201, %dma_wait3A_202] : memref<64x128xf32, #tpu.memory_space<vmem>> -> memref<48x128xf32, #tpu.memory_space<vmem>>
      tpu.wait_dma2 semaphore(%run_scoped3A_183 : memref<!tpu.dma_semaphore, #tpu.memory_space<semaphore_mem>>) src(%dma_wait3A_203 : memref<48x128xf32, #tpu.memory_space<vmem>>) dst(%dma_wait3A_200 : memref<48x128xf32, #tpu.memory_space<vmem_shared>>)
      tpu.yield
    }) : () -> ()
    %eq3A = arith.constant 15 : i32
    %eq3A_16 = arith.cmpi eq, %arg1, %eq3A : i32
    %convert_element_type3A = arith.extui %eq3A_16 : i1 to i32
    %cond3A = arith.constant 0 : i32
    %cond3A_17 = arith.cmpi ne, %convert_element_type3A, %cond3A : i32
    scf.if %cond3A_17 {
      "tpu.region"() ({
        %run_scoped3A_183 = tpu.sem_alloc : memref<!tpu.dma_semaphore, #tpu.memory_space<semaphore_mem>>
        %dma_start3A_184 = arith.constant 0 : i32
        %dma_start3A_185 = arith.constant 0 : i32
        %dma_start3A_186 = tpu.memref_slice %arg20[%dma_start3A_184, %dma_start3A_185] : memref<64x128xf32, #tpu.memory_space<vmem>> -> memref<16x128xf32, #tpu.memory_space<vmem>>
        %dma_start3A_187 = arith.constant 9984 : i32
        %dma_start3A_188 = arith.constant 0 : i32
        %dma_start3A_189 = tpu.memref_slice %arg24[%dma_start3A_187, %dma_start3A_188] : memref<10000x128xf32, #tpu.memory_space<vmem_shared>> -> memref<16x128xf32, #tpu.memory_space<vmem_shared>>
        %dma_start3A_190 = arith.constant 9984 : i32
        %dma_start3A_191 = arith.constant 0 : i32
        %dma_start3A_192 = tpu.memref_slice %arg24[%dma_start3A_190, %dma_start3A_191] : memref<10000x128xf32, #tpu.memory_space<vmem_shared>> -> memref<16x128xf32, #tpu.memory_space<vmem_shared>>
        %dma_start3A_193 = arith.constant 0 : i32
        %dma_start3A_194 = arith.constant 0 : i32
        %dma_start3A_195 = tpu.memref_slice %arg20[%dma_start3A_193, %dma_start3A_194] : memref<64x128xf32, #tpu.memory_space<vmem>> -> memref<16x128xf32, #tpu.memory_space<vmem>>
        tpu.enqueue_dma source(%dma_start3A_195 : memref<16x128xf32, #tpu.memory_space<vmem>>) target(%dma_start3A_192 : memref<16x128xf32, #tpu.memory_space<vmem_shared>>) target_semaphore(%run_scoped3A_183 : memref<!tpu.dma_semaphore, #tpu.memory_space<semaphore_mem>>)
        %dma_wait3A_196 = arith.constant 0 : i32
        %dma_wait3A_197 = arith.constant 0 : i32
        %dma_wait3A_198 = tpu.memref_slice %arg20[%dma_wait3A_196, %dma_wait3A_197] : memref<64x128xf32, #tpu.memory_space<vmem>> -> memref<16x128xf32, #tpu.memory_space<vmem>>
        %dma_wait3A_199 = arith.constant 9984 : i32
        %dma_wait3A_200 = arith.constant 0 : i32
        %dma_wait3A_201 = tpu.memref_slice %arg24[%dma_wait3A_199, %dma_wait3A_200] : memref<10000x128xf32, #tpu.memory_space<vmem_shared>> -> memref<16x128xf32, #tpu.memory_space<vmem_shared>>
        %dma_wait3A_202 = arith.constant 9984 : i32
        %dma_wait3A_203 = arith.constant 0 : i32
        %dma_wait3A_204 = tpu.memref_slice %arg24[%dma_wait3A_202, %dma_wait3A_203] : memref<10000x128xf32, #tpu.memory_space<vmem_shared>> -> memref<16x128xf32, #tpu.memory_space<vmem_shared>>
        %dma_wait3A_205 = arith.constant 0 : i32
        %dma_wait3A_206 = arith.constant 0 : i32
        %dma_wait3A_207 = tpu.memref_slice %arg20[%dma_wait3A_205, %dma_wait3A_206] : memref<64x128xf32, #tpu.memory_space<vmem>> -> memref<16x128xf32, #tpu.memory_space<vmem>>
        tpu.wait_dma2 semaphore(%run_scoped3A_183 : memref<!tpu.dma_semaphore, #tpu.memory_space<semaphore_mem>>) src(%dma_wait3A_207 : memref<16x128xf32, #tpu.memory_space<vmem>>) dst(%dma_wait3A_204 : memref<16x128xf32, #tpu.memory_space<vmem_shared>>)
        tpu.yield
      }) : () -> ()
    } else {
    }
    %scan3A_18 = arith.constant 0 : i32
    %scan3A_19 = arith.constant 0 : i32
    %scan3A_20 = arith.constant 40 : i32
    %scan3A_21 = arith.addi %scan3A_19, %scan3A_20 : i32
    %scan3A_22 = arith.constant 1 : i32
    scf.for %scan3A_183 = %scan3A_19 to %scan3A_21 step %scan3A_22  : i32 {
      %broadcast_in_dim3A = arith.constant 0.000000e+00 : f32
      %broadcast_in_dim3A_184 = vector.broadcast %broadcast_in_dim3A : f32 to vector<16xf32>
      %mul3A_185 = arith.constant 16 : i32
      %mul3A_186 = arith.muli %scan3A_183, %mul3A_185 : i32
      %swap3A_187 = arith.index_cast %mul3A_186 : i32 to index
      %swap3A_188 = tpu.vector_load %arg9[%swap3A_187] {strides = array<i32>} : memref<10000xf32, #tpu.memory_space<vmem>>, vector<16xf32>,
      tpu.vector_store %arg9[%swap3A_187], %broadcast_in_dim3A_184 {strides = array<i32>} : memref<10000xf32, #tpu.memory_space<vmem>>, vector<16xf32>,
    }
    %scan3A_23 = arith.constant 40 : i32
    %mul3A_24 = arith.constant 624 : i32
    %mul3A_25 = arith.muli %arg1, %mul3A_24 : i32
    "tpu.region"() ({
      %run_scoped3A_183 = tpu.sem_alloc : memref<!tpu.dma_semaphore, #tpu.memory_space<semaphore_mem>>
      %dma_start3A_184 = arith.constant 0 : i32
      %dma_start3A_185 = tpu.memref_slice %arg9[%dma_start3A_184] : memref<10000xf32, #tpu.memory_space<vmem>> -> memref<624xf32, #tpu.memory_space<vmem>>
      %dma_start3A_186 = tpu.memref_slice %arg25[%mul3A_25] : memref<10000xf32, #tpu.memory_space<vmem_shared>> -> memref<624xf32, #tpu.memory_space<vmem_shared>>
      %dma_start3A_187 = tpu.memref_slice %arg25[%mul3A_25] : memref<10000xf32, #tpu.memory_space<vmem_shared>> -> memref<624xf32, #tpu.memory_space<vmem_shared>>
      %dma_start3A_188 = arith.constant 0 : i32
      %dma_start3A_189 = tpu.memref_slice %arg9[%dma_start3A_188] : memref<10000xf32, #tpu.memory_space<vmem>> -> memref<624xf32, #tpu.memory_space<vmem>>
      tpu.enqueue_dma source(%dma_start3A_189 : memref<624xf32, #tpu.memory_space<vmem>>) target(%dma_start3A_187 : memref<624xf32, #tpu.memory_space<vmem_shared>>) target_semaphore(%run_scoped3A_183 : memref<!tpu.dma_semaphore, #tpu.memory_space<semaphore_mem>>)
      %dma_wait3A_190 = arith.constant 0 : i32
      %dma_wait3A_191 = tpu.memref_slice %arg9[%dma_wait3A_190] : memref<10000xf32, #tpu.memory_space<vmem>> -> memref<624xf32, #tpu.memory_space<vmem>>
      %dma_wait3A_192 = tpu.memref_slice %arg25[%mul3A_25] : memref<10000xf32, #tpu.memory_space<vmem_shared>> -> memref<624xf32, #tpu.memory_space<vmem_shared>>
      %dma_wait3A_193 = tpu.memref_slice %arg25[%mul3A_25] : memref<10000xf32, #tpu.memory_space<vmem_shared>> -> memref<624xf32, #tpu.memory_space<vmem_shared>>
      %dma_wait3A_194 = arith.constant 0 : i32
      %dma_wait3A_195 = tpu.memref_slice %arg9[%dma_wait3A_194] : memref<10000xf32, #tpu.memory_space<vmem>> -> memref<624xf32, #tpu.memory_space<vmem>>
      tpu.wait_dma2 semaphore(%run_scoped3A_183 : memref<!tpu.dma_semaphore, #tpu.memory_space<semaphore_mem>>) src(%dma_wait3A_195 : memref<624xf32, #tpu.memory_space<vmem>>) dst(%dma_wait3A_193 : memref<624xf32, #tpu.memory_space<vmem_shared>>)
      tpu.yield
    }) : () -> ()
    %eq3A_26 = arith.constant 15 : i32
    %eq3A_27 = arith.cmpi eq, %arg1, %eq3A_26 : i32
    %convert_element_type3A_28 = arith.extui %eq3A_27 : i1 to i32
    %cond3A_29 = arith.constant 0 : i32
    %cond3A_30 = arith.cmpi ne, %convert_element_type3A_28, %cond3A_29 : i32
    scf.if %cond3A_30 {
      "tpu.region"() ({
        %run_scoped3A_183 = tpu.sem_alloc : memref<!tpu.dma_semaphore, #tpu.memory_space<semaphore_mem>>
        %dma_start3A_184 = arith.constant 624 : i32
        %dma_start3A_185 = tpu.memref_slice %arg9[%dma_start3A_184] : memref<10000xf32, #tpu.memory_space<vmem>> -> memref<16xf32, #tpu.memory_space<vmem>>
        %dma_start3A_186 = arith.constant 9984 : i32
        %dma_start3A_187 = tpu.memref_slice %arg25[%dma_start3A_186] : memref<10000xf32, #tpu.memory_space<vmem_shared>> -> memref<16xf32, #tpu.memory_space<vmem_shared>>
        %dma_start3A_188 = arith.constant 9984 : i32
        %dma_start3A_189 = tpu.memref_slice %arg25[%dma_start3A_188] : memref<10000xf32, #tpu.memory_space<vmem_shared>> -> memref<16xf32, #tpu.memory_space<vmem_shared>>
        %dma_start3A_190 = arith.constant 624 : i32
        %dma_start3A_191 = tpu.memref_slice %arg9[%dma_start3A_190] : memref<10000xf32, #tpu.memory_space<vmem>> -> memref<16xf32, #tpu.memory_space<vmem>>
        tpu.enqueue_dma source(%dma_start3A_191 : memref<16xf32, #tpu.memory_space<vmem>>) target(%dma_start3A_189 : memref<16xf32, #tpu.memory_space<vmem_shared>>) target_semaphore(%run_scoped3A_183 : memref<!tpu.dma_semaphore, #tpu.memory_space<semaphore_mem>>)
        %dma_wait3A_192 = arith.constant 624 : i32
        %dma_wait3A_193 = tpu.memref_slice %arg9[%dma_wait3A_192] : memref<10000xf32, #tpu.memory_space<vmem>> -> memref<16xf32, #tpu.memory_space<vmem>>
        %dma_wait3A_194 = arith.constant 9984 : i32
        %dma_wait3A_195 = tpu.memref_slice %arg25[%dma_wait3A_194] : memref<10000xf32, #tpu.memory_space<vmem_shared>> -> memref<16xf32, #tpu.memory_space<vmem_shared>>
        %dma_wait3A_196 = arith.constant 9984 : i32
        %dma_wait3A_197 = tpu.memref_slice %arg25[%dma_wait3A_196] : memref<10000xf32, #tpu.memory_space<vmem_shared>> -> memref<16xf32, #tpu.memory_space<vmem_shared>>
        %dma_wait3A_198 = arith.constant 624 : i32
        %dma_wait3A_199 = tpu.memref_slice %arg9[%dma_wait3A_198] : memref<10000xf32, #tpu.memory_space<vmem>> -> memref<16xf32, #tpu.memory_space<vmem>>
        tpu.wait_dma2 semaphore(%run_scoped3A_183 : memref<!tpu.dma_semaphore, #tpu.memory_space<semaphore_mem>>) src(%dma_wait3A_199 : memref<16xf32, #tpu.memory_space<vmem>>) dst(%dma_wait3A_197 : memref<16xf32, #tpu.memory_space<vmem_shared>>)
        tpu.yield
      }) : () -> ()
    } else {
    }
    "tpu.region"() ({
      %run_scoped3A_183 = tpu.sem_alloc : memref<!tpu.dma_semaphore, #tpu.memory_space<semaphore_mem>>
      tpu.enqueue_dma source(%arg5 : memref<10000xf32, #tpu.memory_space<hbm>>) target(%arg9 : memref<10000xf32, #tpu.memory_space<vmem>>) target_semaphore(%run_scoped3A_183 : memref<!tpu.dma_semaphore, #tpu.memory_space<semaphore_mem>>)
      tpu.wait_dma2 semaphore(%run_scoped3A_183 : memref<!tpu.dma_semaphore, #tpu.memory_space<semaphore_mem>>) src(%arg5 : memref<10000xf32, #tpu.memory_space<hbm>>) dst(%arg9 : memref<10000xf32, #tpu.memory_space<vmem>>)
      tpu.yield
    }) : () -> ()
    "tpu.region"() ({
      %run_scoped3A_183 = tpu.sem_alloc : memref<!tpu.dma_semaphore, #tpu.memory_space<semaphore_mem>>
      tpu.enqueue_dma source(%arg6 : memref<10000xf32, #tpu.memory_space<hbm>>) target(%arg10 : memref<10000xf32, #tpu.memory_space<vmem>>) target_semaphore(%run_scoped3A_183 : memref<!tpu.dma_semaphore, #tpu.memory_space<semaphore_mem>>)
      tpu.wait_dma2 semaphore(%run_scoped3A_183 : memref<!tpu.dma_semaphore, #tpu.memory_space<semaphore_mem>>) src(%arg6 : memref<10000xf32, #tpu.memory_space<hbm>>) dst(%arg10 : memref<10000xf32, #tpu.memory_space<vmem>>)
      tpu.yield
    }) : () -> ()
    %barrier3A = arith.constant 0 : index
    tpu.barrier barrier_id(%barrier3A)
    %mul3A_31 = arith.constant 10000 : i32
    %mul3A_32 = arith.muli %add3A, %mul3A_31 : i32
    %rem3A = arith.constant 0 : i32
    %rem3A_33 = arith.constant 156 : i32
    %rem3A_34 = arith.remsi %rem3A, %rem3A_33 : i32
    %mul3A_35 = arith.constant 64 : i32
    %mul3A_36 = arith.muli %rem3A_34, %mul3A_35 : i32
    %add3A_37 = arith.addi %mul3A_32, %mul3A_36 : i32
    %dma_start3A = tpu.memref_slice %arg4[%add3A_37] : memref<320000xi32, #tpu.memory_space<hbm>> -> memref<64xi32, #tpu.memory_space<hbm>>
    %dma_start3A_38 = tpu.memref_slice %arg4[%add3A_37] : memref<320000xi32, #tpu.memory_space<hbm>> -> memref<64xi32, #tpu.memory_space<hbm>>
    tpu.enqueue_dma source(%dma_start3A_38 : memref<64xi32, #tpu.memory_space<hbm>>) target(%arg14 : memref<64xi32, #tpu.memory_space<vmem>>) target_semaphore(%arg32 : memref<!tpu.dma_semaphore, #tpu.memory_space<semaphore_mem>>)
    %add3A_39 = arith.addi %mul3A_32, %mul3A_36 : i32
    %dma_start3A_40 = arith.constant 0 : i32
    %dma_start3A_41 = arith.constant 0 : i32
    %dma_start3A_42 = tpu.memref_slice %arg11[%dma_start3A_40, %dma_start3A_41] : memref<1x64xi32, #tpu.memory_space<vmem>> -> memref<1x64xi32, #tpu.memory_space<vmem>>
    %dma_start3A_43 = tpu.memref_squeeze %dma_start3A_42 : memref<1x64xi32, #tpu.memory_space<vmem>> -> memref<64xi32, #tpu.memory_space<vmem>>
    %dma_start3A_44 = tpu.memref_slice %arg3[%add3A_39] : memref<320000xi32, #tpu.memory_space<hbm>> -> memref<64xi32, #tpu.memory_space<hbm>>
    %dma_start3A_45 = arith.constant 0 : i32
    %dma_start3A_46 = tpu.memref_slice %arg11[%dma_start3A_40, %dma_start3A_45] : memref<1x64xi32, #tpu.memory_space<vmem>> -> memref<1x64xi32, #tpu.memory_space<vmem>>
    %dma_start3A_47 = tpu.memref_squeeze %dma_start3A_46 : memref<1x64xi32, #tpu.memory_space<vmem>> -> memref<64xi32, #tpu.memory_space<vmem>>
    %dma_start3A_48 = tpu.memref_slice %arg3[%add3A_39] : memref<320000xi32, #tpu.memory_space<hbm>> -> memref<64xi32, #tpu.memory_space<hbm>>
    tpu.enqueue_dma source(%dma_start3A_48 : memref<64xi32, #tpu.memory_space<hbm>>) target(%dma_start3A_47 : memref<64xi32, #tpu.memory_space<vmem>>) target_semaphore(%arg32 : memref<!tpu.dma_semaphore, #tpu.memory_space<semaphore_mem>>)
    %dma_wait3A = tpu.memref_slice %arg4[%mul3A_32] : memref<320000xi32, #tpu.memory_space<hbm>> -> memref<64xi32, #tpu.memory_space<hbm>>
    %dma_wait3A_49 = tpu.memref_slice %arg4[%mul3A_32] : memref<320000xi32, #tpu.memory_space<hbm>> -> memref<64xi32, #tpu.memory_space<hbm>>
    tpu.wait_dma2 semaphore(%arg32 : memref<!tpu.dma_semaphore, #tpu.memory_space<semaphore_mem>>) src(%dma_wait3A_49 : memref<64xi32, #tpu.memory_space<hbm>>) dst(%arg14 : memref<64xi32, #tpu.memory_space<vmem>>)
    %dma_wait3A_50 = arith.constant 0 : i32
    %dma_wait3A_51 = arith.constant 0 : i32
    %dma_wait3A_52 = tpu.memref_slice %arg11[%dma_wait3A_50, %dma_wait3A_51] : memref<1x64xi32, #tpu.memory_space<vmem>> -> memref<1x64xi32, #tpu.memory_space<vmem>>
    %dma_wait3A_53 = tpu.memref_squeeze %dma_wait3A_52 : memref<1x64xi32, #tpu.memory_space<vmem>> -> memref<64xi32, #tpu.memory_space<vmem>>
    %dma_wait3A_54 = tpu.memref_slice %arg3[%mul3A_32] : memref<320000xi32, #tpu.memory_space<hbm>> -> memref<64xi32, #tpu.memory_space<hbm>>
    %dma_wait3A_55 = arith.constant 0 : i32
    %dma_wait3A_56 = tpu.memref_slice %arg11[%dma_wait3A_50, %dma_wait3A_55] : memref<1x64xi32, #tpu.memory_space<vmem>> -> memref<1x64xi32, #tpu.memory_space<vmem>>
    %dma_wait3A_57 = tpu.memref_squeeze %dma_wait3A_56 : memref<1x64xi32, #tpu.memory_space<vmem>> -> memref<64xi32, #tpu.memory_space<vmem>>
    %dma_wait3A_58 = tpu.memref_slice %arg3[%mul3A_32] : memref<320000xi32, #tpu.memory_space<hbm>> -> memref<64xi32, #tpu.memory_space<hbm>>
    tpu.wait_dma2 semaphore(%arg32 : memref<!tpu.dma_semaphore, #tpu.memory_space<semaphore_mem>>) src(%dma_wait3A_58 : memref<64xi32, #tpu.memory_space<hbm>>) dst(%dma_wait3A_57 : memref<64xi32, #tpu.memory_space<vmem>>)
    %rem3A_59 = arith.constant 1 : i32
    %rem3A_60 = arith.constant 156 : i32
    %rem3A_61 = arith.remsi %rem3A_59, %rem3A_60 : i32
    %mul3A_62 = arith.constant 64 : i32
    %mul3A_63 = arith.muli %rem3A_61, %mul3A_62 : i32
    %add3A_64 = arith.addi %mul3A_32, %mul3A_63 : i32
    %dma_start3A_65 = tpu.memref_slice %arg4[%add3A_64] : memref<320000xi32, #tpu.memory_space<hbm>> -> memref<64xi32, #tpu.memory_space<hbm>>
    %dma_start3A_66 = tpu.memref_slice %arg4[%add3A_64] : memref<320000xi32, #tpu.memory_space<hbm>> -> memref<64xi32, #tpu.memory_space<hbm>>
    tpu.enqueue_dma source(%dma_start3A_66 : memref<64xi32, #tpu.memory_space<hbm>>) target(%arg15 : memref<64xi32, #tpu.memory_space<vmem>>) target_semaphore(%arg33 : memref<!tpu.dma_semaphore, #tpu.memory_space<semaphore_mem>>)
    %add3A_67 = arith.addi %mul3A_32, %mul3A_63 : i32
    %dma_start3A_68 = arith.constant 0 : i32
    %dma_start3A_69 = arith.constant 0 : i32
    %dma_start3A_70 = tpu.memref_slice %arg12[%dma_start3A_68, %dma_start3A_69] : memref<1x64xi32, #tpu.memory_space<vmem>> -> memref<1x64xi32, #tpu.memory_space<vmem>>
    %dma_start3A_71 = tpu.memref_squeeze %dma_start3A_70 : memref<1x64xi32, #tpu.memory_space<vmem>> -> memref<64xi32, #tpu.memory_space<vmem>>
    %dma_start3A_72 = tpu.memref_slice %arg3[%add3A_67] : memref<320000xi32, #tpu.memory_space<hbm>> -> memref<64xi32, #tpu.memory_space<hbm>>
    %dma_start3A_73 = arith.constant 0 : i32
    %dma_start3A_74 = tpu.memref_slice %arg12[%dma_start3A_68, %dma_start3A_73] : memref<1x64xi32, #tpu.memory_space<vmem>> -> memref<1x64xi32, #tpu.memory_space<vmem>>
    %dma_start3A_75 = tpu.memref_squeeze %dma_start3A_74 : memref<1x64xi32, #tpu.memory_space<vmem>> -> memref<64xi32, #tpu.memory_space<vmem>>
    %dma_start3A_76 = tpu.memref_slice %arg3[%add3A_67] : memref<320000xi32, #tpu.memory_space<hbm>> -> memref<64xi32, #tpu.memory_space<hbm>>
    tpu.enqueue_dma source(%dma_start3A_76 : memref<64xi32, #tpu.memory_space<hbm>>) target(%dma_start3A_75 : memref<64xi32, #tpu.memory_space<vmem>>) target_semaphore(%arg33 : memref<!tpu.dma_semaphore, #tpu.memory_space<semaphore_mem>>)
    %dma_start3A_77 = arith.constant 0 : i32
    %dma_start3A_78 = arith.constant 0 : i32
    %dma_start3A_79 = tpu.memref_slice %arg2[%dma_start3A_77, %dma_start3A_78] : memref<10000x128xf32, #tpu.memory_space<hbm>> -> memref<10000x128xf32, #tpu.memory_space<hbm>>
    tpu.enqueue_indirect_dma source(%dma_start3A_79 : memref<10000x128xf32, #tpu.memory_space<hbm>>) target(%arg20 : memref<64x128xf32, #tpu.memory_space<vmem>>) offsets(%arg14 : memref<64xi32, #tpu.memory_space<vmem>>) semaphore(%arg26 : memref<!tpu.dma_semaphore, #tpu.memory_space<semaphore_mem>>)
    %scan3A_80 = arith.constant 0 : i32
    %scan3A_81 = arith.constant 0 : i32
    %scan3A_82 = arith.constant 52 : i32
    %scan3A_83 = arith.addi %scan3A_81, %scan3A_82 : i32
    %scan3A_84 = arith.constant 1 : i32
    scf.for %scan3A_183 = %scan3A_81 to %scan3A_83 step %scan3A_84  : i32 {
      %mul3A_184 = arith.constant 3 : i32
      %mul3A_185 = arith.muli %mul3A_184, %scan3A_183 : i32
      %add3A_186 = arith.constant 0 : i32
      %add3A_187 = arith.addi %mul3A_185, %add3A_186 : i32
      %gt3A_188 = arith.constant 0 : i32
      %gt3A_189 = arith.cmpi sgt, %scan3A_183, %gt3A_188 : i32
      %convert_element_type3A_190 = arith.extui %gt3A_189 : i1 to i32
      %cond3A_191 = arith.constant 0 : i32
      %cond3A_192 = arith.cmpi ne, %convert_element_type3A_190, %cond3A_191 : i32
      scf.if %cond3A_192 {
        %dma_wait3A_642 = tpu.memref_slice %arg4[%mul3A_32] : memref<320000xi32, #tpu.memory_space<hbm>> -> memref<64xi32, #tpu.memory_space<hbm>>
        %dma_wait3A_643 = tpu.memref_slice %arg4[%mul3A_32] : memref<320000xi32, #tpu.memory_space<hbm>> -> memref<64xi32, #tpu.memory_space<hbm>>
        tpu.wait_dma2 semaphore(%arg33 : memref<!tpu.dma_semaphore, #tpu.memory_space<semaphore_mem>>) src(%dma_wait3A_643 : memref<64xi32, #tpu.memory_space<hbm>>) dst(%arg15 : memref<64xi32, #tpu.memory_space<vmem>>)
        %dma_wait3A_644 = arith.constant 0 : i32
        %dma_wait3A_645 = arith.constant 0 : i32
        %dma_wait3A_646 = tpu.memref_slice %arg12[%dma_wait3A_644, %dma_wait3A_645] : memref<1x64xi32, #tpu.memory_space<vmem>> -> memref<1x64xi32, #tpu.memory_space<vmem>>
        %dma_wait3A_647 = tpu.memref_squeeze %dma_wait3A_646 : memref<1x64xi32, #tpu.memory_space<vmem>> -> memref<64xi32, #tpu.memory_space<vmem>>
        %dma_wait3A_648 = tpu.memref_slice %arg3[%mul3A_32] : memref<320000xi32, #tpu.memory_space<hbm>> -> memref<64xi32, #tpu.memory_space<hbm>>
        %dma_wait3A_649 = arith.constant 0 : i32
        %dma_wait3A_650 = tpu.memref_slice %arg12[%dma_wait3A_644, %dma_wait3A_649] : memref<1x64xi32, #tpu.memory_space<vmem>> -> memref<1x64xi32, #tpu.memory_space<vmem>>
        %dma_wait3A_651 = tpu.memref_squeeze %dma_wait3A_650 : memref<1x64xi32, #tpu.memory_space<vmem>> -> memref<64xi32, #tpu.memory_space<vmem>>
        %dma_wait3A_652 = tpu.memref_slice %arg3[%mul3A_32] : memref<320000xi32, #tpu.memory_space<hbm>> -> memref<64xi32, #tpu.memory_space<hbm>>
        tpu.wait_dma2 semaphore(%arg33 : memref<!tpu.dma_semaphore, #tpu.memory_space<semaphore_mem>>) src(%dma_wait3A_652 : memref<64xi32, #tpu.memory_space<hbm>>) dst(%dma_wait3A_651 : memref<64xi32, #tpu.memory_space<vmem>>)
        %dma_wait3A_653 = arith.constant 1 : i32
        %dma_wait3A_654 = arith.constant 0 : i32
        %dma_wait3A_655 = tpu.memref_slice %arg23[%dma_wait3A_653, %dma_wait3A_654] : memref<3x64xi32, #tpu.memory_space<vmem>> -> memref<1x64xi32, #tpu.memory_space<vmem>>
        %dma_wait3A_656 = tpu.memref_squeeze %dma_wait3A_655 : memref<1x64xi32, #tpu.memory_space<vmem>> -> memref<64xi32, #tpu.memory_space<vmem>>
        %dma_wait3A_657 = arith.constant 0 : i32
        %dma_wait3A_658 = arith.constant 0 : i32
        %dma_wait3A_659 = tpu.memref_slice %arg24[%dma_wait3A_657, %dma_wait3A_658] : memref<10000x128xf32, #tpu.memory_space<vmem_shared>> -> memref<10000x128xf32, #tpu.memory_space<vmem_shared>>
        tpu.wait_indirect_dma semaphore(%arg30 : memref<!tpu.dma_semaphore, #tpu.memory_space<semaphore_mem>>) src(%arg21 : memref<64x128xf32, #tpu.memory_space<vmem>>) dst(%dma_wait3A_659 : memref<10000x128xf32, #tpu.memory_space<vmem_shared>>)
        %dma_start3A_660 = arith.constant 0 : i32
        %dma_start3A_661 = arith.constant 0 : i32
        %dma_start3A_662 = tpu.memref_slice %arg2[%dma_start3A_660, %dma_start3A_661] : memref<10000x128xf32, #tpu.memory_space<hbm>> -> memref<10000x128xf32, #tpu.memory_space<hbm>>
        tpu.enqueue_indirect_dma source(%dma_start3A_662 : memref<10000x128xf32, #tpu.memory_space<hbm>>) target(%arg21 : memref<64x128xf32, #tpu.memory_space<vmem>>) offsets(%arg15 : memref<64xi32, #tpu.memory_space<vmem>>) semaphore(%arg27 : memref<!tpu.dma_semaphore, #tpu.memory_space<semaphore_mem>>)
      } else {
      }
      %eq3A_193 = arith.constant 0 : i32
      %eq3A_194 = arith.cmpi eq, %scan3A_183, %eq3A_193 : i32
      %convert_element_type3A_195 = arith.extui %eq3A_194 : i1 to i32
      %cond3A_196 = arith.constant 0 : i32
      %cond3A_197 = arith.cmpi ne, %convert_element_type3A_195, %cond3A_196 : i32
      scf.if %cond3A_197 {
        %dma_wait3A_642 = tpu.memref_slice %arg4[%mul3A_32] : memref<320000xi32, #tpu.memory_space<hbm>> -> memref<64xi32, #tpu.memory_space<hbm>>
        %dma_wait3A_643 = tpu.memref_slice %arg4[%mul3A_32] : memref<320000xi32, #tpu.memory_space<hbm>> -> memref<64xi32, #tpu.memory_space<hbm>>
        tpu.wait_dma2 semaphore(%arg33 : memref<!tpu.dma_semaphore, #tpu.memory_space<semaphore_mem>>) src(%dma_wait3A_643 : memref<64xi32, #tpu.memory_space<hbm>>) dst(%arg15 : memref<64xi32, #tpu.memory_space<vmem>>)
        %dma_wait3A_644 = arith.constant 0 : i32
        %dma_wait3A_645 = arith.constant 0 : i32
        %dma_wait3A_646 = tpu.memref_slice %arg12[%dma_wait3A_644, %dma_wait3A_645] : memref<1x64xi32, #tpu.memory_space<vmem>> -> memref<1x64xi32, #tpu.memory_space<vmem>>
        %dma_wait3A_647 = tpu.memref_squeeze %dma_wait3A_646 : memref<1x64xi32, #tpu.memory_space<vmem>> -> memref<64xi32, #tpu.memory_space<vmem>>
        %dma_wait3A_648 = tpu.memref_slice %arg3[%mul3A_32] : memref<320000xi32, #tpu.memory_space<hbm>> -> memref<64xi32, #tpu.memory_space<hbm>>
        %dma_wait3A_649 = arith.constant 0 : i32
        %dma_wait3A_650 = tpu.memref_slice %arg12[%dma_wait3A_644, %dma_wait3A_649] : memref<1x64xi32, #tpu.memory_space<vmem>> -> memref<1x64xi32, #tpu.memory_space<vmem>>
        %dma_wait3A_651 = tpu.memref_squeeze %dma_wait3A_650 : memref<1x64xi32, #tpu.memory_space<vmem>> -> memref<64xi32, #tpu.memory_space<vmem>>
        %dma_wait3A_652 = tpu.memref_slice %arg3[%mul3A_32] : memref<320000xi32, #tpu.memory_space<hbm>> -> memref<64xi32, #tpu.memory_space<hbm>>
        tpu.wait_dma2 semaphore(%arg33 : memref<!tpu.dma_semaphore, #tpu.memory_space<semaphore_mem>>) src(%dma_wait3A_652 : memref<64xi32, #tpu.memory_space<hbm>>) dst(%dma_wait3A_651 : memref<64xi32, #tpu.memory_space<vmem>>)
        %dma_start3A_653 = arith.constant 0 : i32
        %dma_start3A_654 = arith.constant 0 : i32
        %dma_start3A_655 = tpu.memref_slice %arg2[%dma_start3A_653, %dma_start3A_654] : memref<10000x128xf32, #tpu.memory_space<hbm>> -> memref<10000x128xf32, #tpu.memory_space<hbm>>
        tpu.enqueue_indirect_dma source(%dma_start3A_655 : memref<10000x128xf32, #tpu.memory_space<hbm>>) target(%arg21 : memref<64x128xf32, #tpu.memory_space<vmem>>) offsets(%arg15 : memref<64xi32, #tpu.memory_space<vmem>>) semaphore(%arg27 : memref<!tpu.dma_semaphore, #tpu.memory_space<semaphore_mem>>)
      } else {
      }
      %dma_wait3A_198 = arith.constant 0 : i32
      %dma_wait3A_199 = arith.constant 0 : i32
      %dma_wait3A_200 = tpu.memref_slice %arg2[%dma_wait3A_198, %dma_wait3A_199] : memref<10000x128xf32, #tpu.memory_space<hbm>> -> memref<10000x128xf32, #tpu.memory_space<hbm>>
      tpu.wait_indirect_dma semaphore(%arg26 : memref<!tpu.dma_semaphore, #tpu.memory_space<semaphore_mem>>) src(%dma_wait3A_200 : memref<10000x128xf32, #tpu.memory_space<hbm>>) dst(%arg20 : memref<64x128xf32, #tpu.memory_space<vmem>>)
      %get3A_201 = arith.constant 0 : i32
      %get3A_202 = arith.index_cast %get3A_201 : i32 to index
      %get3A_203 = arith.constant 0 : index
      %get3A_204 = tpu.vector_load %arg11[%get3A_202, %get3A_203] {strides = array<i32>} : memref<1x64xi32, #tpu.memory_space<vmem>>, vector<16xi32>,
      %get3A_205 = arith.constant 0 : index
      %get3A_206 = tpu.vector_load %arg14[%get3A_205] {strides = array<i32>} : memref<64xi32, #tpu.memory_space<vmem>>, vector<16xi32>,
      %gather3A_207 = tpu.vector_load_idx %arg9[%get3A_204] : memref<10000xf32, #tpu.memory_space<vmem>>[vector<16xi32>], vector<16xf32>,
      %gather3A_208 = tpu.vector_load_idx %arg10[%get3A_206] : memref<10000xf32, #tpu.memory_space<vmem>>[vector<16xi32>], vector<16xf32>,
      %add3A_209 = arith.addf %gather3A_207, %gather3A_208 : vector<16xf32>
      %gt3A_210 = arith.constant 0.000000e+00 : f32
      %gt3A_211 = vector.broadcast %gt3A_210 : f32 to vector<16xf32>
      %gt3A_212 = arith.cmpf ogt, %add3A_209, %gt3A_211 : vector<16xf32>
      %mul3A_213 = arith.constant 2.000000e-01 : f32
      %mul3A_214 = vector.broadcast %mul3A_213 : f32 to vector<16xf32>
      %mul3A_215 = arith.mulf %mul3A_214, %add3A_209 : vector<16xf32>
      %select_n3A_216 = arith.select %gt3A_212, %add3A_209, %mul3A_215 : vector<16xi1>, vector<16xf32>
      %exp3A_217 = math.exp %select_n3A_216 : vector<16xf32>
      %swap3A_218 = arith.constant 0 : index
      %swap3A_219 = tpu.vector_load %arg17[%swap3A_218] {strides = array<i32>} : memref<64xf32, #tpu.memory_space<vmem>>, vector<16xf32>,
      tpu.vector_store %arg17[%swap3A_218], %exp3A_217 {strides = array<i32>} : memref<64xf32, #tpu.memory_space<vmem>>, vector<16xf32>,
      %get3A_220 = arith.constant 0 : i32
      %get3A_221 = arith.index_cast %get3A_220 : i32 to index
      %get3A_222 = arith.constant 16 : index
      %get3A_223 = tpu.vector_load %arg11[%get3A_221, %get3A_222] {strides = array<i32>} : memref<1x64xi32, #tpu.memory_space<vmem>>, vector<16xi32>,
      %get3A_224 = arith.constant 16 : index
      %get3A_225 = tpu.vector_load %arg14[%get3A_224] {strides = array<i32>} : memref<64xi32, #tpu.memory_space<vmem>>, vector<16xi32>,
      %gather3A_226 = tpu.vector_load_idx %arg9[%get3A_223] : memref<10000xf32, #tpu.memory_space<vmem>>[vector<16xi32>], vector<16xf32>,
      %gather3A_227 = tpu.vector_load_idx %arg10[%get3A_225] : memref<10000xf32, #tpu.memory_space<vmem>>[vector<16xi32>], vector<16xf32>,
      %add3A_228 = arith.addf %gather3A_226, %gather3A_227 : vector<16xf32>
      %gt3A_229 = arith.constant 0.000000e+00 : f32
      %gt3A_230 = vector.broadcast %gt3A_229 : f32 to vector<16xf32>
      %gt3A_231 = arith.cmpf ogt, %add3A_228, %gt3A_230 : vector<16xf32>
      %mul3A_232 = arith.constant 2.000000e-01 : f32
      %mul3A_233 = vector.broadcast %mul3A_232 : f32 to vector<16xf32>
      %mul3A_234 = arith.mulf %mul3A_233, %add3A_228 : vector<16xf32>
      %select_n3A_235 = arith.select %gt3A_231, %add3A_228, %mul3A_234 : vector<16xi1>, vector<16xf32>
      %exp3A_236 = math.exp %select_n3A_235 : vector<16xf32>
      %swap3A_237 = arith.constant 16 : index
      %swap3A_238 = tpu.vector_load %arg17[%swap3A_237] {strides = array<i32>} : memref<64xf32, #tpu.memory_space<vmem>>, vector<16xf32>,
      tpu.vector_store %arg17[%swap3A_237], %exp3A_236 {strides = array<i32>} : memref<64xf32, #tpu.memory_space<vmem>>, vector<16xf32>,
      %get3A_239 = arith.constant 0 : i32
      %get3A_240 = arith.index_cast %get3A_239 : i32 to index
      %get3A_241 = arith.constant 32 : index
      %get3A_242 = tpu.vector_load %arg11[%get3A_240, %get3A_241] {strides = array<i32>} : memref<1x64xi32, #tpu.memory_space<vmem>>, vector<16xi32>,
      %get3A_243 = arith.constant 32 : index
      %get3A_244 = tpu.vector_load %arg14[%get3A_243] {strides = array<i32>} : memref<64xi32, #tpu.memory_space<vmem>>, vector<16xi32>,
      %gather3A_245 = tpu.vector_load_idx %arg9[%get3A_242] : memref<10000xf32, #tpu.memory_space<vmem>>[vector<16xi32>], vector<16xf32>,
      %gather3A_246 = tpu.vector_load_idx %arg10[%get3A_244] : memref<10000xf32, #tpu.memory_space<vmem>>[vector<16xi32>], vector<16xf32>,
      %add3A_247 = arith.addf %gather3A_245, %gather3A_246 : vector<16xf32>
      %gt3A_248 = arith.constant 0.000000e+00 : f32
      %gt3A_249 = vector.broadcast %gt3A_248 : f32 to vector<16xf32>
      %gt3A_250 = arith.cmpf ogt, %add3A_247, %gt3A_249 : vector<16xf32>
      %mul3A_251 = arith.constant 2.000000e-01 : f32
      %mul3A_252 = vector.broadcast %mul3A_251 : f32 to vector<16xf32>
      %mul3A_253 = arith.mulf %mul3A_252, %add3A_247 : vector<16xf32>
      %select_n3A_254 = arith.select %gt3A_250, %add3A_247, %mul3A_253 : vector<16xi1>, vector<16xf32>
      %exp3A_255 = math.exp %select_n3A_254 : vector<16xf32>
      %swap3A_256 = arith.constant 32 : index
      %swap3A_257 = tpu.vector_load %arg17[%swap3A_256] {strides = array<i32>} : memref<64xf32, #tpu.memory_space<vmem>>, vector<16xf32>,
      tpu.vector_store %arg17[%swap3A_256], %exp3A_255 {strides = array<i32>} : memref<64xf32, #tpu.memory_space<vmem>>, vector<16xf32>,
      %get3A_258 = arith.constant 0 : i32
      %get3A_259 = arith.index_cast %get3A_258 : i32 to index
      %get3A_260 = arith.constant 48 : index
      %get3A_261 = tpu.vector_load %arg11[%get3A_259, %get3A_260] {strides = array<i32>} : memref<1x64xi32, #tpu.memory_space<vmem>>, vector<16xi32>,
      %get3A_262 = arith.constant 48 : index
      %get3A_263 = tpu.vector_load %arg14[%get3A_262] {strides = array<i32>} : memref<64xi32, #tpu.memory_space<vmem>>, vector<16xi32>,
      %gather3A_264 = tpu.vector_load_idx %arg9[%get3A_261] : memref<10000xf32, #tpu.memory_space<vmem>>[vector<16xi32>], vector<16xf32>,
      %gather3A_265 = tpu.vector_load_idx %arg10[%get3A_263] : memref<10000xf32, #tpu.memory_space<vmem>>[vector<16xi32>], vector<16xf32>,
      %add3A_266 = arith.addf %gather3A_264, %gather3A_265 : vector<16xf32>
      %gt3A_267 = arith.constant 0.000000e+00 : f32
      %gt3A_268 = vector.broadcast %gt3A_267 : f32 to vector<16xf32>
      %gt3A_269 = arith.cmpf ogt, %add3A_266, %gt3A_268 : vector<16xf32>
      %mul3A_270 = arith.constant 2.000000e-01 : f32
      %mul3A_271 = vector.broadcast %mul3A_270 : f32 to vector<16xf32>
      %mul3A_272 = arith.mulf %mul3A_271, %add3A_266 : vector<16xf32>
      %select_n3A_273 = arith.select %gt3A_269, %add3A_266, %mul3A_272 : vector<16xi1>, vector<16xf32>
      %exp3A_274 = math.exp %select_n3A_273 : vector<16xf32>
      %swap3A_275 = arith.constant 48 : index
      %swap3A_276 = tpu.vector_load %arg17[%swap3A_275] {strides = array<i32>} : memref<64xf32, #tpu.memory_space<vmem>>, vector<16xf32>,
      tpu.vector_store %arg17[%swap3A_275], %exp3A_274 {strides = array<i32>} : memref<64xf32, #tpu.memory_space<vmem>>, vector<16xf32>,
      %run_scoped3A_277 = arith.constant 0 : i32
      "tpu.region"() ({
        %run_scoped3A_642 = tpu.sem_alloc : memref<!tpu.dma_semaphore, #tpu.memory_space<semaphore_mem>>
        %dma_start3A_643 = arith.constant 0 : i32
        %dma_start3A_644 = tpu.memref_slice %arg11[%run_scoped3A_277, %dma_start3A_643] : memref<1x64xi32, #tpu.memory_space<vmem>> -> memref<1x64xi32, #tpu.memory_space<vmem>>
        %dma_start3A_645 = tpu.memref_squeeze %dma_start3A_644 : memref<1x64xi32, #tpu.memory_space<vmem>> -> memref<64xi32, #tpu.memory_space<vmem>>
        %dma_start3A_646 = arith.constant 0 : i32
        %dma_start3A_647 = tpu.memref_slice %arg25[%dma_start3A_646] : memref<10000xf32, #tpu.memory_space<vmem_shared>> -> memref<10000xf32, #tpu.memory_space<vmem_shared>>
        tpu.enqueue_indirect_dma source(%arg17 : memref<64xf32, #tpu.memory_space<vmem>>) target(%dma_start3A_647 : memref<10000xf32, #tpu.memory_space<vmem_shared>>) offsets(%dma_start3A_645 : memref<64xi32, #tpu.memory_space<vmem>>) semaphore(%run_scoped3A_642 : memref<!tpu.dma_semaphore, #tpu.memory_space<semaphore_mem>>) {add = true}
        %dma_wait3A_648 = arith.constant 0 : i32
        %dma_wait3A_649 = tpu.memref_slice %arg11[%run_scoped3A_277, %dma_wait3A_648] : memref<1x64xi32, #tpu.memory_space<vmem>> -> memref<1x64xi32, #tpu.memory_space<vmem>>
        %dma_wait3A_650 = tpu.memref_squeeze %dma_wait3A_649 : memref<1x64xi32, #tpu.memory_space<vmem>> -> memref<64xi32, #tpu.memory_space<vmem>>
        %dma_wait3A_651 = arith.constant 0 : i32
        %dma_wait3A_652 = tpu.memref_slice %arg25[%dma_wait3A_651] : memref<10000xf32, #tpu.memory_space<vmem_shared>> -> memref<10000xf32, #tpu.memory_space<vmem_shared>>
        tpu.wait_indirect_dma semaphore(%run_scoped3A_642 : memref<!tpu.dma_semaphore, #tpu.memory_space<semaphore_mem>>) src(%arg17 : memref<64xf32, #tpu.memory_space<vmem>>) dst(%dma_wait3A_652 : memref<10000xf32, #tpu.memory_space<vmem_shared>>)
        tpu.yield
      }) : () -> ()
      %get3A_278 = arith.constant 0 : i32
      %get3A_279 = arith.index_cast %get3A_278 : i32 to index
      %get3A_280 = arith.constant 0 : index
      %get3A_281 = tpu.vector_load %arg11[%get3A_279, %get3A_280] {strides = array<i32>} : memref<1x64xi32, #tpu.memory_space<vmem>>, vector<16xi32>,
      %swap3A_282 = arith.constant 0 : i32
      %swap3A_283 = arith.index_cast %swap3A_282 : i32 to index
      %swap3A_284 = arith.constant 0 : index
      %swap3A_285 = tpu.vector_load %arg23[%swap3A_283, %swap3A_284] {strides = array<i32>} : memref<3x64xi32, #tpu.memory_space<vmem>>, vector<16xi32>,
      tpu.vector_store %arg23[%swap3A_283, %swap3A_284], %get3A_281 {strides = array<i32>} : memref<3x64xi32, #tpu.memory_space<vmem>>, vector<16xi32>,
      %get3A_286 = arith.constant 0 : i32
      %get3A_287 = arith.index_cast %get3A_286 : i32 to index
      %get3A_288 = arith.constant 16 : index
      %get3A_289 = tpu.vector_load %arg11[%get3A_287, %get3A_288] {strides = array<i32>} : memref<1x64xi32, #tpu.memory_space<vmem>>, vector<16xi32>,
      %swap3A_290 = arith.constant 0 : i32
      %swap3A_291 = arith.index_cast %swap3A_290 : i32 to index
      %swap3A_292 = arith.constant 16 : index
      %swap3A_293 = tpu.vector_load %arg23[%swap3A_291, %swap3A_292] {strides = array<i32>} : memref<3x64xi32, #tpu.memory_space<vmem>>, vector<16xi32>,
      tpu.vector_store %arg23[%swap3A_291, %swap3A_292], %get3A_289 {strides = array<i32>} : memref<3x64xi32, #tpu.memory_space<vmem>>, vector<16xi32>,
      %get3A_294 = arith.constant 0 : i32
      %get3A_295 = arith.index_cast %get3A_294 : i32 to index
      %get3A_296 = arith.constant 32 : index
      %get3A_297 = tpu.vector_load %arg11[%get3A_295, %get3A_296] {strides = array<i32>} : memref<1x64xi32, #tpu.memory_space<vmem>>, vector<16xi32>,
      %swap3A_298 = arith.constant 0 : i32
      %swap3A_299 = arith.index_cast %swap3A_298 : i32 to index
      %swap3A_300 = arith.constant 32 : index
      %swap3A_301 = tpu.vector_load %arg23[%swap3A_299, %swap3A_300] {strides = array<i32>} : memref<3x64xi32, #tpu.memory_space<vmem>>, vector<16xi32>,
      tpu.vector_store %arg23[%swap3A_299, %swap3A_300], %get3A_297 {strides = array<i32>} : memref<3x64xi32, #tpu.memory_space<vmem>>, vector<16xi32>,
      %get3A_302 = arith.constant 0 : i32
      %get3A_303 = arith.index_cast %get3A_302 : i32 to index
      %get3A_304 = arith.constant 48 : index
      %get3A_305 = tpu.vector_load %arg11[%get3A_303, %get3A_304] {strides = array<i32>} : memref<1x64xi32, #tpu.memory_space<vmem>>, vector<16xi32>,
      %swap3A_306 = arith.constant 0 : i32
      %swap3A_307 = arith.index_cast %swap3A_306 : i32 to index
      %swap3A_308 = arith.constant 48 : index
      %swap3A_309 = tpu.vector_load %arg23[%swap3A_307, %swap3A_308] {strides = array<i32>} : memref<3x64xi32, #tpu.memory_space<vmem>>, vector<16xi32>,
      tpu.vector_store %arg23[%swap3A_307, %swap3A_308], %get3A_305 {strides = array<i32>} : memref<3x64xi32, #tpu.memory_space<vmem>>, vector<16xi32>,
      %add3A_310 = arith.constant 2 : i32
      %add3A_311 = arith.addi %add3A_187, %add3A_310 : i32
      %rem3A_312 = arith.constant 156 : i32
      %rem3A_313 = arith.remsi %add3A_311, %rem3A_312 : i32
      %mul3A_314 = arith.constant 64 : i32
      %mul3A_315 = arith.muli %rem3A_313, %mul3A_314 : i32
      %add3A_316 = arith.addi %mul3A_32, %mul3A_315 : i32
      %dma_start3A_317 = tpu.memref_slice %arg4[%add3A_316] : memref<320000xi32, #tpu.memory_space<hbm>> -> memref<64xi32, #tpu.memory_space<hbm>>
      %dma_start3A_318 = tpu.memref_slice %arg4[%add3A_316] : memref<320000xi32, #tpu.memory_space<hbm>> -> memref<64xi32, #tpu.memory_space<hbm>>
      tpu.enqueue_dma source(%dma_start3A_318 : memref<64xi32, #tpu.memory_space<hbm>>) target(%arg16 : memref<64xi32, #tpu.memory_space<vmem>>) target_semaphore(%arg34 : memref<!tpu.dma_semaphore, #tpu.memory_space<semaphore_mem>>)
      %add3A_319 = arith.addi %mul3A_32, %mul3A_315 : i32
      %dma_start3A_320 = arith.constant 0 : i32
      %dma_start3A_321 = arith.constant 0 : i32
      %dma_start3A_322 = tpu.memref_slice %arg13[%dma_start3A_320, %dma_start3A_321] : memref<1x64xi32, #tpu.memory_space<vmem>> -> memref<1x64xi32, #tpu.memory_space<vmem>>
      %dma_start3A_323 = tpu.memref_squeeze %dma_start3A_322 : memref<1x64xi32, #tpu.memory_space<vmem>> -> memref<64xi32, #tpu.memory_space<vmem>>
      %dma_start3A_324 = tpu.memref_slice %arg3[%add3A_319] : memref<320000xi32, #tpu.memory_space<hbm>> -> memref<64xi32, #tpu.memory_space<hbm>>
      %dma_start3A_325 = arith.constant 0 : i32
      %dma_start3A_326 = tpu.memref_slice %arg13[%dma_start3A_320, %dma_start3A_325] : memref<1x64xi32, #tpu.memory_space<vmem>> -> memref<1x64xi32, #tpu.memory_space<vmem>>
      %dma_start3A_327 = tpu.memref_squeeze %dma_start3A_326 : memref<1x64xi32, #tpu.memory_space<vmem>> -> memref<64xi32, #tpu.memory_space<vmem>>
      %dma_start3A_328 = tpu.memref_slice %arg3[%add3A_319] : memref<320000xi32, #tpu.memory_space<hbm>> -> memref<64xi32, #tpu.memory_space<hbm>>
      tpu.enqueue_dma source(%dma_start3A_328 : memref<64xi32, #tpu.memory_space<hbm>>) target(%dma_start3A_327 : memref<64xi32, #tpu.memory_space<vmem>>) target_semaphore(%arg34 : memref<!tpu.dma_semaphore, #tpu.memory_space<semaphore_mem>>)
      %parallel_loop3A = arith.constant 0 : i32
      %parallel_loop3A_329 = arith.constant 64 : i32
      %parallel_loop3A_330 = arith.constant 1 : i32
      scf.for %parallel_loop3A_642 = %parallel_loop3A to %parallel_loop3A_329 step %parallel_loop3A_330  : i32 {
        %parallel_loop3A_643 = arith.constant 0 : i32
        %parallel_loop3A_644 = vector.broadcast %parallel_loop3A_643 : i32 to vector<16xi32>
        %parallel_loop3A_645 = vector.broadcast %parallel_loop3A_642 : i32 to vector<16xi32>
        %parallel_loop3A_646 = arith.addi %parallel_loop3A_644, %parallel_loop3A_645 : vector<16xi32>
        %parallel_loop3A_647 = tpu.vector_load_idx %arg17[%parallel_loop3A_646] : memref<64xf32, #tpu.memory_space<vmem>>[vector<16xi32>], vector<16xf32>,
        %parallel_loop3A_648 = arith.index_cast %parallel_loop3A_642 : i32 to index
        %parallel_loop3A_649 = arith.constant 0 : index
        %parallel_loop3A_650 = tpu.vector_load %arg20[%parallel_loop3A_648, %parallel_loop3A_649] {strides = array<i32>} : memref<64x128xf32, #tpu.memory_space<vmem>>, vector<16xf32>,
        %parallel_loop3A_651 = arith.mulf %parallel_loop3A_650, %parallel_loop3A_647 : vector<16xf32>
        %parallel_loop3A_652 = arith.index_cast %parallel_loop3A_642 : i32 to index
        %parallel_loop3A_653 = arith.constant 0 : index
        %parallel_loop3A_654 = tpu.vector_load %arg20[%parallel_loop3A_652, %parallel_loop3A_653] {strides = array<i32>} : memref<64x128xf32, #tpu.memory_space<vmem>>, vector<16xf32>,
        tpu.vector_store %arg20[%parallel_loop3A_652, %parallel_loop3A_653], %parallel_loop3A_651 {strides = array<i32>} : memref<64x128xf32, #tpu.memory_space<vmem>>, vector<16xf32>,
        %parallel_loop3A_655 = arith.index_cast %parallel_loop3A_642 : i32 to index
        %parallel_loop3A_656 = arith.constant 16 : index
        %parallel_loop3A_657 = tpu.vector_load %arg20[%parallel_loop3A_655, %parallel_loop3A_656] {strides = array<i32>} : memref<64x128xf32, #tpu.memory_space<vmem>>, vector<16xf32>,
        %parallel_loop3A_658 = arith.mulf %parallel_loop3A_657, %parallel_loop3A_647 : vector<16xf32>
        %parallel_loop3A_659 = arith.index_cast %parallel_loop3A_642 : i32 to index
        %parallel_loop3A_660 = arith.constant 16 : index
        %parallel_loop3A_661 = tpu.vector_load %arg20[%parallel_loop3A_659, %parallel_loop3A_660] {strides = array<i32>} : memref<64x128xf32, #tpu.memory_space<vmem>>, vector<16xf32>,
        tpu.vector_store %arg20[%parallel_loop3A_659, %parallel_loop3A_660], %parallel_loop3A_658 {strides = array<i32>} : memref<64x128xf32, #tpu.memory_space<vmem>>, vector<16xf32>,
        %parallel_loop3A_662 = arith.index_cast %parallel_loop3A_642 : i32 to index
        %parallel_loop3A_663 = arith.constant 32 : index
        %parallel_loop3A_664 = tpu.vector_load %arg20[%parallel_loop3A_662, %parallel_loop3A_663] {strides = array<i32>} : memref<64x128xf32, #tpu.memory_space<vmem>>, vector<16xf32>,
        %parallel_loop3A_665 = arith.mulf %parallel_loop3A_664, %parallel_loop3A_647 : vector<16xf32>
        %parallel_loop3A_666 = arith.index_cast %parallel_loop3A_642 : i32 to index
        %parallel_loop3A_667 = arith.constant 32 : index
        %parallel_loop3A_668 = tpu.vector_load %arg20[%parallel_loop3A_666, %parallel_loop3A_667] {strides = array<i32>} : memref<64x128xf32, #tpu.memory_space<vmem>>, vector<16xf32>,
        tpu.vector_store %arg20[%parallel_loop3A_666, %parallel_loop3A_667], %parallel_loop3A_665 {strides = array<i32>} : memref<64x128xf32, #tpu.memory_space<vmem>>, vector<16xf32>,
        %parallel_loop3A_669 = arith.index_cast %parallel_loop3A_642 : i32 to index
        %parallel_loop3A_670 = arith.constant 48 : index
        %parallel_loop3A_671 = tpu.vector_load %arg20[%parallel_loop3A_669, %parallel_loop3A_670] {strides = array<i32>} : memref<64x128xf32, #tpu.memory_space<vmem>>, vector<16xf32>,
        %parallel_loop3A_672 = arith.mulf %parallel_loop3A_671, %parallel_loop3A_647 : vector<16xf32>
        %parallel_loop3A_673 = arith.index_cast %parallel_loop3A_642 : i32 to index
        %parallel_loop3A_674 = arith.constant 48 : index
        %parallel_loop3A_675 = tpu.vector_load %arg20[%parallel_loop3A_673, %parallel_loop3A_674] {strides = array<i32>} : memref<64x128xf32, #tpu.memory_space<vmem>>, vector<16xf32>,
        tpu.vector_store %arg20[%parallel_loop3A_673, %parallel_loop3A_674], %parallel_loop3A_672 {strides = array<i32>} : memref<64x128xf32, #tpu.memory_space<vmem>>, vector<16xf32>,
        %parallel_loop3A_676 = arith.index_cast %parallel_loop3A_642 : i32 to index
        %parallel_loop3A_677 = arith.constant 64 : index
        %parallel_loop3A_678 = tpu.vector_load %arg20[%parallel_loop3A_676, %parallel_loop3A_677] {strides = array<i32>} : memref<64x128xf32, #tpu.memory_space<vmem>>, vector<16xf32>,
        %parallel_loop3A_679 = arith.mulf %parallel_loop3A_678, %parallel_loop3A_647 : vector<16xf32>
        %parallel_loop3A_680 = arith.index_cast %parallel_loop3A_642 : i32 to index
        %parallel_loop3A_681 = arith.constant 64 : index
        %parallel_loop3A_682 = tpu.vector_load %arg20[%parallel_loop3A_680, %parallel_loop3A_681] {strides = array<i32>} : memref<64x128xf32, #tpu.memory_space<vmem>>, vector<16xf32>,
        tpu.vector_store %arg20[%parallel_loop3A_680, %parallel_loop3A_681], %parallel_loop3A_679 {strides = array<i32>} : memref<64x128xf32, #tpu.memory_space<vmem>>, vector<16xf32>,
        %parallel_loop3A_683 = arith.index_cast %parallel_loop3A_642 : i32 to index
        %parallel_loop3A_684 = arith.constant 80 : index
        %parallel_loop3A_685 = tpu.vector_load %arg20[%parallel_loop3A_683, %parallel_loop3A_684] {strides = array<i32>} : memref<64x128xf32, #tpu.memory_space<vmem>>, vector<16xf32>,
        %parallel_loop3A_686 = arith.mulf %parallel_loop3A_685, %parallel_loop3A_647 : vector<16xf32>
        %parallel_loop3A_687 = arith.index_cast %parallel_loop3A_642 : i32 to index
        %parallel_loop3A_688 = arith.constant 80 : index
        %parallel_loop3A_689 = tpu.vector_load %arg20[%parallel_loop3A_687, %parallel_loop3A_688] {strides = array<i32>} : memref<64x128xf32, #tpu.memory_space<vmem>>, vector<16xf32>,
        tpu.vector_store %arg20[%parallel_loop3A_687, %parallel_loop3A_688], %parallel_loop3A_686 {strides = array<i32>} : memref<64x128xf32, #tpu.memory_space<vmem>>, vector<16xf32>,
        %parallel_loop3A_690 = arith.index_cast %parallel_loop3A_642 : i32 to index
        %parallel_loop3A_691 = arith.constant 96 : index
        %parallel_loop3A_692 = tpu.vector_load %arg20[%parallel_loop3A_690, %parallel_loop3A_691] {strides = array<i32>} : memref<64x128xf32, #tpu.memory_space<vmem>>, vector<16xf32>,
        %parallel_loop3A_693 = arith.mulf %parallel_loop3A_692, %parallel_loop3A_647 : vector<16xf32>
        %parallel_loop3A_694 = arith.index_cast %parallel_loop3A_642 : i32 to index
        %parallel_loop3A_695 = arith.constant 96 : index
        %parallel_loop3A_696 = tpu.vector_load %arg20[%parallel_loop3A_694, %parallel_loop3A_695] {strides = array<i32>} : memref<64x128xf32, #tpu.memory_space<vmem>>, vector<16xf32>,
        tpu.vector_store %arg20[%parallel_loop3A_694, %parallel_loop3A_695], %parallel_loop3A_693 {strides = array<i32>} : memref<64x128xf32, #tpu.memory_space<vmem>>, vector<16xf32>,
        %parallel_loop3A_697 = arith.index_cast %parallel_loop3A_642 : i32 to index
        %parallel_loop3A_698 = arith.constant 112 : index
        %parallel_loop3A_699 = tpu.vector_load %arg20[%parallel_loop3A_697, %parallel_loop3A_698] {strides = array<i32>} : memref<64x128xf32, #tpu.memory_space<vmem>>, vector<16xf32>,
        %parallel_loop3A_700 = arith.mulf %parallel_loop3A_699, %parallel_loop3A_647 : vector<16xf32>
        %parallel_loop3A_701 = arith.index_cast %parallel_loop3A_642 : i32 to index
        %parallel_loop3A_702 = arith.constant 112 : index
        %parallel_loop3A_703 = tpu.vector_load %arg20[%parallel_loop3A_701, %parallel_loop3A_702] {strides = array<i32>} : memref<64x128xf32, #tpu.memory_space<vmem>>, vector<16xf32>,
        tpu.vector_store %arg20[%parallel_loop3A_701, %parallel_loop3A_702], %parallel_loop3A_700 {strides = array<i32>} : memref<64x128xf32, #tpu.memory_space<vmem>>, vector<16xf32>,
      } {sc.loop_unroll_factor = 4 : i64, sc.parallel_access}
      %dma_start3A_331 = arith.constant 0 : i32
      %dma_start3A_332 = arith.constant 0 : i32
      %dma_start3A_333 = tpu.memref_slice %arg23[%dma_start3A_331, %dma_start3A_332] : memref<3x64xi32, #tpu.memory_space<vmem>> -> memref<1x64xi32, #tpu.memory_space<vmem>>
      %dma_start3A_334 = tpu.memref_squeeze %dma_start3A_333 : memref<1x64xi32, #tpu.memory_space<vmem>> -> memref<64xi32, #tpu.memory_space<vmem>>
      %dma_start3A_335 = arith.constant 0 : i32
      %dma_start3A_336 = arith.constant 0 : i32
      %dma_start3A_337 = tpu.memref_slice %arg24[%dma_start3A_335, %dma_start3A_336] : memref<10000x128xf32, #tpu.memory_space<vmem_shared>> -> memref<10000x128xf32, #tpu.memory_space<vmem_shared>>
      tpu.enqueue_indirect_dma source(%arg20 : memref<64x128xf32, #tpu.memory_space<vmem>>) target(%dma_start3A_337 : memref<10000x128xf32, #tpu.memory_space<vmem_shared>>) offsets(%dma_start3A_334 : memref<64xi32, #tpu.memory_space<vmem>>) semaphore(%arg29 : memref<!tpu.dma_semaphore, #tpu.memory_space<semaphore_mem>>) {add = true}
      %mul3A_338 = arith.constant 3 : i32
      %mul3A_339 = arith.muli %mul3A_338, %scan3A_183 : i32
      %add3A_340 = arith.constant 1 : i32
      %add3A_341 = arith.addi %mul3A_339, %add3A_340 : i32
      %gt3A_342 = arith.constant 0 : i32
      %gt3A_343 = arith.cmpi sgt, %scan3A_183, %gt3A_342 : i32
      %convert_element_type3A_344 = arith.extui %gt3A_343 : i1 to i32
      %cond3A_345 = arith.constant 0 : i32
      %cond3A_346 = arith.cmpi ne, %convert_element_type3A_344, %cond3A_345 : i32
      scf.if %cond3A_346 {
        %dma_wait3A_642 = tpu.memref_slice %arg4[%mul3A_32] : memref<320000xi32, #tpu.memory_space<hbm>> -> memref<64xi32, #tpu.memory_space<hbm>>
        %dma_wait3A_643 = tpu.memref_slice %arg4[%mul3A_32] : memref<320000xi32, #tpu.memory_space<hbm>> -> memref<64xi32, #tpu.memory_space<hbm>>
        tpu.wait_dma2 semaphore(%arg34 : memref<!tpu.dma_semaphore, #tpu.memory_space<semaphore_mem>>) src(%dma_wait3A_643 : memref<64xi32, #tpu.memory_space<hbm>>) dst(%arg16 : memref<64xi32, #tpu.memory_space<vmem>>)
        %dma_wait3A_644 = arith.constant 0 : i32
        %dma_wait3A_645 = arith.constant 0 : i32
        %dma_wait3A_646 = tpu.memref_slice %arg13[%dma_wait3A_644, %dma_wait3A_645] : memref<1x64xi32, #tpu.memory_space<vmem>> -> memref<1x64xi32, #tpu.memory_space<vmem>>
        %dma_wait3A_647 = tpu.memref_squeeze %dma_wait3A_646 : memref<1x64xi32, #tpu.memory_space<vmem>> -> memref<64xi32, #tpu.memory_space<vmem>>
        %dma_wait3A_648 = tpu.memref_slice %arg3[%mul3A_32] : memref<320000xi32, #tpu.memory_space<hbm>> -> memref<64xi32, #tpu.memory_space<hbm>>
        %dma_wait3A_649 = arith.constant 0 : i32
        %dma_wait3A_650 = tpu.memref_slice %arg13[%dma_wait3A_644, %dma_wait3A_649] : memref<1x64xi32, #tpu.memory_space<vmem>> -> memref<1x64xi32, #tpu.memory_space<vmem>>
        %dma_wait3A_651 = tpu.memref_squeeze %dma_wait3A_650 : memref<1x64xi32, #tpu.memory_space<vmem>> -> memref<64xi32, #tpu.memory_space<vmem>>
        %dma_wait3A_652 = tpu.memref_slice %arg3[%mul3A_32] : memref<320000xi32, #tpu.memory_space<hbm>> -> memref<64xi32, #tpu.memory_space<hbm>>
        tpu.wait_dma2 semaphore(%arg34 : memref<!tpu.dma_semaphore, #tpu.memory_space<semaphore_mem>>) src(%dma_wait3A_652 : memref<64xi32, #tpu.memory_space<hbm>>) dst(%dma_wait3A_651 : memref<64xi32, #tpu.memory_space<vmem>>)
        %dma_wait3A_653 = arith.constant 2 : i32
        %dma_wait3A_654 = arith.constant 0 : i32
        %dma_wait3A_655 = tpu.memref_slice %arg23[%dma_wait3A_653, %dma_wait3A_654] : memref<3x64xi32, #tpu.memory_space<vmem>> -> memref<1x64xi32, #tpu.memory_space<vmem>>
        %dma_wait3A_656 = tpu.memref_squeeze %dma_wait3A_655 : memref<1x64xi32, #tpu.memory_space<vmem>> -> memref<64xi32, #tpu.memory_space<vmem>>
        %dma_wait3A_657 = arith.constant 0 : i32
        %dma_wait3A_658 = arith.constant 0 : i32
        %dma_wait3A_659 = tpu.memref_slice %arg24[%dma_wait3A_657, %dma_wait3A_658] : memref<10000x128xf32, #tpu.memory_space<vmem_shared>> -> memref<10000x128xf32, #tpu.memory_space<vmem_shared>>
        tpu.wait_indirect_dma semaphore(%arg31 : memref<!tpu.dma_semaphore, #tpu.memory_space<semaphore_mem>>) src(%arg22 : memref<64x128xf32, #tpu.memory_space<vmem>>) dst(%dma_wait3A_659 : memref<10000x128xf32, #tpu.memory_space<vmem_shared>>)
        %dma_start3A_660 = arith.constant 0 : i32
        %dma_start3A_661 = arith.constant 0 : i32
        %dma_start3A_662 = tpu.memref_slice %arg2[%dma_start3A_660, %dma_start3A_661] : memref<10000x128xf32, #tpu.memory_space<hbm>> -> memref<10000x128xf32, #tpu.memory_space<hbm>>
        tpu.enqueue_indirect_dma source(%dma_start3A_662 : memref<10000x128xf32, #tpu.memory_space<hbm>>) target(%arg22 : memref<64x128xf32, #tpu.memory_space<vmem>>) offsets(%arg16 : memref<64xi32, #tpu.memory_space<vmem>>) semaphore(%arg28 : memref<!tpu.dma_semaphore, #tpu.memory_space<semaphore_mem>>)
      } else {
      }
      %eq3A_347 = arith.constant 0 : i32
      %eq3A_348 = arith.cmpi eq, %scan3A_183, %eq3A_347 : i32
      %convert_element_type3A_349 = arith.extui %eq3A_348 : i1 to i32
      %cond3A_350 = arith.constant 0 : i32
      %cond3A_351 = arith.cmpi ne, %convert_element_type3A_349, %cond3A_350 : i32
      scf.if %cond3A_351 {
        %dma_wait3A_642 = tpu.memref_slice %arg4[%mul3A_32] : memref<320000xi32, #tpu.memory_space<hbm>> -> memref<64xi32, #tpu.memory_space<hbm>>
        %dma_wait3A_643 = tpu.memref_slice %arg4[%mul3A_32] : memref<320000xi32, #tpu.memory_space<hbm>> -> memref<64xi32, #tpu.memory_space<hbm>>
        tpu.wait_dma2 semaphore(%arg34 : memref<!tpu.dma_semaphore, #tpu.memory_space<semaphore_mem>>) src(%dma_wait3A_643 : memref<64xi32, #tpu.memory_space<hbm>>) dst(%arg16 : memref<64xi32, #tpu.memory_space<vmem>>)
        %dma_wait3A_644 = arith.constant 0 : i32
        %dma_wait3A_645 = arith.constant 0 : i32
        %dma_wait3A_646 = tpu.memref_slice %arg13[%dma_wait3A_644, %dma_wait3A_645] : memref<1x64xi32, #tpu.memory_space<vmem>> -> memref<1x64xi32, #tpu.memory_space<vmem>>
        %dma_wait3A_647 = tpu.memref_squeeze %dma_wait3A_646 : memref<1x64xi32, #tpu.memory_space<vmem>> -> memref<64xi32, #tpu.memory_space<vmem>>
        %dma_wait3A_648 = tpu.memref_slice %arg3[%mul3A_32] : memref<320000xi32, #tpu.memory_space<hbm>> -> memref<64xi32, #tpu.memory_space<hbm>>
        %dma_wait3A_649 = arith.constant 0 : i32
        %dma_wait3A_650 = tpu.memref_slice %arg13[%dma_wait3A_644, %dma_wait3A_649] : memref<1x64xi32, #tpu.memory_space<vmem>> -> memref<1x64xi32, #tpu.memory_space<vmem>>
        %dma_wait3A_651 = tpu.memref_squeeze %dma_wait3A_650 : memref<1x64xi32, #tpu.memory_space<vmem>> -> memref<64xi32, #tpu.memory_space<vmem>>
        %dma_wait3A_652 = tpu.memref_slice %arg3[%mul3A_32] : memref<320000xi32, #tpu.memory_space<hbm>> -> memref<64xi32, #tpu.memory_space<hbm>>
        tpu.wait_dma2 semaphore(%arg34 : memref<!tpu.dma_semaphore, #tpu.memory_space<semaphore_mem>>) src(%dma_wait3A_652 : memref<64xi32, #tpu.memory_space<hbm>>) dst(%dma_wait3A_651 : memref<64xi32, #tpu.memory_space<vmem>>)
        %dma_start3A_653 = arith.constant 0 : i32
        %dma_start3A_654 = arith.constant 0 : i32
        %dma_start3A_655 = tpu.memref_slice %arg2[%dma_start3A_653, %dma_start3A_654] : memref<10000x128xf32, #tpu.memory_space<hbm>> -> memref<10000x128xf32, #tpu.memory_space<hbm>>
        tpu.enqueue_indirect_dma source(%dma_start3A_655 : memref<10000x128xf32, #tpu.memory_space<hbm>>) target(%arg22 : memref<64x128xf32, #tpu.memory_space<vmem>>) offsets(%arg16 : memref<64xi32, #tpu.memory_space<vmem>>) semaphore(%arg28 : memref<!tpu.dma_semaphore, #tpu.memory_space<semaphore_mem>>)
      } else {
      }
      %dma_wait3A_352 = arith.constant 0 : i32
      %dma_wait3A_353 = arith.constant 0 : i32
      %dma_wait3A_354 = tpu.memref_slice %arg2[%dma_wait3A_352, %dma_wait3A_353] : memref<10000x128xf32, #tpu.memory_space<hbm>> -> memref<10000x128xf32, #tpu.memory_space<hbm>>
      tpu.wait_indirect_dma semaphore(%arg27 : memref<!tpu.dma_semaphore, #tpu.memory_space<semaphore_mem>>) src(%dma_wait3A_354 : memref<10000x128xf32, #tpu.memory_space<hbm>>) dst(%arg21 : memref<64x128xf32, #tpu.memory_space<vmem>>)
      %get3A_355 = arith.constant 0 : i32
      %get3A_356 = arith.index_cast %get3A_355 : i32 to index
      %get3A_357 = arith.constant 0 : index
      %get3A_358 = tpu.vector_load %arg12[%get3A_356, %get3A_357] {strides = array<i32>} : memref<1x64xi32, #tpu.memory_space<vmem>>, vector<16xi32>,
      %get3A_359 = arith.constant 0 : index
      %get3A_360 = tpu.vector_load %arg15[%get3A_359] {strides = array<i32>} : memref<64xi32, #tpu.memory_space<vmem>>, vector<16xi32>,
      %gather3A_361 = tpu.vector_load_idx %arg9[%get3A_358] : memref<10000xf32, #tpu.memory_space<vmem>>[vector<16xi32>], vector<16xf32>,
      %gather3A_362 = tpu.vector_load_idx %arg10[%get3A_360] : memref<10000xf32, #tpu.memory_space<vmem>>[vector<16xi32>], vector<16xf32>,
      %add3A_363 = arith.addf %gather3A_361, %gather3A_362 : vector<16xf32>
      %gt3A_364 = arith.constant 0.000000e+00 : f32
      %gt3A_365 = vector.broadcast %gt3A_364 : f32 to vector<16xf32>
      %gt3A_366 = arith.cmpf ogt, %add3A_363, %gt3A_365 : vector<16xf32>
      %mul3A_367 = arith.constant 2.000000e-01 : f32
      %mul3A_368 = vector.broadcast %mul3A_367 : f32 to vector<16xf32>
      %mul3A_369 = arith.mulf %mul3A_368, %add3A_363 : vector<16xf32>
      %select_n3A_370 = arith.select %gt3A_366, %add3A_363, %mul3A_369 : vector<16xi1>, vector<16xf32>
      %exp3A_371 = math.exp %select_n3A_370 : vector<16xf32>
      %swap3A_372 = arith.constant 0 : index
      %swap3A_373 = tpu.vector_load %arg18[%swap3A_372] {strides = array<i32>} : memref<64xf32, #tpu.memory_space<vmem>>, vector<16xf32>,
      tpu.vector_store %arg18[%swap3A_372], %exp3A_371 {strides = array<i32>} : memref<64xf32, #tpu.memory_space<vmem>>, vector<16xf32>,
      %get3A_374 = arith.constant 0 : i32
      %get3A_375 = arith.index_cast %get3A_374 : i32 to index
      %get3A_376 = arith.constant 16 : index
      %get3A_377 = tpu.vector_load %arg12[%get3A_375, %get3A_376] {strides = array<i32>} : memref<1x64xi32, #tpu.memory_space<vmem>>, vector<16xi32>,
      %get3A_378 = arith.constant 16 : index
      %get3A_379 = tpu.vector_load %arg15[%get3A_378] {strides = array<i32>} : memref<64xi32, #tpu.memory_space<vmem>>, vector<16xi32>,
      %gather3A_380 = tpu.vector_load_idx %arg9[%get3A_377] : memref<10000xf32, #tpu.memory_space<vmem>>[vector<16xi32>], vector<16xf32>,
      %gather3A_381 = tpu.vector_load_idx %arg10[%get3A_379] : memref<10000xf32, #tpu.memory_space<vmem>>[vector<16xi32>], vector<16xf32>,
      %add3A_382 = arith.addf %gather3A_380, %gather3A_381 : vector<16xf32>
      %gt3A_383 = arith.constant 0.000000e+00 : f32
      %gt3A_384 = vector.broadcast %gt3A_383 : f32 to vector<16xf32>
      %gt3A_385 = arith.cmpf ogt, %add3A_382, %gt3A_384 : vector<16xf32>
      %mul3A_386 = arith.constant 2.000000e-01 : f32
      %mul3A_387 = vector.broadcast %mul3A_386 : f32 to vector<16xf32>
      %mul3A_388 = arith.mulf %mul3A_387, %add3A_382 : vector<16xf32>
      %select_n3A_389 = arith.select %gt3A_385, %add3A_382, %mul3A_388 : vector<16xi1>, vector<16xf32>
      %exp3A_390 = math.exp %select_n3A_389 : vector<16xf32>
      %swap3A_391 = arith.constant 16 : index
      %swap3A_392 = tpu.vector_load %arg18[%swap3A_391] {strides = array<i32>} : memref<64xf32, #tpu.memory_space<vmem>>, vector<16xf32>,
      tpu.vector_store %arg18[%swap3A_391], %exp3A_390 {strides = array<i32>} : memref<64xf32, #tpu.memory_space<vmem>>, vector<16xf32>,
      %get3A_393 = arith.constant 0 : i32
      %get3A_394 = arith.index_cast %get3A_393 : i32 to index
      %get3A_395 = arith.constant 32 : index
      %get3A_396 = tpu.vector_load %arg12[%get3A_394, %get3A_395] {strides = array<i32>} : memref<1x64xi32, #tpu.memory_space<vmem>>, vector<16xi32>,
      %get3A_397 = arith.constant 32 : index
      %get3A_398 = tpu.vector_load %arg15[%get3A_397] {strides = array<i32>} : memref<64xi32, #tpu.memory_space<vmem>>, vector<16xi32>,
      %gather3A_399 = tpu.vector_load_idx %arg9[%get3A_396] : memref<10000xf32, #tpu.memory_space<vmem>>[vector<16xi32>], vector<16xf32>,
      %gather3A_400 = tpu.vector_load_idx %arg10[%get3A_398] : memref<10000xf32, #tpu.memory_space<vmem>>[vector<16xi32>], vector<16xf32>,
      %add3A_401 = arith.addf %gather3A_399, %gather3A_400 : vector<16xf32>
      %gt3A_402 = arith.constant 0.000000e+00 : f32
      %gt3A_403 = vector.broadcast %gt3A_402 : f32 to vector<16xf32>
      %gt3A_404 = arith.cmpf ogt, %add3A_401, %gt3A_403 : vector<16xf32>
      %mul3A_405 = arith.constant 2.000000e-01 : f32
      %mul3A_406 = vector.broadcast %mul3A_405 : f32 to vector<16xf32>
      %mul3A_407 = arith.mulf %mul3A_406, %add3A_401 : vector<16xf32>
      %select_n3A_408 = arith.select %gt3A_404, %add3A_401, %mul3A_407 : vector<16xi1>, vector<16xf32>
      %exp3A_409 = math.exp %select_n3A_408 : vector<16xf32>
      %swap3A_410 = arith.constant 32 : index
      %swap3A_411 = tpu.vector_load %arg18[%swap3A_410] {strides = array<i32>} : memref<64xf32, #tpu.memory_space<vmem>>, vector<16xf32>,
      tpu.vector_store %arg18[%swap3A_410], %exp3A_409 {strides = array<i32>} : memref<64xf32, #tpu.memory_space<vmem>>, vector<16xf32>,
      %get3A_412 = arith.constant 0 : i32
      %get3A_413 = arith.index_cast %get3A_412 : i32 to index
      %get3A_414 = arith.constant 48 : index
      %get3A_415 = tpu.vector_load %arg12[%get3A_413, %get3A_414] {strides = array<i32>} : memref<1x64xi32, #tpu.memory_space<vmem>>, vector<16xi32>,
      %get3A_416 = arith.constant 48 : index
      %get3A_417 = tpu.vector_load %arg15[%get3A_416] {strides = array<i32>} : memref<64xi32, #tpu.memory_space<vmem>>, vector<16xi32>,
      %gather3A_418 = tpu.vector_load_idx %arg9[%get3A_415] : memref<10000xf32, #tpu.memory_space<vmem>>[vector<16xi32>], vector<16xf32>,
      %gather3A_419 = tpu.vector_load_idx %arg10[%get3A_417] : memref<10000xf32, #tpu.memory_space<vmem>>[vector<16xi32>], vector<16xf32>,
      %add3A_420 = arith.addf %gather3A_418, %gather3A_419 : vector<16xf32>
      %gt3A_421 = arith.constant 0.000000e+00 : f32
      %gt3A_422 = vector.broadcast %gt3A_421 : f32 to vector<16xf32>
      %gt3A_423 = arith.cmpf ogt, %add3A_420, %gt3A_422 : vector<16xf32>
      %mul3A_424 = arith.constant 2.000000e-01 : f32
      %mul3A_425 = vector.broadcast %mul3A_424 : f32 to vector<16xf32>
      %mul3A_426 = arith.mulf %mul3A_425, %add3A_420 : vector<16xf32>
      %select_n3A_427 = arith.select %gt3A_423, %add3A_420, %mul3A_426 : vector<16xi1>, vector<16xf32>
      %exp3A_428 = math.exp %select_n3A_427 : vector<16xf32>
      %swap3A_429 = arith.constant 48 : index
      %swap3A_430 = tpu.vector_load %arg18[%swap3A_429] {strides = array<i32>} : memref<64xf32, #tpu.memory_space<vmem>>, vector<16xf32>,
      tpu.vector_store %arg18[%swap3A_429], %exp3A_428 {strides = array<i32>} : memref<64xf32, #tpu.memory_space<vmem>>, vector<16xf32>,
      %run_scoped3A_431 = arith.constant 0 : i32
      "tpu.region"() ({
        %run_scoped3A_642 = tpu.sem_alloc : memref<!tpu.dma_semaphore, #tpu.memory_space<semaphore_mem>>
        %dma_start3A_643 = arith.constant 0 : i32
        %dma_start3A_644 = tpu.memref_slice %arg12[%run_scoped3A_431, %dma_start3A_643] : memref<1x64xi32, #tpu.memory_space<vmem>> -> memref<1x64xi32, #tpu.memory_space<vmem>>
        %dma_start3A_645 = tpu.memref_squeeze %dma_start3A_644 : memref<1x64xi32, #tpu.memory_space<vmem>> -> memref<64xi32, #tpu.memory_space<vmem>>
        %dma_start3A_646 = arith.constant 0 : i32
        %dma_start3A_647 = tpu.memref_slice %arg25[%dma_start3A_646] : memref<10000xf32, #tpu.memory_space<vmem_shared>> -> memref<10000xf32, #tpu.memory_space<vmem_shared>>
        tpu.enqueue_indirect_dma source(%arg18 : memref<64xf32, #tpu.memory_space<vmem>>) target(%dma_start3A_647 : memref<10000xf32, #tpu.memory_space<vmem_shared>>) offsets(%dma_start3A_645 : memref<64xi32, #tpu.memory_space<vmem>>) semaphore(%run_scoped3A_642 : memref<!tpu.dma_semaphore, #tpu.memory_space<semaphore_mem>>) {add = true}
        %dma_wait3A_648 = arith.constant 0 : i32
        %dma_wait3A_649 = tpu.memref_slice %arg12[%run_scoped3A_431, %dma_wait3A_648] : memref<1x64xi32, #tpu.memory_space<vmem>> -> memref<1x64xi32, #tpu.memory_space<vmem>>
        %dma_wait3A_650 = tpu.memref_squeeze %dma_wait3A_649 : memref<1x64xi32, #tpu.memory_space<vmem>> -> memref<64xi32, #tpu.memory_space<vmem>>
        %dma_wait3A_651 = arith.constant 0 : i32
        %dma_wait3A_652 = tpu.memref_slice %arg25[%dma_wait3A_651] : memref<10000xf32, #tpu.memory_space<vmem_shared>> -> memref<10000xf32, #tpu.memory_space<vmem_shared>>
        tpu.wait_indirect_dma semaphore(%run_scoped3A_642 : memref<!tpu.dma_semaphore, #tpu.memory_space<semaphore_mem>>) src(%arg18 : memref<64xf32, #tpu.memory_space<vmem>>) dst(%dma_wait3A_652 : memref<10000xf32, #tpu.memory_space<vmem_shared>>)
        tpu.yield
      }) : () -> ()
      %get3A_432 = arith.constant 0 : i32
      %get3A_433 = arith.index_cast %get3A_432 : i32 to index
      %get3A_434 = arith.constant 0 : index
      %get3A_435 = tpu.vector_load %arg12[%get3A_433, %get3A_434] {strides = array<i32>} : memref<1x64xi32, #tpu.memory_space<vmem>>, vector<16xi32>,
      %swap3A_436 = arith.constant 1 : i32
      %swap3A_437 = arith.index_cast %swap3A_436 : i32 to index
      %swap3A_438 = arith.constant 0 : index
      %swap3A_439 = tpu.vector_load %arg23[%swap3A_437, %swap3A_438] {strides = array<i32>} : memref<3x64xi32, #tpu.memory_space<vmem>>, vector<16xi32>,
      tpu.vector_store %arg23[%swap3A_437, %swap3A_438], %get3A_435 {strides = array<i32>} : memref<3x64xi32, #tpu.memory_space<vmem>>, vector<16xi32>,
      %get3A_440 = arith.constant 0 : i32
      %get3A_441 = arith.index_cast %get3A_440 : i32 to index
      %get3A_442 = arith.constant 16 : index
      %get3A_443 = tpu.vector_load %arg12[%get3A_441, %get3A_442] {strides = array<i32>} : memref<1x64xi32, #tpu.memory_space<vmem>>, vector<16xi32>,
      %swap3A_444 = arith.constant 1 : i32
      %swap3A_445 = arith.index_cast %swap3A_444 : i32 to index
      %swap3A_446 = arith.constant 16 : index
      %swap3A_447 = tpu.vector_load %arg23[%swap3A_445, %swap3A_446] {strides = array<i32>} : memref<3x64xi32, #tpu.memory_space<vmem>>, vector<16xi32>,
      tpu.vector_store %arg23[%swap3A_445, %swap3A_446], %get3A_443 {strides = array<i32>} : memref<3x64xi32, #tpu.memory_space<vmem>>, vector<16xi32>,
      %get3A_448 = arith.constant 0 : i32
      %get3A_449 = arith.index_cast %get3A_448 : i32 to index
      %get3A_450 = arith.constant 32 : index
      %get3A_451 = tpu.vector_load %arg12[%get3A_449, %get3A_450] {strides = array<i32>} : memref<1x64xi32, #tpu.memory_space<vmem>>, vector<16xi32>,
      %swap3A_452 = arith.constant 1 : i32
      %swap3A_453 = arith.index_cast %swap3A_452 : i32 to index
      %swap3A_454 = arith.constant 32 : index
      %swap3A_455 = tpu.vector_load %arg23[%swap3A_453, %swap3A_454] {strides = array<i32>} : memref<3x64xi32, #tpu.memory_space<vmem>>, vector<16xi32>,
      tpu.vector_store %arg23[%swap3A_453, %swap3A_454], %get3A_451 {strides = array<i32>} : memref<3x64xi32, #tpu.memory_space<vmem>>, vector<16xi32>,
      %get3A_456 = arith.constant 0 : i32
      %get3A_457 = arith.index_cast %get3A_456 : i32 to index
      %get3A_458 = arith.constant 48 : index
      %get3A_459 = tpu.vector_load %arg12[%get3A_457, %get3A_458] {strides = array<i32>} : memref<1x64xi32, #tpu.memory_space<vmem>>, vector<16xi32>,
      %swap3A_460 = arith.constant 1 : i32
      %swap3A_461 = arith.index_cast %swap3A_460 : i32 to index
      %swap3A_462 = arith.constant 48 : index
      %swap3A_463 = tpu.vector_load %arg23[%swap3A_461, %swap3A_462] {strides = array<i32>} : memref<3x64xi32, #tpu.memory_space<vmem>>, vector<16xi32>,
      tpu.vector_store %arg23[%swap3A_461, %swap3A_462], %get3A_459 {strides = array<i32>} : memref<3x64xi32, #tpu.memory_space<vmem>>, vector<16xi32>,
      %add3A_464 = arith.constant 2 : i32
      %add3A_465 = arith.addi %add3A_341, %add3A_464 : i32
      %rem3A_466 = arith.constant 156 : i32
      %rem3A_467 = arith.remsi %add3A_465, %rem3A_466 : i32
      %mul3A_468 = arith.constant 64 : i32
      %mul3A_469 = arith.muli %rem3A_467, %mul3A_468 : i32
      %add3A_470 = arith.addi %mul3A_32, %mul3A_469 : i32
      %dma_start3A_471 = tpu.memref_slice %arg4[%add3A_470] : memref<320000xi32, #tpu.memory_space<hbm>> -> memref<64xi32, #tpu.memory_space<hbm>>
      %dma_start3A_472 = tpu.memref_slice %arg4[%add3A_470] : memref<320000xi32, #tpu.memory_space<hbm>> -> memref<64xi32, #tpu.memory_space<hbm>>
      tpu.enqueue_dma source(%dma_start3A_472 : memref<64xi32, #tpu.memory_space<hbm>>) target(%arg14 : memref<64xi32, #tpu.memory_space<vmem>>) target_semaphore(%arg32 : memref<!tpu.dma_semaphore, #tpu.memory_space<semaphore_mem>>)
      %add3A_473 = arith.addi %mul3A_32, %mul3A_469 : i32
      %dma_start3A_474 = arith.constant 0 : i32
      %dma_start3A_475 = arith.constant 0 : i32
      %dma_start3A_476 = tpu.memref_slice %arg11[%dma_start3A_474, %dma_start3A_475] : memref<1x64xi32, #tpu.memory_space<vmem>> -> memref<1x64xi32, #tpu.memory_space<vmem>>
      %dma_start3A_477 = tpu.memref_squeeze %dma_start3A_476 : memref<1x64xi32, #tpu.memory_space<vmem>> -> memref<64xi32, #tpu.memory_space<vmem>>
      %dma_start3A_478 = tpu.memref_slice %arg3[%add3A_473] : memref<320000xi32, #tpu.memory_space<hbm>> -> memref<64xi32, #tpu.memory_space<hbm>>
      %dma_start3A_479 = arith.constant 0 : i32
      %dma_start3A_480 = tpu.memref_slice %arg11[%dma_start3A_474, %dma_start3A_479] : memref<1x64xi32, #tpu.memory_space<vmem>> -> memref<1x64xi32, #tpu.memory_space<vmem>>
      %dma_start3A_481 = tpu.memref_squeeze %dma_start3A_480 : memref<1x64xi32, #tpu.memory_space<vmem>> -> memref<64xi32, #tpu.memory_space<vmem>>
      %dma_start3A_482 = tpu.memref_slice %arg3[%add3A_473] : memref<320000xi32, #tpu.memory_space<hbm>> -> memref<64xi32, #tpu.memory_space<hbm>>
      tpu.enqueue_dma source(%dma_start3A_482 : memref<64xi32, #tpu.memory_space<hbm>>) target(%dma_start3A_481 : memref<64xi32, #tpu.memory_space<vmem>>) target_semaphore(%arg32 : memref<!tpu.dma_semaphore, #tpu.memory_space<semaphore_mem>>)
      %parallel_loop3A_483 = arith.constant 0 : i32
      %parallel_loop3A_484 = arith.constant 64 : i32
      %parallel_loop3A_485 = arith.constant 1 : i32
      scf.for %parallel_loop3A_642 = %parallel_loop3A_483 to %parallel_loop3A_484 step %parallel_loop3A_485  : i32 {
        %parallel_loop3A_643 = arith.constant 0 : i32
        %parallel_loop3A_644 = vector.broadcast %parallel_loop3A_643 : i32 to vector<16xi32>
        %parallel_loop3A_645 = vector.broadcast %parallel_loop3A_642 : i32 to vector<16xi32>
        %parallel_loop3A_646 = arith.addi %parallel_loop3A_644, %parallel_loop3A_645 : vector<16xi32>
        %parallel_loop3A_647 = tpu.vector_load_idx %arg18[%parallel_loop3A_646] : memref<64xf32, #tpu.memory_space<vmem>>[vector<16xi32>], vector<16xf32>,
        %parallel_loop3A_648 = arith.index_cast %parallel_loop3A_642 : i32 to index
        %parallel_loop3A_649 = arith.constant 0 : index
        %parallel_loop3A_650 = tpu.vector_load %arg21[%parallel_loop3A_648, %parallel_loop3A_649] {strides = array<i32>} : memref<64x128xf32, #tpu.memory_space<vmem>>, vector<16xf32>,
        %parallel_loop3A_651 = arith.mulf %parallel_loop3A_650, %parallel_loop3A_647 : vector<16xf32>
        %parallel_loop3A_652 = arith.index_cast %parallel_loop3A_642 : i32 to index
        %parallel_loop3A_653 = arith.constant 0 : index
        %parallel_loop3A_654 = tpu.vector_load %arg21[%parallel_loop3A_652, %parallel_loop3A_653] {strides = array<i32>} : memref<64x128xf32, #tpu.memory_space<vmem>>, vector<16xf32>,
        tpu.vector_store %arg21[%parallel_loop3A_652, %parallel_loop3A_653], %parallel_loop3A_651 {strides = array<i32>} : memref<64x128xf32, #tpu.memory_space<vmem>>, vector<16xf32>,
        %parallel_loop3A_655 = arith.index_cast %parallel_loop3A_642 : i32 to index
        %parallel_loop3A_656 = arith.constant 16 : index
        %parallel_loop3A_657 = tpu.vector_load %arg21[%parallel_loop3A_655, %parallel_loop3A_656] {strides = array<i32>} : memref<64x128xf32, #tpu.memory_space<vmem>>, vector<16xf32>,
        %parallel_loop3A_658 = arith.mulf %parallel_loop3A_657, %parallel_loop3A_647 : vector<16xf32>
        %parallel_loop3A_659 = arith.index_cast %parallel_loop3A_642 : i32 to index
        %parallel_loop3A_660 = arith.constant 16 : index
        %parallel_loop3A_661 = tpu.vector_load %arg21[%parallel_loop3A_659, %parallel_loop3A_660] {strides = array<i32>} : memref<64x128xf32, #tpu.memory_space<vmem>>, vector<16xf32>,
        tpu.vector_store %arg21[%parallel_loop3A_659, %parallel_loop3A_660], %parallel_loop3A_658 {strides = array<i32>} : memref<64x128xf32, #tpu.memory_space<vmem>>, vector<16xf32>,
        %parallel_loop3A_662 = arith.index_cast %parallel_loop3A_642 : i32 to index
        %parallel_loop3A_663 = arith.constant 32 : index
        %parallel_loop3A_664 = tpu.vector_load %arg21[%parallel_loop3A_662, %parallel_loop3A_663] {strides = array<i32>} : memref<64x128xf32, #tpu.memory_space<vmem>>, vector<16xf32>,
        %parallel_loop3A_665 = arith.mulf %parallel_loop3A_664, %parallel_loop3A_647 : vector<16xf32>
        %parallel_loop3A_666 = arith.index_cast %parallel_loop3A_642 : i32 to index
        %parallel_loop3A_667 = arith.constant 32 : index
        %parallel_loop3A_668 = tpu.vector_load %arg21[%parallel_loop3A_666, %parallel_loop3A_667] {strides = array<i32>} : memref<64x128xf32, #tpu.memory_space<vmem>>, vector<16xf32>,
        tpu.vector_store %arg21[%parallel_loop3A_666, %parallel_loop3A_667], %parallel_loop3A_665 {strides = array<i32>} : memref<64x128xf32, #tpu.memory_space<vmem>>, vector<16xf32>,
        %parallel_loop3A_669 = arith.index_cast %parallel_loop3A_642 : i32 to index
        %parallel_loop3A_670 = arith.constant 48 : index
        %parallel_loop3A_671 = tpu.vector_load %arg21[%parallel_loop3A_669, %parallel_loop3A_670] {strides = array<i32>} : memref<64x128xf32, #tpu.memory_space<vmem>>, vector<16xf32>,
        %parallel_loop3A_672 = arith.mulf %parallel_loop3A_671, %parallel_loop3A_647 : vector<16xf32>
        %parallel_loop3A_673 = arith.index_cast %parallel_loop3A_642 : i32 to index
        %parallel_loop3A_674 = arith.constant 48 : index
        %parallel_loop3A_675 = tpu.vector_load %arg21[%parallel_loop3A_673, %parallel_loop3A_674] {strides = array<i32>} : memref<64x128xf32, #tpu.memory_space<vmem>>, vector<16xf32>,
        tpu.vector_store %arg21[%parallel_loop3A_673, %parallel_loop3A_674], %parallel_loop3A_672 {strides = array<i32>} : memref<64x128xf32, #tpu.memory_space<vmem>>, vector<16xf32>,
        %parallel_loop3A_676 = arith.index_cast %parallel_loop3A_642 : i32 to index
        %parallel_loop3A_677 = arith.constant 64 : index
        %parallel_loop3A_678 = tpu.vector_load %arg21[%parallel_loop3A_676, %parallel_loop3A_677] {strides = array<i32>} : memref<64x128xf32, #tpu.memory_space<vmem>>, vector<16xf32>,
        %parallel_loop3A_679 = arith.mulf %parallel_loop3A_678, %parallel_loop3A_647 : vector<16xf32>
        %parallel_loop3A_680 = arith.index_cast %parallel_loop3A_642 : i32 to index
        %parallel_loop3A_681 = arith.constant 64 : index
        %parallel_loop3A_682 = tpu.vector_load %arg21[%parallel_loop3A_680, %parallel_loop3A_681] {strides = array<i32>} : memref<64x128xf32, #tpu.memory_space<vmem>>, vector<16xf32>,
        tpu.vector_store %arg21[%parallel_loop3A_680, %parallel_loop3A_681], %parallel_loop3A_679 {strides = array<i32>} : memref<64x128xf32, #tpu.memory_space<vmem>>, vector<16xf32>,
        %parallel_loop3A_683 = arith.index_cast %parallel_loop3A_642 : i32 to index
        %parallel_loop3A_684 = arith.constant 80 : index
        %parallel_loop3A_685 = tpu.vector_load %arg21[%parallel_loop3A_683, %parallel_loop3A_684] {strides = array<i32>} : memref<64x128xf32, #tpu.memory_space<vmem>>, vector<16xf32>,
        %parallel_loop3A_686 = arith.mulf %parallel_loop3A_685, %parallel_loop3A_647 : vector<16xf32>
        %parallel_loop3A_687 = arith.index_cast %parallel_loop3A_642 : i32 to index
        %parallel_loop3A_688 = arith.constant 80 : index
        %parallel_loop3A_689 = tpu.vector_load %arg21[%parallel_loop3A_687, %parallel_loop3A_688] {strides = array<i32>} : memref<64x128xf32, #tpu.memory_space<vmem>>, vector<16xf32>,
        tpu.vector_store %arg21[%parallel_loop3A_687, %parallel_loop3A_688], %parallel_loop3A_686 {strides = array<i32>} : memref<64x128xf32, #tpu.memory_space<vmem>>, vector<16xf32>,
        %parallel_loop3A_690 = arith.index_cast %parallel_loop3A_642 : i32 to index
        %parallel_loop3A_691 = arith.constant 96 : index
        %parallel_loop3A_692 = tpu.vector_load %arg21[%parallel_loop3A_690, %parallel_loop3A_691] {strides = array<i32>} : memref<64x128xf32, #tpu.memory_space<vmem>>, vector<16xf32>,
        %parallel_loop3A_693 = arith.mulf %parallel_loop3A_692, %parallel_loop3A_647 : vector<16xf32>
        %parallel_loop3A_694 = arith.index_cast %parallel_loop3A_642 : i32 to index
        %parallel_loop3A_695 = arith.constant 96 : index
        %parallel_loop3A_696 = tpu.vector_load %arg21[%parallel_loop3A_694, %parallel_loop3A_695] {strides = array<i32>} : memref<64x128xf32, #tpu.memory_space<vmem>>, vector<16xf32>,
        tpu.vector_store %arg21[%parallel_loop3A_694, %parallel_loop3A_695], %parallel_loop3A_693 {strides = array<i32>} : memref<64x128xf32, #tpu.memory_space<vmem>>, vector<16xf32>,
        %parallel_loop3A_697 = arith.index_cast %parallel_loop3A_642 : i32 to index
        %parallel_loop3A_698 = arith.constant 112 : index
        %parallel_loop3A_699 = tpu.vector_load %arg21[%parallel_loop3A_697, %parallel_loop3A_698] {strides = array<i32>} : memref<64x128xf32, #tpu.memory_space<vmem>>, vector<16xf32>,
        %parallel_loop3A_700 = arith.mulf %parallel_loop3A_699, %parallel_loop3A_647 : vector<16xf32>
        %parallel_loop3A_701 = arith.index_cast %parallel_loop3A_642 : i32 to index
        %parallel_loop3A_702 = arith.constant 112 : index
        %parallel_loop3A_703 = tpu.vector_load %arg21[%parallel_loop3A_701, %parallel_loop3A_702] {strides = array<i32>} : memref<64x128xf32, #tpu.memory_space<vmem>>, vector<16xf32>,
        tpu.vector_store %arg21[%parallel_loop3A_701, %parallel_loop3A_702], %parallel_loop3A_700 {strides = array<i32>} : memref<64x128xf32, #tpu.memory_space<vmem>>, vector<16xf32>,
      } {sc.loop_unroll_factor = 4 : i64, sc.parallel_access}
      %dma_start3A_486 = arith.constant 1 : i32
      %dma_start3A_487 = arith.constant 0 : i32
      %dma_start3A_488 = tpu.memref_slice %arg23[%dma_start3A_486, %dma_start3A_487] : memref<3x64xi32, #tpu.memory_space<vmem>> -> memref<1x64xi32, #tpu.memory_space<vmem>>
      %dma_start3A_489 = tpu.memref_squeeze %dma_start3A_488 : memref<1x64xi32, #tpu.memory_space<vmem>> -> memref<64xi32, #tpu.memory_space<vmem>>
      %dma_start3A_490 = arith.constant 0 : i32
      %dma_start3A_491 = arith.constant 0 : i32
      %dma_start3A_492 = tpu.memref_slice %arg24[%dma_start3A_490, %dma_start3A_491] : memref<10000x128xf32, #tpu.memory_space<vmem_shared>> -> memref<10000x128xf32, #tpu.memory_space<vmem_shared>>
      tpu.enqueue_indirect_dma source(%arg21 : memref<64x128xf32, #tpu.memory_space<vmem>>) target(%dma_start3A_492 : memref<10000x128xf32, #tpu.memory_space<vmem_shared>>) offsets(%dma_start3A_489 : memref<64xi32, #tpu.memory_space<vmem>>) semaphore(%arg30 : memref<!tpu.dma_semaphore, #tpu.memory_space<semaphore_mem>>) {add = true}
      %mul3A_493 = arith.constant 3 : i32
      %mul3A_494 = arith.muli %mul3A_493, %scan3A_183 : i32
      %add3A_495 = arith.constant 2 : i32
      %add3A_496 = arith.addi %mul3A_494, %add3A_495 : i32
      %lt3A = arith.constant 51 : i32
      %lt3A_497 = arith.cmpi slt, %scan3A_183, %lt3A : i32
      %convert_element_type3A_498 = arith.extui %lt3A_497 : i1 to i32
      %cond3A_499 = arith.constant 0 : i32
      %cond3A_500 = arith.cmpi ne, %convert_element_type3A_498, %cond3A_499 : i32
      scf.if %cond3A_500 {
        %dma_wait3A_642 = tpu.memref_slice %arg4[%mul3A_32] : memref<320000xi32, #tpu.memory_space<hbm>> -> memref<64xi32, #tpu.memory_space<hbm>>
        %dma_wait3A_643 = tpu.memref_slice %arg4[%mul3A_32] : memref<320000xi32, #tpu.memory_space<hbm>> -> memref<64xi32, #tpu.memory_space<hbm>>
        tpu.wait_dma2 semaphore(%arg32 : memref<!tpu.dma_semaphore, #tpu.memory_space<semaphore_mem>>) src(%dma_wait3A_643 : memref<64xi32, #tpu.memory_space<hbm>>) dst(%arg14 : memref<64xi32, #tpu.memory_space<vmem>>)
        %dma_wait3A_644 = arith.constant 0 : i32
        %dma_wait3A_645 = arith.constant 0 : i32
        %dma_wait3A_646 = tpu.memref_slice %arg11[%dma_wait3A_644, %dma_wait3A_645] : memref<1x64xi32, #tpu.memory_space<vmem>> -> memref<1x64xi32, #tpu.memory_space<vmem>>
        %dma_wait3A_647 = tpu.memref_squeeze %dma_wait3A_646 : memref<1x64xi32, #tpu.memory_space<vmem>> -> memref<64xi32, #tpu.memory_space<vmem>>
        %dma_wait3A_648 = tpu.memref_slice %arg3[%mul3A_32] : memref<320000xi32, #tpu.memory_space<hbm>> -> memref<64xi32, #tpu.memory_space<hbm>>
        %dma_wait3A_649 = arith.constant 0 : i32
        %dma_wait3A_650 = tpu.memref_slice %arg11[%dma_wait3A_644, %dma_wait3A_649] : memref<1x64xi32, #tpu.memory_space<vmem>> -> memref<1x64xi32, #tpu.memory_space<vmem>>
        %dma_wait3A_651 = tpu.memref_squeeze %dma_wait3A_650 : memref<1x64xi32, #tpu.memory_space<vmem>> -> memref<64xi32, #tpu.memory_space<vmem>>
        %dma_wait3A_652 = tpu.memref_slice %arg3[%mul3A_32] : memref<320000xi32, #tpu.memory_space<hbm>> -> memref<64xi32, #tpu.memory_space<hbm>>
        tpu.wait_dma2 semaphore(%arg32 : memref<!tpu.dma_semaphore, #tpu.memory_space<semaphore_mem>>) src(%dma_wait3A_652 : memref<64xi32, #tpu.memory_space<hbm>>) dst(%dma_wait3A_651 : memref<64xi32, #tpu.memory_space<vmem>>)
        %dma_wait3A_653 = arith.constant 0 : i32
        %dma_wait3A_654 = arith.constant 0 : i32
        %dma_wait3A_655 = tpu.memref_slice %arg23[%dma_wait3A_653, %dma_wait3A_654] : memref<3x64xi32, #tpu.memory_space<vmem>> -> memref<1x64xi32, #tpu.memory_space<vmem>>
        %dma_wait3A_656 = tpu.memref_squeeze %dma_wait3A_655 : memref<1x64xi32, #tpu.memory_space<vmem>> -> memref<64xi32, #tpu.memory_space<vmem>>
        %dma_wait3A_657 = arith.constant 0 : i32
        %dma_wait3A_658 = arith.constant 0 : i32
        %dma_wait3A_659 = tpu.memref_slice %arg24[%dma_wait3A_657, %dma_wait3A_658] : memref<10000x128xf32, #tpu.memory_space<vmem_shared>> -> memref<10000x128xf32, #tpu.memory_space<vmem_shared>>
        tpu.wait_indirect_dma semaphore(%arg29 : memref<!tpu.dma_semaphore, #tpu.memory_space<semaphore_mem>>) src(%arg20 : memref<64x128xf32, #tpu.memory_space<vmem>>) dst(%dma_wait3A_659 : memref<10000x128xf32, #tpu.memory_space<vmem_shared>>)
        %dma_start3A_660 = arith.constant 0 : i32
        %dma_start3A_661 = arith.constant 0 : i32
        %dma_start3A_662 = tpu.memref_slice %arg2[%dma_start3A_660, %dma_start3A_661] : memref<10000x128xf32, #tpu.memory_space<hbm>> -> memref<10000x128xf32, #tpu.memory_space<hbm>>
        tpu.enqueue_indirect_dma source(%dma_start3A_662 : memref<10000x128xf32, #tpu.memory_space<hbm>>) target(%arg20 : memref<64x128xf32, #tpu.memory_space<vmem>>) offsets(%arg14 : memref<64xi32, #tpu.memory_space<vmem>>) semaphore(%arg26 : memref<!tpu.dma_semaphore, #tpu.memory_space<semaphore_mem>>)
      } else {
      }
      %dma_wait3A_501 = arith.constant 0 : i32
      %dma_wait3A_502 = arith.constant 0 : i32
      %dma_wait3A_503 = tpu.memref_slice %arg2[%dma_wait3A_501, %dma_wait3A_502] : memref<10000x128xf32, #tpu.memory_space<hbm>> -> memref<10000x128xf32, #tpu.memory_space<hbm>>
      tpu.wait_indirect_dma semaphore(%arg28 : memref<!tpu.dma_semaphore, #tpu.memory_space<semaphore_mem>>) src(%dma_wait3A_503 : memref<10000x128xf32, #tpu.memory_space<hbm>>) dst(%arg22 : memref<64x128xf32, #tpu.memory_space<vmem>>)
      %get3A_504 = arith.constant 0 : i32
      %get3A_505 = arith.index_cast %get3A_504 : i32 to index
      %get3A_506 = arith.constant 0 : index
      %get3A_507 = tpu.vector_load %arg13[%get3A_505, %get3A_506] {strides = array<i32>} : memref<1x64xi32, #tpu.memory_space<vmem>>, vector<16xi32>,
      %get3A_508 = arith.constant 0 : index
      %get3A_509 = tpu.vector_load %arg16[%get3A_508] {strides = array<i32>} : memref<64xi32, #tpu.memory_space<vmem>>, vector<16xi32>,
      %gather3A_510 = tpu.vector_load_idx %arg9[%get3A_507] : memref<10000xf32, #tpu.memory_space<vmem>>[vector<16xi32>], vector<16xf32>,
      %gather3A_511 = tpu.vector_load_idx %arg10[%get3A_509] : memref<10000xf32, #tpu.memory_space<vmem>>[vector<16xi32>], vector<16xf32>,
      %add3A_512 = arith.addf %gather3A_510, %gather3A_511 : vector<16xf32>
      %gt3A_513 = arith.constant 0.000000e+00 : f32
      %gt3A_514 = vector.broadcast %gt3A_513 : f32 to vector<16xf32>
      %gt3A_515 = arith.cmpf ogt, %add3A_512, %gt3A_514 : vector<16xf32>
      %mul3A_516 = arith.constant 2.000000e-01 : f32
      %mul3A_517 = vector.broadcast %mul3A_516 : f32 to vector<16xf32>
      %mul3A_518 = arith.mulf %mul3A_517, %add3A_512 : vector<16xf32>
      %select_n3A_519 = arith.select %gt3A_515, %add3A_512, %mul3A_518 : vector<16xi1>, vector<16xf32>
      %exp3A_520 = math.exp %select_n3A_519 : vector<16xf32>
      %swap3A_521 = arith.constant 0 : index
      %swap3A_522 = tpu.vector_load %arg19[%swap3A_521] {strides = array<i32>} : memref<64xf32, #tpu.memory_space<vmem>>, vector<16xf32>,
      tpu.vector_store %arg19[%swap3A_521], %exp3A_520 {strides = array<i32>} : memref<64xf32, #tpu.memory_space<vmem>>, vector<16xf32>,
      %get3A_523 = arith.constant 0 : i32
      %get3A_524 = arith.index_cast %get3A_523 : i32 to index
      %get3A_525 = arith.constant 16 : index
      %get3A_526 = tpu.vector_load %arg13[%get3A_524, %get3A_525] {strides = array<i32>} : memref<1x64xi32, #tpu.memory_space<vmem>>, vector<16xi32>,
      %get3A_527 = arith.constant 16 : index
      %get3A_528 = tpu.vector_load %arg16[%get3A_527] {strides = array<i32>} : memref<64xi32, #tpu.memory_space<vmem>>, vector<16xi32>,
      %gather3A_529 = tpu.vector_load_idx %arg9[%get3A_526] : memref<10000xf32, #tpu.memory_space<vmem>>[vector<16xi32>], vector<16xf32>,
      %gather3A_530 = tpu.vector_load_idx %arg10[%get3A_528] : memref<10000xf32, #tpu.memory_space<vmem>>[vector<16xi32>], vector<16xf32>,
      %add3A_531 = arith.addf %gather3A_529, %gather3A_530 : vector<16xf32>
      %gt3A_532 = arith.constant 0.000000e+00 : f32
      %gt3A_533 = vector.broadcast %gt3A_532 : f32 to vector<16xf32>
      %gt3A_534 = arith.cmpf ogt, %add3A_531, %gt3A_533 : vector<16xf32>
      %mul3A_535 = arith.constant 2.000000e-01 : f32
      %mul3A_536 = vector.broadcast %mul3A_535 : f32 to vector<16xf32>
      %mul3A_537 = arith.mulf %mul3A_536, %add3A_531 : vector<16xf32>
      %select_n3A_538 = arith.select %gt3A_534, %add3A_531, %mul3A_537 : vector<16xi1>, vector<16xf32>
      %exp3A_539 = math.exp %select_n3A_538 : vector<16xf32>
      %swap3A_540 = arith.constant 16 : index
      %swap3A_541 = tpu.vector_load %arg19[%swap3A_540] {strides = array<i32>} : memref<64xf32, #tpu.memory_space<vmem>>, vector<16xf32>,
      tpu.vector_store %arg19[%swap3A_540], %exp3A_539 {strides = array<i32>} : memref<64xf32, #tpu.memory_space<vmem>>, vector<16xf32>,
      %get3A_542 = arith.constant 0 : i32
      %get3A_543 = arith.index_cast %get3A_542 : i32 to index
      %get3A_544 = arith.constant 32 : index
      %get3A_545 = tpu.vector_load %arg13[%get3A_543, %get3A_544] {strides = array<i32>} : memref<1x64xi32, #tpu.memory_space<vmem>>, vector<16xi32>,
      %get3A_546 = arith.constant 32 : index
      %get3A_547 = tpu.vector_load %arg16[%get3A_546] {strides = array<i32>} : memref<64xi32, #tpu.memory_space<vmem>>, vector<16xi32>,
      %gather3A_548 = tpu.vector_load_idx %arg9[%get3A_545] : memref<10000xf32, #tpu.memory_space<vmem>>[vector<16xi32>], vector<16xf32>,
      %gather3A_549 = tpu.vector_load_idx %arg10[%get3A_547] : memref<10000xf32, #tpu.memory_space<vmem>>[vector<16xi32>], vector<16xf32>,
      %add3A_550 = arith.addf %gather3A_548, %gather3A_549 : vector<16xf32>
      %gt3A_551 = arith.constant 0.000000e+00 : f32
      %gt3A_552 = vector.broadcast %gt3A_551 : f32 to vector<16xf32>
      %gt3A_553 = arith.cmpf ogt, %add3A_550, %gt3A_552 : vector<16xf32>
      %mul3A_554 = arith.constant 2.000000e-01 : f32
      %mul3A_555 = vector.broadcast %mul3A_554 : f32 to vector<16xf32>
      %mul3A_556 = arith.mulf %mul3A_555, %add3A_550 : vector<16xf32>
      %select_n3A_557 = arith.select %gt3A_553, %add3A_550, %mul3A_556 : vector<16xi1>, vector<16xf32>
      %exp3A_558 = math.exp %select_n3A_557 : vector<16xf32>
      %swap3A_559 = arith.constant 32 : index
      %swap3A_560 = tpu.vector_load %arg19[%swap3A_559] {strides = array<i32>} : memref<64xf32, #tpu.memory_space<vmem>>, vector<16xf32>,
      tpu.vector_store %arg19[%swap3A_559], %exp3A_558 {strides = array<i32>} : memref<64xf32, #tpu.memory_space<vmem>>, vector<16xf32>,
      %get3A_561 = arith.constant 0 : i32
      %get3A_562 = arith.index_cast %get3A_561 : i32 to index
      %get3A_563 = arith.constant 48 : index
      %get3A_564 = tpu.vector_load %arg13[%get3A_562, %get3A_563] {strides = array<i32>} : memref<1x64xi32, #tpu.memory_space<vmem>>, vector<16xi32>,
      %get3A_565 = arith.constant 48 : index
      %get3A_566 = tpu.vector_load %arg16[%get3A_565] {strides = array<i32>} : memref<64xi32, #tpu.memory_space<vmem>>, vector<16xi32>,
      %gather3A_567 = tpu.vector_load_idx %arg9[%get3A_564] : memref<10000xf32, #tpu.memory_space<vmem>>[vector<16xi32>], vector<16xf32>,
      %gather3A_568 = tpu.vector_load_idx %arg10[%get3A_566] : memref<10000xf32, #tpu.memory_space<vmem>>[vector<16xi32>], vector<16xf32>,
      %add3A_569 = arith.addf %gather3A_567, %gather3A_568 : vector<16xf32>
      %gt3A_570 = arith.constant 0.000000e+00 : f32
      %gt3A_571 = vector.broadcast %gt3A_570 : f32 to vector<16xf32>
      %gt3A_572 = arith.cmpf ogt, %add3A_569, %gt3A_571 : vector<16xf32>
      %mul3A_573 = arith.constant 2.000000e-01 : f32
      %mul3A_574 = vector.broadcast %mul3A_573 : f32 to vector<16xf32>
      %mul3A_575 = arith.mulf %mul3A_574, %add3A_569 : vector<16xf32>
      %select_n3A_576 = arith.select %gt3A_572, %add3A_569, %mul3A_575 : vector<16xi1>, vector<16xf32>
      %exp3A_577 = math.exp %select_n3A_576 : vector<16xf32>
      %swap3A_578 = arith.constant 48 : index
      %swap3A_579 = tpu.vector_load %arg19[%swap3A_578] {strides = array<i32>} : memref<64xf32, #tpu.memory_space<vmem>>, vector<16xf32>,
      tpu.vector_store %arg19[%swap3A_578], %exp3A_577 {strides = array<i32>} : memref<64xf32, #tpu.memory_space<vmem>>, vector<16xf32>,
      %run_scoped3A_580 = arith.constant 0 : i32
      "tpu.region"() ({
        %run_scoped3A_642 = tpu.sem_alloc : memref<!tpu.dma_semaphore, #tpu.memory_space<semaphore_mem>>
        %dma_start3A_643 = arith.constant 0 : i32
        %dma_start3A_644 = tpu.memref_slice %arg13[%run_scoped3A_580, %dma_start3A_643] : memref<1x64xi32, #tpu.memory_space<vmem>> -> memref<1x64xi32, #tpu.memory_space<vmem>>
        %dma_start3A_645 = tpu.memref_squeeze %dma_start3A_644 : memref<1x64xi32, #tpu.memory_space<vmem>> -> memref<64xi32, #tpu.memory_space<vmem>>
        %dma_start3A_646 = arith.constant 0 : i32
        %dma_start3A_647 = tpu.memref_slice %arg25[%dma_start3A_646] : memref<10000xf32, #tpu.memory_space<vmem_shared>> -> memref<10000xf32, #tpu.memory_space<vmem_shared>>
        tpu.enqueue_indirect_dma source(%arg19 : memref<64xf32, #tpu.memory_space<vmem>>) target(%dma_start3A_647 : memref<10000xf32, #tpu.memory_space<vmem_shared>>) offsets(%dma_start3A_645 : memref<64xi32, #tpu.memory_space<vmem>>) semaphore(%run_scoped3A_642 : memref<!tpu.dma_semaphore, #tpu.memory_space<semaphore_mem>>) {add = true}
        %dma_wait3A_648 = arith.constant 0 : i32
        %dma_wait3A_649 = tpu.memref_slice %arg13[%run_scoped3A_580, %dma_wait3A_648] : memref<1x64xi32, #tpu.memory_space<vmem>> -> memref<1x64xi32, #tpu.memory_space<vmem>>
        %dma_wait3A_650 = tpu.memref_squeeze %dma_wait3A_649 : memref<1x64xi32, #tpu.memory_space<vmem>> -> memref<64xi32, #tpu.memory_space<vmem>>
        %dma_wait3A_651 = arith.constant 0 : i32
        %dma_wait3A_652 = tpu.memref_slice %arg25[%dma_wait3A_651] : memref<10000xf32, #tpu.memory_space<vmem_shared>> -> memref<10000xf32, #tpu.memory_space<vmem_shared>>
        tpu.wait_indirect_dma semaphore(%run_scoped3A_642 : memref<!tpu.dma_semaphore, #tpu.memory_space<semaphore_mem>>) src(%arg19 : memref<64xf32, #tpu.memory_space<vmem>>) dst(%dma_wait3A_652 : memref<10000xf32, #tpu.memory_space<vmem_shared>>)
        tpu.yield
      }) : () -> ()
      %get3A_581 = arith.constant 0 : i32
      %get3A_582 = arith.index_cast %get3A_581 : i32 to index
      %get3A_583 = arith.constant 0 : index
      %get3A_584 = tpu.vector_load %arg13[%get3A_582, %get3A_583] {strides = array<i32>} : memref<1x64xi32, #tpu.memory_space<vmem>>, vector<16xi32>,
      %swap3A_585 = arith.constant 2 : i32
      %swap3A_586 = arith.index_cast %swap3A_585 : i32 to index
      %swap3A_587 = arith.constant 0 : index
      %swap3A_588 = tpu.vector_load %arg23[%swap3A_586, %swap3A_587] {strides = array<i32>} : memref<3x64xi32, #tpu.memory_space<vmem>>, vector<16xi32>,
      tpu.vector_store %arg23[%swap3A_586, %swap3A_587], %get3A_584 {strides = array<i32>} : memref<3x64xi32, #tpu.memory_space<vmem>>, vector<16xi32>,
      %get3A_589 = arith.constant 0 : i32
      %get3A_590 = arith.index_cast %get3A_589 : i32 to index
      %get3A_591 = arith.constant 16 : index
      %get3A_592 = tpu.vector_load %arg13[%get3A_590, %get3A_591] {strides = array<i32>} : memref<1x64xi32, #tpu.memory_space<vmem>>, vector<16xi32>,
      %swap3A_593 = arith.constant 2 : i32
      %swap3A_594 = arith.index_cast %swap3A_593 : i32 to index
      %swap3A_595 = arith.constant 16 : index
      %swap3A_596 = tpu.vector_load %arg23[%swap3A_594, %swap3A_595] {strides = array<i32>} : memref<3x64xi32, #tpu.memory_space<vmem>>, vector<16xi32>,
      tpu.vector_store %arg23[%swap3A_594, %swap3A_595], %get3A_592 {strides = array<i32>} : memref<3x64xi32, #tpu.memory_space<vmem>>, vector<16xi32>,
      %get3A_597 = arith.constant 0 : i32
      %get3A_598 = arith.index_cast %get3A_597 : i32 to index
      %get3A_599 = arith.constant 32 : index
      %get3A_600 = tpu.vector_load %arg13[%get3A_598, %get3A_599] {strides = array<i32>} : memref<1x64xi32, #tpu.memory_space<vmem>>, vector<16xi32>,
      %swap3A_601 = arith.constant 2 : i32
      %swap3A_602 = arith.index_cast %swap3A_601 : i32 to index
      %swap3A_603 = arith.constant 32 : index
      %swap3A_604 = tpu.vector_load %arg23[%swap3A_602, %swap3A_603] {strides = array<i32>} : memref<3x64xi32, #tpu.memory_space<vmem>>, vector<16xi32>,
      tpu.vector_store %arg23[%swap3A_602, %swap3A_603], %get3A_600 {strides = array<i32>} : memref<3x64xi32, #tpu.memory_space<vmem>>, vector<16xi32>,
      %get3A_605 = arith.constant 0 : i32
      %get3A_606 = arith.index_cast %get3A_605 : i32 to index
      %get3A_607 = arith.constant 48 : index
      %get3A_608 = tpu.vector_load %arg13[%get3A_606, %get3A_607] {strides = array<i32>} : memref<1x64xi32, #tpu.memory_space<vmem>>, vector<16xi32>,
      %swap3A_609 = arith.constant 2 : i32
      %swap3A_610 = arith.index_cast %swap3A_609 : i32 to index
      %swap3A_611 = arith.constant 48 : index
      %swap3A_612 = tpu.vector_load %arg23[%swap3A_610, %swap3A_611] {strides = array<i32>} : memref<3x64xi32, #tpu.memory_space<vmem>>, vector<16xi32>,
      tpu.vector_store %arg23[%swap3A_610, %swap3A_611], %get3A_608 {strides = array<i32>} : memref<3x64xi32, #tpu.memory_space<vmem>>, vector<16xi32>,
      %add3A_613 = arith.constant 2 : i32
      %add3A_614 = arith.addi %add3A_496, %add3A_613 : i32
      %rem3A_615 = arith.constant 156 : i32
      %rem3A_616 = arith.remsi %add3A_614, %rem3A_615 : i32
      %mul3A_617 = arith.constant 64 : i32
      %mul3A_618 = arith.muli %rem3A_616, %mul3A_617 : i32
      %add3A_619 = arith.addi %mul3A_32, %mul3A_618 : i32
      %dma_start3A_620 = tpu.memref_slice %arg4[%add3A_619] : memref<320000xi32, #tpu.memory_space<hbm>> -> memref<64xi32, #tpu.memory_space<hbm>>
      %dma_start3A_621 = tpu.memref_slice %arg4[%add3A_619] : memref<320000xi32, #tpu.memory_space<hbm>> -> memref<64xi32, #tpu.memory_space<hbm>>
      tpu.enqueue_dma source(%dma_start3A_621 : memref<64xi32, #tpu.memory_space<hbm>>) target(%arg15 : memref<64xi32, #tpu.memory_space<vmem>>) target_semaphore(%arg33 : memref<!tpu.dma_semaphore, #tpu.memory_space<semaphore_mem>>)
      %add3A_622 = arith.addi %mul3A_32, %mul3A_618 : i32
      %dma_start3A_623 = arith.constant 0 : i32
      %dma_start3A_624 = arith.constant 0 : i32
      %dma_start3A_625 = tpu.memref_slice %arg12[%dma_start3A_623, %dma_start3A_624] : memref<1x64xi32, #tpu.memory_space<vmem>> -> memref<1x64xi32, #tpu.memory_space<vmem>>
      %dma_start3A_626 = tpu.memref_squeeze %dma_start3A_625 : memref<1x64xi32, #tpu.memory_space<vmem>> -> memref<64xi32, #tpu.memory_space<vmem>>
      %dma_start3A_627 = tpu.memref_slice %arg3[%add3A_622] : memref<320000xi32, #tpu.memory_space<hbm>> -> memref<64xi32, #tpu.memory_space<hbm>>
      %dma_start3A_628 = arith.constant 0 : i32
      %dma_start3A_629 = tpu.memref_slice %arg12[%dma_start3A_623, %dma_start3A_628] : memref<1x64xi32, #tpu.memory_space<vmem>> -> memref<1x64xi32, #tpu.memory_space<vmem>>
      %dma_start3A_630 = tpu.memref_squeeze %dma_start3A_629 : memref<1x64xi32, #tpu.memory_space<vmem>> -> memref<64xi32, #tpu.memory_space<vmem>>
      %dma_start3A_631 = tpu.memref_slice %arg3[%add3A_622] : memref<320000xi32, #tpu.memory_space<hbm>> -> memref<64xi32, #tpu.memory_space<hbm>>
      tpu.enqueue_dma source(%dma_start3A_631 : memref<64xi32, #tpu.memory_space<hbm>>) target(%dma_start3A_630 : memref<64xi32, #tpu.memory_space<vmem>>) target_semaphore(%arg33 : memref<!tpu.dma_semaphore, #tpu.memory_space<semaphore_mem>>)
      %parallel_loop3A_632 = arith.constant 0 : i32
      %parallel_loop3A_633 = arith.constant 64 : i32
      %parallel_loop3A_634 = arith.constant 1 : i32
      scf.for %parallel_loop3A_642 = %parallel_loop3A_632 to %parallel_loop3A_633 step %parallel_loop3A_634  : i32 {
        %parallel_loop3A_643 = arith.constant 0 : i32
        %parallel_loop3A_644 = vector.broadcast %parallel_loop3A_643 : i32 to vector<16xi32>
        %parallel_loop3A_645 = vector.broadcast %parallel_loop3A_642 : i32 to vector<16xi32>
        %parallel_loop3A_646 = arith.addi %parallel_loop3A_644, %parallel_loop3A_645 : vector<16xi32>
        %parallel_loop3A_647 = tpu.vector_load_idx %arg19[%parallel_loop3A_646] : memref<64xf32, #tpu.memory_space<vmem>>[vector<16xi32>], vector<16xf32>,
        %parallel_loop3A_648 = arith.index_cast %parallel_loop3A_642 : i32 to index
        %parallel_loop3A_649 = arith.constant 0 : index
        %parallel_loop3A_650 = tpu.vector_load %arg22[%parallel_loop3A_648, %parallel_loop3A_649] {strides = array<i32>} : memref<64x128xf32, #tpu.memory_space<vmem>>, vector<16xf32>,
        %parallel_loop3A_651 = arith.mulf %parallel_loop3A_650, %parallel_loop3A_647 : vector<16xf32>
        %parallel_loop3A_652 = arith.index_cast %parallel_loop3A_642 : i32 to index
        %parallel_loop3A_653 = arith.constant 0 : index
        %parallel_loop3A_654 = tpu.vector_load %arg22[%parallel_loop3A_652, %parallel_loop3A_653] {strides = array<i32>} : memref<64x128xf32, #tpu.memory_space<vmem>>, vector<16xf32>,
        tpu.vector_store %arg22[%parallel_loop3A_652, %parallel_loop3A_653], %parallel_loop3A_651 {strides = array<i32>} : memref<64x128xf32, #tpu.memory_space<vmem>>, vector<16xf32>,
        %parallel_loop3A_655 = arith.index_cast %parallel_loop3A_642 : i32 to index
        %parallel_loop3A_656 = arith.constant 16 : index
        %parallel_loop3A_657 = tpu.vector_load %arg22[%parallel_loop3A_655, %parallel_loop3A_656] {strides = array<i32>} : memref<64x128xf32, #tpu.memory_space<vmem>>, vector<16xf32>,
        %parallel_loop3A_658 = arith.mulf %parallel_loop3A_657, %parallel_loop3A_647 : vector<16xf32>
        %parallel_loop3A_659 = arith.index_cast %parallel_loop3A_642 : i32 to index
        %parallel_loop3A_660 = arith.constant 16 : index
        %parallel_loop3A_661 = tpu.vector_load %arg22[%parallel_loop3A_659, %parallel_loop3A_660] {strides = array<i32>} : memref<64x128xf32, #tpu.memory_space<vmem>>, vector<16xf32>,
        tpu.vector_store %arg22[%parallel_loop3A_659, %parallel_loop3A_660], %parallel_loop3A_658 {strides = array<i32>} : memref<64x128xf32, #tpu.memory_space<vmem>>, vector<16xf32>,
        %parallel_loop3A_662 = arith.index_cast %parallel_loop3A_642 : i32 to index
        %parallel_loop3A_663 = arith.constant 32 : index
        %parallel_loop3A_664 = tpu.vector_load %arg22[%parallel_loop3A_662, %parallel_loop3A_663] {strides = array<i32>} : memref<64x128xf32, #tpu.memory_space<vmem>>, vector<16xf32>,
        %parallel_loop3A_665 = arith.mulf %parallel_loop3A_664, %parallel_loop3A_647 : vector<16xf32>
        %parallel_loop3A_666 = arith.index_cast %parallel_loop3A_642 : i32 to index
        %parallel_loop3A_667 = arith.constant 32 : index
        %parallel_loop3A_668 = tpu.vector_load %arg22[%parallel_loop3A_666, %parallel_loop3A_667] {strides = array<i32>} : memref<64x128xf32, #tpu.memory_space<vmem>>, vector<16xf32>,
        tpu.vector_store %arg22[%parallel_loop3A_666, %parallel_loop3A_667], %parallel_loop3A_665 {strides = array<i32>} : memref<64x128xf32, #tpu.memory_space<vmem>>, vector<16xf32>,
        %parallel_loop3A_669 = arith.index_cast %parallel_loop3A_642 : i32 to index
        %parallel_loop3A_670 = arith.constant 48 : index
        %parallel_loop3A_671 = tpu.vector_load %arg22[%parallel_loop3A_669, %parallel_loop3A_670] {strides = array<i32>} : memref<64x128xf32, #tpu.memory_space<vmem>>, vector<16xf32>,
        %parallel_loop3A_672 = arith.mulf %parallel_loop3A_671, %parallel_loop3A_647 : vector<16xf32>
        %parallel_loop3A_673 = arith.index_cast %parallel_loop3A_642 : i32 to index
        %parallel_loop3A_674 = arith.constant 48 : index
        %parallel_loop3A_675 = tpu.vector_load %arg22[%parallel_loop3A_673, %parallel_loop3A_674] {strides = array<i32>} : memref<64x128xf32, #tpu.memory_space<vmem>>, vector<16xf32>,
        tpu.vector_store %arg22[%parallel_loop3A_673, %parallel_loop3A_674], %parallel_loop3A_672 {strides = array<i32>} : memref<64x128xf32, #tpu.memory_space<vmem>>, vector<16xf32>,
        %parallel_loop3A_676 = arith.index_cast %parallel_loop3A_642 : i32 to index
        %parallel_loop3A_677 = arith.constant 64 : index
        %parallel_loop3A_678 = tpu.vector_load %arg22[%parallel_loop3A_676, %parallel_loop3A_677] {strides = array<i32>} : memref<64x128xf32, #tpu.memory_space<vmem>>, vector<16xf32>,
        %parallel_loop3A_679 = arith.mulf %parallel_loop3A_678, %parallel_loop3A_647 : vector<16xf32>
        %parallel_loop3A_680 = arith.index_cast %parallel_loop3A_642 : i32 to index
        %parallel_loop3A_681 = arith.constant 64 : index
        %parallel_loop3A_682 = tpu.vector_load %arg22[%parallel_loop3A_680, %parallel_loop3A_681] {strides = array<i32>} : memref<64x128xf32, #tpu.memory_space<vmem>>, vector<16xf32>,
        tpu.vector_store %arg22[%parallel_loop3A_680, %parallel_loop3A_681], %parallel_loop3A_679 {strides = array<i32>} : memref<64x128xf32, #tpu.memory_space<vmem>>, vector<16xf32>,
        %parallel_loop3A_683 = arith.index_cast %parallel_loop3A_642 : i32 to index
        %parallel_loop3A_684 = arith.constant 80 : index
        %parallel_loop3A_685 = tpu.vector_load %arg22[%parallel_loop3A_683, %parallel_loop3A_684] {strides = array<i32>} : memref<64x128xf32, #tpu.memory_space<vmem>>, vector<16xf32>,
        %parallel_loop3A_686 = arith.mulf %parallel_loop3A_685, %parallel_loop3A_647 : vector<16xf32>
        %parallel_loop3A_687 = arith.index_cast %parallel_loop3A_642 : i32 to index
        %parallel_loop3A_688 = arith.constant 80 : index
        %parallel_loop3A_689 = tpu.vector_load %arg22[%parallel_loop3A_687, %parallel_loop3A_688] {strides = array<i32>} : memref<64x128xf32, #tpu.memory_space<vmem>>, vector<16xf32>,
        tpu.vector_store %arg22[%parallel_loop3A_687, %parallel_loop3A_688], %parallel_loop3A_686 {strides = array<i32>} : memref<64x128xf32, #tpu.memory_space<vmem>>, vector<16xf32>,
        %parallel_loop3A_690 = arith.index_cast %parallel_loop3A_642 : i32 to index
        %parallel_loop3A_691 = arith.constant 96 : index
        %parallel_loop3A_692 = tpu.vector_load %arg22[%parallel_loop3A_690, %parallel_loop3A_691] {strides = array<i32>} : memref<64x128xf32, #tpu.memory_space<vmem>>, vector<16xf32>,
        %parallel_loop3A_693 = arith.mulf %parallel_loop3A_692, %parallel_loop3A_647 : vector<16xf32>
        %parallel_loop3A_694 = arith.index_cast %parallel_loop3A_642 : i32 to index
        %parallel_loop3A_695 = arith.constant 96 : index
        %parallel_loop3A_696 = tpu.vector_load %arg22[%parallel_loop3A_694, %parallel_loop3A_695] {strides = array<i32>} : memref<64x128xf32, #tpu.memory_space<vmem>>, vector<16xf32>,
        tpu.vector_store %arg22[%parallel_loop3A_694, %parallel_loop3A_695], %parallel_loop3A_693 {strides = array<i32>} : memref<64x128xf32, #tpu.memory_space<vmem>>, vector<16xf32>,
        %parallel_loop3A_697 = arith.index_cast %parallel_loop3A_642 : i32 to index
        %parallel_loop3A_698 = arith.constant 112 : index
        %parallel_loop3A_699 = tpu.vector_load %arg22[%parallel_loop3A_697, %parallel_loop3A_698] {strides = array<i32>} : memref<64x128xf32, #tpu.memory_space<vmem>>, vector<16xf32>,
        %parallel_loop3A_700 = arith.mulf %parallel_loop3A_699, %parallel_loop3A_647 : vector<16xf32>
        %parallel_loop3A_701 = arith.index_cast %parallel_loop3A_642 : i32 to index
        %parallel_loop3A_702 = arith.constant 112 : index
        %parallel_loop3A_703 = tpu.vector_load %arg22[%parallel_loop3A_701, %parallel_loop3A_702] {strides = array<i32>} : memref<64x128xf32, #tpu.memory_space<vmem>>, vector<16xf32>,
        tpu.vector_store %arg22[%parallel_loop3A_701, %parallel_loop3A_702], %parallel_loop3A_700 {strides = array<i32>} : memref<64x128xf32, #tpu.memory_space<vmem>>, vector<16xf32>,
      } {sc.loop_unroll_factor = 4 : i64, sc.parallel_access}
      %dma_start3A_635 = arith.constant 2 : i32
      %dma_start3A_636 = arith.constant 0 : i32
      %dma_start3A_637 = tpu.memref_slice %arg23[%dma_start3A_635, %dma_start3A_636] : memref<3x64xi32, #tpu.memory_space<vmem>> -> memref<1x64xi32, #tpu.memory_space<vmem>>
      %dma_start3A_638 = tpu.memref_squeeze %dma_start3A_637 : memref<1x64xi32, #tpu.memory_space<vmem>> -> memref<64xi32, #tpu.memory_space<vmem>>
      %dma_start3A_639 = arith.constant 0 : i32
      %dma_start3A_640 = arith.constant 0 : i32
      %dma_start3A_641 = tpu.memref_slice %arg24[%dma_start3A_639, %dma_start3A_640] : memref<10000x128xf32, #tpu.memory_space<vmem_shared>> -> memref<10000x128xf32, #tpu.memory_space<vmem_shared>>
      tpu.enqueue_indirect_dma source(%arg22 : memref<64x128xf32, #tpu.memory_space<vmem>>) target(%dma_start3A_641 : memref<10000x128xf32, #tpu.memory_space<vmem_shared>>) offsets(%dma_start3A_638 : memref<64xi32, #tpu.memory_space<vmem>>) semaphore(%arg31 : memref<!tpu.dma_semaphore, #tpu.memory_space<semaphore_mem>>) {add = true}
    }
    %scan3A_85 = arith.constant 52 : i32
    %dma_wait3A_86 = arith.constant 0 : i32
    %dma_wait3A_87 = arith.constant 0 : i32
    %dma_wait3A_88 = tpu.memref_slice %arg23[%dma_wait3A_86, %dma_wait3A_87] : memref<3x64xi32, #tpu.memory_space<vmem>> -> memref<1x64xi32, #tpu.memory_space<vmem>>
    %dma_wait3A_89 = tpu.memref_squeeze %dma_wait3A_88 : memref<1x64xi32, #tpu.memory_space<vmem>> -> memref<64xi32, #tpu.memory_space<vmem>>
    %dma_wait3A_90 = arith.constant 0 : i32
    %dma_wait3A_91 = arith.constant 0 : i32
    %dma_wait3A_92 = tpu.memref_slice %arg24[%dma_wait3A_90, %dma_wait3A_91] : memref<10000x128xf32, #tpu.memory_space<vmem_shared>> -> memref<10000x128xf32, #tpu.memory_space<vmem_shared>>
    tpu.wait_indirect_dma semaphore(%arg29 : memref<!tpu.dma_semaphore, #tpu.memory_space<semaphore_mem>>) src(%arg20 : memref<64x128xf32, #tpu.memory_space<vmem>>) dst(%dma_wait3A_92 : memref<10000x128xf32, #tpu.memory_space<vmem_shared>>)
    %dma_wait3A_93 = arith.constant 1 : i32
    %dma_wait3A_94 = arith.constant 0 : i32
    %dma_wait3A_95 = tpu.memref_slice %arg23[%dma_wait3A_93, %dma_wait3A_94] : memref<3x64xi32, #tpu.memory_space<vmem>> -> memref<1x64xi32, #tpu.memory_space<vmem>>
    %dma_wait3A_96 = tpu.memref_squeeze %dma_wait3A_95 : memref<1x64xi32, #tpu.memory_space<vmem>> -> memref<64xi32, #tpu.memory_space<vmem>>
    %dma_wait3A_97 = arith.constant 0 : i32
    %dma_wait3A_98 = arith.constant 0 : i32
    %dma_wait3A_99 = tpu.memref_slice %arg24[%dma_wait3A_97, %dma_wait3A_98] : memref<10000x128xf32, #tpu.memory_space<vmem_shared>> -> memref<10000x128xf32, #tpu.memory_space<vmem_shared>>
    tpu.wait_indirect_dma semaphore(%arg30 : memref<!tpu.dma_semaphore, #tpu.memory_space<semaphore_mem>>) src(%arg21 : memref<64x128xf32, #tpu.memory_space<vmem>>) dst(%dma_wait3A_99 : memref<10000x128xf32, #tpu.memory_space<vmem_shared>>)
    %dma_wait3A_100 = tpu.memref_slice %arg4[%mul3A_32] : memref<320000xi32, #tpu.memory_space<hbm>> -> memref<64xi32, #tpu.memory_space<hbm>>
    %dma_wait3A_101 = tpu.memref_slice %arg4[%mul3A_32] : memref<320000xi32, #tpu.memory_space<hbm>> -> memref<64xi32, #tpu.memory_space<hbm>>
    tpu.wait_dma2 semaphore(%arg32 : memref<!tpu.dma_semaphore, #tpu.memory_space<semaphore_mem>>) src(%dma_wait3A_101 : memref<64xi32, #tpu.memory_space<hbm>>) dst(%arg14 : memref<64xi32, #tpu.memory_space<vmem>>)
    %dma_wait3A_102 = arith.constant 0 : i32
    %dma_wait3A_103 = arith.constant 0 : i32
    %dma_wait3A_104 = tpu.memref_slice %arg11[%dma_wait3A_102, %dma_wait3A_103] : memref<1x64xi32, #tpu.memory_space<vmem>> -> memref<1x64xi32, #tpu.memory_space<vmem>>
    %dma_wait3A_105 = tpu.memref_squeeze %dma_wait3A_104 : memref<1x64xi32, #tpu.memory_space<vmem>> -> memref<64xi32, #tpu.memory_space<vmem>>
    %dma_wait3A_106 = tpu.memref_slice %arg3[%mul3A_32] : memref<320000xi32, #tpu.memory_space<hbm>> -> memref<64xi32, #tpu.memory_space<hbm>>
    %dma_wait3A_107 = arith.constant 0 : i32
    %dma_wait3A_108 = tpu.memref_slice %arg11[%dma_wait3A_102, %dma_wait3A_107] : memref<1x64xi32, #tpu.memory_space<vmem>> -> memref<1x64xi32, #tpu.memory_space<vmem>>
    %dma_wait3A_109 = tpu.memref_squeeze %dma_wait3A_108 : memref<1x64xi32, #tpu.memory_space<vmem>> -> memref<64xi32, #tpu.memory_space<vmem>>
    %dma_wait3A_110 = tpu.memref_slice %arg3[%mul3A_32] : memref<320000xi32, #tpu.memory_space<hbm>> -> memref<64xi32, #tpu.memory_space<hbm>>
    tpu.wait_dma2 semaphore(%arg32 : memref<!tpu.dma_semaphore, #tpu.memory_space<semaphore_mem>>) src(%dma_wait3A_110 : memref<64xi32, #tpu.memory_space<hbm>>) dst(%dma_wait3A_109 : memref<64xi32, #tpu.memory_space<vmem>>)
    %dma_wait3A_111 = arith.constant 2 : i32
    %dma_wait3A_112 = arith.constant 0 : i32
    %dma_wait3A_113 = tpu.memref_slice %arg23[%dma_wait3A_111, %dma_wait3A_112] : memref<3x64xi32, #tpu.memory_space<vmem>> -> memref<1x64xi32, #tpu.memory_space<vmem>>
    %dma_wait3A_114 = tpu.memref_squeeze %dma_wait3A_113 : memref<1x64xi32, #tpu.memory_space<vmem>> -> memref<64xi32, #tpu.memory_space<vmem>>
    %dma_wait3A_115 = arith.constant 0 : i32
    %dma_wait3A_116 = arith.constant 0 : i32
    %dma_wait3A_117 = tpu.memref_slice %arg24[%dma_wait3A_115, %dma_wait3A_116] : memref<10000x128xf32, #tpu.memory_space<vmem_shared>> -> memref<10000x128xf32, #tpu.memory_space<vmem_shared>>
    tpu.wait_indirect_dma semaphore(%arg31 : memref<!tpu.dma_semaphore, #tpu.memory_space<semaphore_mem>>) src(%arg22 : memref<64x128xf32, #tpu.memory_space<vmem>>) dst(%dma_wait3A_117 : memref<10000x128xf32, #tpu.memory_space<vmem_shared>>)
    %dma_wait3A_118 = tpu.memref_slice %arg4[%mul3A_32] : memref<320000xi32, #tpu.memory_space<hbm>> -> memref<64xi32, #tpu.memory_space<hbm>>
    %dma_wait3A_119 = tpu.memref_slice %arg4[%mul3A_32] : memref<320000xi32, #tpu.memory_space<hbm>> -> memref<64xi32, #tpu.memory_space<hbm>>
    tpu.wait_dma2 semaphore(%arg33 : memref<!tpu.dma_semaphore, #tpu.memory_space<semaphore_mem>>) src(%dma_wait3A_119 : memref<64xi32, #tpu.memory_space<hbm>>) dst(%arg15 : memref<64xi32, #tpu.memory_space<vmem>>)
    %dma_wait3A_120 = arith.constant 0 : i32
    %dma_wait3A_121 = arith.constant 0 : i32
    %dma_wait3A_122 = tpu.memref_slice %arg12[%dma_wait3A_120, %dma_wait3A_121] : memref<1x64xi32, #tpu.memory_space<vmem>> -> memref<1x64xi32, #tpu.memory_space<vmem>>
    %dma_wait3A_123 = tpu.memref_squeeze %dma_wait3A_122 : memref<1x64xi32, #tpu.memory_space<vmem>> -> memref<64xi32, #tpu.memory_space<vmem>>
    %dma_wait3A_124 = tpu.memref_slice %arg3[%mul3A_32] : memref<320000xi32, #tpu.memory_space<hbm>> -> memref<64xi32, #tpu.memory_space<hbm>>
    %dma_wait3A_125 = arith.constant 0 : i32
    %dma_wait3A_126 = tpu.memref_slice %arg12[%dma_wait3A_120, %dma_wait3A_125] : memref<1x64xi32, #tpu.memory_space<vmem>> -> memref<1x64xi32, #tpu.memory_space<vmem>>
    %dma_wait3A_127 = tpu.memref_squeeze %dma_wait3A_126 : memref<1x64xi32, #tpu.memory_space<vmem>> -> memref<64xi32, #tpu.memory_space<vmem>>
    %dma_wait3A_128 = tpu.memref_slice %arg3[%mul3A_32] : memref<320000xi32, #tpu.memory_space<hbm>> -> memref<64xi32, #tpu.memory_space<hbm>>
    tpu.wait_dma2 semaphore(%arg33 : memref<!tpu.dma_semaphore, #tpu.memory_space<semaphore_mem>>) src(%dma_wait3A_128 : memref<64xi32, #tpu.memory_space<hbm>>) dst(%dma_wait3A_127 : memref<64xi32, #tpu.memory_space<vmem>>)
    %add3A_129 = arith.constant 9984 : i32
    %add3A_130 = arith.addi %mul3A_32, %add3A_129 : i32
    "tpu.region"() ({
      %run_scoped3A_183 = tpu.sem_alloc : memref<!tpu.dma_semaphore, #tpu.memory_space<semaphore_mem>>
      %dma_start3A_184 = arith.constant 0 : i32
      %dma_start3A_185 = tpu.memref_slice %arg14[%dma_start3A_184] : memref<64xi32, #tpu.memory_space<vmem>> -> memref<16xi32, #tpu.memory_space<vmem>>
      %dma_start3A_186 = tpu.memref_slice %arg4[%add3A_130] : memref<320000xi32, #tpu.memory_space<hbm>> -> memref<16xi32, #tpu.memory_space<hbm>>
      %dma_start3A_187 = arith.constant 0 : i32
      %dma_start3A_188 = tpu.memref_slice %arg14[%dma_start3A_187] : memref<64xi32, #tpu.memory_space<vmem>> -> memref<16xi32, #tpu.memory_space<vmem>>
      %dma_start3A_189 = tpu.memref_slice %arg4[%add3A_130] : memref<320000xi32, #tpu.memory_space<hbm>> -> memref<16xi32, #tpu.memory_space<hbm>>
      tpu.enqueue_dma source(%dma_start3A_189 : memref<16xi32, #tpu.memory_space<hbm>>) target(%dma_start3A_188 : memref<16xi32, #tpu.memory_space<vmem>>) target_semaphore(%run_scoped3A_183 : memref<!tpu.dma_semaphore, #tpu.memory_space<semaphore_mem>>)
      %dma_wait3A_190 = arith.constant 0 : i32
      %dma_wait3A_191 = tpu.memref_slice %arg14[%dma_wait3A_190] : memref<64xi32, #tpu.memory_space<vmem>> -> memref<16xi32, #tpu.memory_space<vmem>>
      %dma_wait3A_192 = tpu.memref_slice %arg4[%add3A_130] : memref<320000xi32, #tpu.memory_space<hbm>> -> memref<16xi32, #tpu.memory_space<hbm>>
      %dma_wait3A_193 = arith.constant 0 : i32
      %dma_wait3A_194 = tpu.memref_slice %arg14[%dma_wait3A_193] : memref<64xi32, #tpu.memory_space<vmem>> -> memref<16xi32, #tpu.memory_space<vmem>>
      %dma_wait3A_195 = tpu.memref_slice %arg4[%add3A_130] : memref<320000xi32, #tpu.memory_space<hbm>> -> memref<16xi32, #tpu.memory_space<hbm>>
      tpu.wait_dma2 semaphore(%run_scoped3A_183 : memref<!tpu.dma_semaphore, #tpu.memory_space<semaphore_mem>>) src(%dma_wait3A_195 : memref<16xi32, #tpu.memory_space<hbm>>) dst(%dma_wait3A_194 : memref<16xi32, #tpu.memory_space<vmem>>)
      tpu.yield
    }) : () -> ()
    %run_scoped3A = arith.constant 0 : i32
    "tpu.region"() ({
      %run_scoped3A_183 = tpu.sem_alloc : memref<!tpu.dma_semaphore, #tpu.memory_space<semaphore_mem>>
      %dma_start3A_184 = arith.constant 0 : i32
      %dma_start3A_185 = tpu.memref_slice %arg11[%run_scoped3A, %dma_start3A_184] : memref<1x64xi32, #tpu.memory_space<vmem>> -> memref<1x16xi32, #tpu.memory_space<vmem>>
      %dma_start3A_186 = tpu.memref_squeeze %dma_start3A_185 : memref<1x16xi32, #tpu.memory_space<vmem>> -> memref<16xi32, #tpu.memory_space<vmem>>
      %dma_start3A_187 = tpu.memref_slice %arg3[%add3A_130] : memref<320000xi32, #tpu.memory_space<hbm>> -> memref<16xi32, #tpu.memory_space<hbm>>
      %dma_start3A_188 = arith.constant 0 : i32
      %dma_start3A_189 = tpu.memref_slice %arg11[%run_scoped3A, %dma_start3A_188] : memref<1x64xi32, #tpu.memory_space<vmem>> -> memref<1x16xi32, #tpu.memory_space<vmem>>
      %dma_start3A_190 = tpu.memref_squeeze %dma_start3A_189 : memref<1x16xi32, #tpu.memory_space<vmem>> -> memref<16xi32, #tpu.memory_space<vmem>>
      %dma_start3A_191 = tpu.memref_slice %arg3[%add3A_130] : memref<320000xi32, #tpu.memory_space<hbm>> -> memref<16xi32, #tpu.memory_space<hbm>>
      tpu.enqueue_dma source(%dma_start3A_191 : memref<16xi32, #tpu.memory_space<hbm>>) target(%dma_start3A_190 : memref<16xi32, #tpu.memory_space<vmem>>) target_semaphore(%run_scoped3A_183 : memref<!tpu.dma_semaphore, #tpu.memory_space<semaphore_mem>>)
      %dma_wait3A_192 = arith.constant 0 : i32
      %dma_wait3A_193 = tpu.memref_slice %arg11[%run_scoped3A, %dma_wait3A_192] : memref<1x64xi32, #tpu.memory_space<vmem>> -> memref<1x16xi32, #tpu.memory_space<vmem>>
      %dma_wait3A_194 = tpu.memref_squeeze %dma_wait3A_193 : memref<1x16xi32, #tpu.memory_space<vmem>> -> memref<16xi32, #tpu.memory_space<vmem>>
      %dma_wait3A_195 = tpu.memref_slice %arg3[%add3A_130] : memref<320000xi32, #tpu.memory_space<hbm>> -> memref<16xi32, #tpu.memory_space<hbm>>
      %dma_wait3A_196 = arith.constant 0 : i32
      %dma_wait3A_197 = tpu.memref_slice %arg11[%run_scoped3A, %dma_wait3A_196] : memref<1x64xi32, #tpu.memory_space<vmem>> -> memref<1x16xi32, #tpu.memory_space<vmem>>
      %dma_wait3A_198 = tpu.memref_squeeze %dma_wait3A_197 : memref<1x16xi32, #tpu.memory_space<vmem>> -> memref<16xi32, #tpu.memory_space<vmem>>
      %dma_wait3A_199 = tpu.memref_slice %arg3[%add3A_130] : memref<320000xi32, #tpu.memory_space<hbm>> -> memref<16xi32, #tpu.memory_space<hbm>>
      tpu.wait_dma2 semaphore(%run_scoped3A_183 : memref<!tpu.dma_semaphore, #tpu.memory_space<semaphore_mem>>) src(%dma_wait3A_199 : memref<16xi32, #tpu.memory_space<hbm>>) dst(%dma_wait3A_198 : memref<16xi32, #tpu.memory_space<vmem>>)
      tpu.yield
    }) : () -> ()
    %get3A = arith.constant 0 : i32
    %get3A_131 = arith.index_cast %get3A : i32 to index
    %get3A_132 = arith.constant 0 : index
    %get3A_133 = tpu.vector_load %arg11[%get3A_131, %get3A_132] {strides = array<i32>} : memref<1x64xi32, #tpu.memory_space<vmem>>, vector<16xi32>,
    %get3A_134 = arith.constant 0 : index
    %get3A_135 = tpu.vector_load %arg14[%get3A_134] {strides = array<i32>} : memref<64xi32, #tpu.memory_space<vmem>>, vector<16xi32>,
    %gather3A = tpu.vector_load_idx %arg9[%get3A_133] : memref<10000xf32, #tpu.memory_space<vmem>>[vector<16xi32>], vector<16xf32>,
    %gather3A_136 = tpu.vector_load_idx %arg10[%get3A_135] : memref<10000xf32, #tpu.memory_space<vmem>>[vector<16xi32>], vector<16xf32>,
    %add3A_137 = arith.addf %gather3A, %gather3A_136 : vector<16xf32>
    %gt3A = arith.constant 0.000000e+00 : f32
    %gt3A_138 = vector.broadcast %gt3A : f32 to vector<16xf32>
    %gt3A_139 = arith.cmpf ogt, %add3A_137, %gt3A_138 : vector<16xf32>
    %mul3A_140 = arith.constant 2.000000e-01 : f32
    %mul3A_141 = vector.broadcast %mul3A_140 : f32 to vector<16xf32>
    %mul3A_142 = arith.mulf %mul3A_141, %add3A_137 : vector<16xf32>
    %select_n3A = arith.select %gt3A_139, %add3A_137, %mul3A_142 : vector<16xi1>, vector<16xf32>
    %exp3A = math.exp %select_n3A : vector<16xf32>
    %swap3A = arith.constant 0 : index
    %swap3A_143 = tpu.vector_load %arg17[%swap3A] {strides = array<i32>} : memref<64xf32, #tpu.memory_space<vmem>>, vector<16xf32>,
    tpu.vector_store %arg17[%swap3A], %exp3A {strides = array<i32>} : memref<64xf32, #tpu.memory_space<vmem>>, vector<16xf32>,
    %run_scoped3A_144 = arith.constant 0 : i32
    "tpu.region"() ({
      %run_scoped3A_183 = tpu.sem_alloc : memref<!tpu.dma_semaphore, #tpu.memory_space<semaphore_mem>>
      %dma_start3A_184 = arith.constant 0 : i32
      %dma_start3A_185 = tpu.memref_slice %arg17[%dma_start3A_184] : memref<64xf32, #tpu.memory_space<vmem>> -> memref<16xf32, #tpu.memory_space<vmem>>
      %dma_start3A_186 = arith.constant 0 : i32
      %dma_start3A_187 = tpu.memref_slice %arg11[%run_scoped3A_144, %dma_start3A_186] : memref<1x64xi32, #tpu.memory_space<vmem>> -> memref<1x16xi32, #tpu.memory_space<vmem>>
      %dma_start3A_188 = tpu.memref_squeeze %dma_start3A_187 : memref<1x16xi32, #tpu.memory_space<vmem>> -> memref<16xi32, #tpu.memory_space<vmem>>
      %dma_start3A_189 = arith.constant 0 : i32
      %dma_start3A_190 = tpu.memref_slice %arg25[%dma_start3A_189] : memref<10000xf32, #tpu.memory_space<vmem_shared>> -> memref<10000xf32, #tpu.memory_space<vmem_shared>>
      tpu.enqueue_indirect_dma source(%dma_start3A_185 : memref<16xf32, #tpu.memory_space<vmem>>) target(%dma_start3A_190 : memref<10000xf32, #tpu.memory_space<vmem_shared>>) offsets(%dma_start3A_188 : memref<16xi32, #tpu.memory_space<vmem>>) semaphore(%run_scoped3A_183 : memref<!tpu.dma_semaphore, #tpu.memory_space<semaphore_mem>>) {add = true}
      %dma_wait3A_191 = arith.constant 0 : i32
      %dma_wait3A_192 = tpu.memref_slice %arg17[%dma_wait3A_191] : memref<64xf32, #tpu.memory_space<vmem>> -> memref<16xf32, #tpu.memory_space<vmem>>
      %dma_wait3A_193 = arith.constant 0 : i32
      %dma_wait3A_194 = tpu.memref_slice %arg11[%run_scoped3A_144, %dma_wait3A_193] : memref<1x64xi32, #tpu.memory_space<vmem>> -> memref<1x16xi32, #tpu.memory_space<vmem>>
      %dma_wait3A_195 = tpu.memref_squeeze %dma_wait3A_194 : memref<1x16xi32, #tpu.memory_space<vmem>> -> memref<16xi32, #tpu.memory_space<vmem>>
      %dma_wait3A_196 = arith.constant 0 : i32
      %dma_wait3A_197 = tpu.memref_slice %arg25[%dma_wait3A_196] : memref<10000xf32, #tpu.memory_space<vmem_shared>> -> memref<10000xf32, #tpu.memory_space<vmem_shared>>
      tpu.wait_indirect_dma semaphore(%run_scoped3A_183 : memref<!tpu.dma_semaphore, #tpu.memory_space<semaphore_mem>>) src(%dma_wait3A_192 : memref<16xf32, #tpu.memory_space<vmem>>) dst(%dma_wait3A_197 : memref<10000xf32, #tpu.memory_space<vmem_shared>>)
      tpu.yield
    }) : () -> ()
    %dma_start3A_145 = arith.constant 0 : i32
    %dma_start3A_146 = arith.constant 0 : i32
    %dma_start3A_147 = tpu.memref_slice %arg20[%dma_start3A_145, %dma_start3A_146] : memref<64x128xf32, #tpu.memory_space<vmem>> -> memref<16x128xf32, #tpu.memory_space<vmem>>
    %dma_start3A_148 = arith.constant 0 : i32
    %dma_start3A_149 = tpu.memref_slice %arg14[%dma_start3A_148] : memref<64xi32, #tpu.memory_space<vmem>> -> memref<16xi32, #tpu.memory_space<vmem>>
    %dma_start3A_150 = arith.constant 0 : i32
    %dma_start3A_151 = arith.constant 0 : i32
    %dma_start3A_152 = tpu.memref_slice %arg2[%dma_start3A_150, %dma_start3A_151] : memref<10000x128xf32, #tpu.memory_space<hbm>> -> memref<10000x128xf32, #tpu.memory_space<hbm>>
    tpu.enqueue_indirect_dma source(%dma_start3A_152 : memref<10000x128xf32, #tpu.memory_space<hbm>>) target(%dma_start3A_147 : memref<16x128xf32, #tpu.memory_space<vmem>>) offsets(%dma_start3A_149 : memref<16xi32, #tpu.memory_space<vmem>>) semaphore(%arg26 : memref<!tpu.dma_semaphore, #tpu.memory_space<semaphore_mem>>)
    %dma_wait3A_153 = arith.constant 0 : i32
    %dma_wait3A_154 = arith.constant 0 : i32
    %dma_wait3A_155 = tpu.memref_slice %arg20[%dma_wait3A_153, %dma_wait3A_154] : memref<64x128xf32, #tpu.memory_space<vmem>> -> memref<16x128xf32, #tpu.memory_space<vmem>>
    %dma_wait3A_156 = arith.constant 0 : i32
    %dma_wait3A_157 = tpu.memref_slice %arg14[%dma_wait3A_156] : memref<64xi32, #tpu.memory_space<vmem>> -> memref<16xi32, #tpu.memory_space<vmem>>
    %dma_wait3A_158 = arith.constant 0 : i32
    %dma_wait3A_159 = arith.constant 0 : i32
    %dma_wait3A_160 = tpu.memref_slice %arg2[%dma_wait3A_158, %dma_wait3A_159] : memref<10000x128xf32, #tpu.memory_space<hbm>> -> memref<10000x128xf32, #tpu.memory_space<hbm>>
    tpu.wait_indirect_dma semaphore(%arg26 : memref<!tpu.dma_semaphore, #tpu.memory_space<semaphore_mem>>) src(%dma_wait3A_160 : memref<10000x128xf32, #tpu.memory_space<hbm>>) dst(%dma_wait3A_155 : memref<16x128xf32, #tpu.memory_space<vmem>>)
    %scan3A_161 = arith.constant 0 : i32
    %scan3A_162 = arith.constant 0 : i32
    %scan3A_163 = arith.constant 16 : i32
    %scan3A_164 = arith.addi %scan3A_162, %scan3A_163 : i32
    %scan3A_165 = arith.constant 1 : i32
    scf.for %scan3A_183 = %scan3A_162 to %scan3A_164 step %scan3A_165  : i32 {
      %broadcast_in_dim3A = arith.constant 0 : i32
      %broadcast_in_dim3A_184 = vector.broadcast %broadcast_in_dim3A : i32 to vector<16xi32>
      %add3A_185 = vector.broadcast %scan3A_183 : i32 to vector<16xi32>
      %add3A_186 = arith.addi %broadcast_in_dim3A_184, %add3A_185 : vector<16xi32>
      %gather3A_187 = tpu.vector_load_idx %arg17[%add3A_186] : memref<64xf32, #tpu.memory_space<vmem>>[vector<16xi32>], vector<16xf32>,
      %get3A_188 = arith.index_cast %scan3A_183 : i32 to index
      %get3A_189 = arith.constant 0 : index
      %get3A_190 = tpu.vector_load %arg20[%get3A_188, %get3A_189] {strides = array<i32>} : memref<64x128xf32, #tpu.memory_space<vmem>>, vector<16xf32>,
      %mul3A_191 = arith.mulf %get3A_190, %gather3A_187 : vector<16xf32>
      %swap3A_192 = arith.index_cast %scan3A_183 : i32 to index
      %swap3A_193 = arith.constant 0 : index
      %swap3A_194 = tpu.vector_load %arg20[%swap3A_192, %swap3A_193] {strides = array<i32>} : memref<64x128xf32, #tpu.memory_space<vmem>>, vector<16xf32>,
      tpu.vector_store %arg20[%swap3A_192, %swap3A_193], %mul3A_191 {strides = array<i32>} : memref<64x128xf32, #tpu.memory_space<vmem>>, vector<16xf32>,
      %get3A_195 = arith.index_cast %scan3A_183 : i32 to index
      %get3A_196 = arith.constant 16 : index
      %get3A_197 = tpu.vector_load %arg20[%get3A_195, %get3A_196] {strides = array<i32>} : memref<64x128xf32, #tpu.memory_space<vmem>>, vector<16xf32>,
      %mul3A_198 = arith.mulf %get3A_197, %gather3A_187 : vector<16xf32>
      %swap3A_199 = arith.index_cast %scan3A_183 : i32 to index
      %swap3A_200 = arith.constant 16 : index
      %swap3A_201 = tpu.vector_load %arg20[%swap3A_199, %swap3A_200] {strides = array<i32>} : memref<64x128xf32, #tpu.memory_space<vmem>>, vector<16xf32>,
      tpu.vector_store %arg20[%swap3A_199, %swap3A_200], %mul3A_198 {strides = array<i32>} : memref<64x128xf32, #tpu.memory_space<vmem>>, vector<16xf32>,
      %get3A_202 = arith.index_cast %scan3A_183 : i32 to index
      %get3A_203 = arith.constant 32 : index
      %get3A_204 = tpu.vector_load %arg20[%get3A_202, %get3A_203] {strides = array<i32>} : memref<64x128xf32, #tpu.memory_space<vmem>>, vector<16xf32>,
      %mul3A_205 = arith.mulf %get3A_204, %gather3A_187 : vector<16xf32>
      %swap3A_206 = arith.index_cast %scan3A_183 : i32 to index
      %swap3A_207 = arith.constant 32 : index
      %swap3A_208 = tpu.vector_load %arg20[%swap3A_206, %swap3A_207] {strides = array<i32>} : memref<64x128xf32, #tpu.memory_space<vmem>>, vector<16xf32>,
      tpu.vector_store %arg20[%swap3A_206, %swap3A_207], %mul3A_205 {strides = array<i32>} : memref<64x128xf32, #tpu.memory_space<vmem>>, vector<16xf32>,
      %get3A_209 = arith.index_cast %scan3A_183 : i32 to index
      %get3A_210 = arith.constant 48 : index
      %get3A_211 = tpu.vector_load %arg20[%get3A_209, %get3A_210] {strides = array<i32>} : memref<64x128xf32, #tpu.memory_space<vmem>>, vector<16xf32>,
      %mul3A_212 = arith.mulf %get3A_211, %gather3A_187 : vector<16xf32>
      %swap3A_213 = arith.index_cast %scan3A_183 : i32 to index
      %swap3A_214 = arith.constant 48 : index
      %swap3A_215 = tpu.vector_load %arg20[%swap3A_213, %swap3A_214] {strides = array<i32>} : memref<64x128xf32, #tpu.memory_space<vmem>>, vector<16xf32>,
      tpu.vector_store %arg20[%swap3A_213, %swap3A_214], %mul3A_212 {strides = array<i32>} : memref<64x128xf32, #tpu.memory_space<vmem>>, vector<16xf32>,
      %get3A_216 = arith.index_cast %scan3A_183 : i32 to index
      %get3A_217 = arith.constant 64 : index
      %get3A_218 = tpu.vector_load %arg20[%get3A_216, %get3A_217] {strides = array<i32>} : memref<64x128xf32, #tpu.memory_space<vmem>>, vector<16xf32>,
      %mul3A_219 = arith.mulf %get3A_218, %gather3A_187 : vector<16xf32>
      %swap3A_220 = arith.index_cast %scan3A_183 : i32 to index
      %swap3A_221 = arith.constant 64 : index
      %swap3A_222 = tpu.vector_load %arg20[%swap3A_220, %swap3A_221] {strides = array<i32>} : memref<64x128xf32, #tpu.memory_space<vmem>>, vector<16xf32>,
      tpu.vector_store %arg20[%swap3A_220, %swap3A_221], %mul3A_219 {strides = array<i32>} : memref<64x128xf32, #tpu.memory_space<vmem>>, vector<16xf32>,
      %get3A_223 = arith.index_cast %scan3A_183 : i32 to index
      %get3A_224 = arith.constant 80 : index
      %get3A_225 = tpu.vector_load %arg20[%get3A_223, %get3A_224] {strides = array<i32>} : memref<64x128xf32, #tpu.memory_space<vmem>>, vector<16xf32>,
      %mul3A_226 = arith.mulf %get3A_225, %gather3A_187 : vector<16xf32>
      %swap3A_227 = arith.index_cast %scan3A_183 : i32 to index
      %swap3A_228 = arith.constant 80 : index
      %swap3A_229 = tpu.vector_load %arg20[%swap3A_227, %swap3A_228] {strides = array<i32>} : memref<64x128xf32, #tpu.memory_space<vmem>>, vector<16xf32>,
      tpu.vector_store %arg20[%swap3A_227, %swap3A_228], %mul3A_226 {strides = array<i32>} : memref<64x128xf32, #tpu.memory_space<vmem>>, vector<16xf32>,
      %get3A_230 = arith.index_cast %scan3A_183 : i32 to index
      %get3A_231 = arith.constant 96 : index
      %get3A_232 = tpu.vector_load %arg20[%get3A_230, %get3A_231] {strides = array<i32>} : memref<64x128xf32, #tpu.memory_space<vmem>>, vector<16xf32>,
      %mul3A_233 = arith.mulf %get3A_232, %gather3A_187 : vector<16xf32>
      %swap3A_234 = arith.index_cast %scan3A_183 : i32 to index
      %swap3A_235 = arith.constant 96 : index
      %swap3A_236 = tpu.vector_load %arg20[%swap3A_234, %swap3A_235] {strides = array<i32>} : memref<64x128xf32, #tpu.memory_space<vmem>>, vector<16xf32>,
      tpu.vector_store %arg20[%swap3A_234, %swap3A_235], %mul3A_233 {strides = array<i32>} : memref<64x128xf32, #tpu.memory_space<vmem>>, vector<16xf32>,
      %get3A_237 = arith.index_cast %scan3A_183 : i32 to index
      %get3A_238 = arith.constant 112 : index
      %get3A_239 = tpu.vector_load %arg20[%get3A_237, %get3A_238] {strides = array<i32>} : memref<64x128xf32, #tpu.memory_space<vmem>>, vector<16xf32>,
      %mul3A_240 = arith.mulf %get3A_239, %gather3A_187 : vector<16xf32>
      %swap3A_241 = arith.index_cast %scan3A_183 : i32 to index
      %swap3A_242 = arith.constant 112 : index
      %swap3A_243 = tpu.vector_load %arg20[%swap3A_241, %swap3A_242] {strides = array<i32>} : memref<64x128xf32, #tpu.memory_space<vmem>>, vector<16xf32>,
      tpu.vector_store %arg20[%swap3A_241, %swap3A_242], %mul3A_240 {strides = array<i32>} : memref<64x128xf32, #tpu.memory_space<vmem>>, vector<16xf32>,
    }
    %scan3A_166 = arith.constant 16 : i32
    %run_scoped3A_167 = arith.constant 0 : i32
    "tpu.region"() ({
      %run_scoped3A_183 = tpu.sem_alloc : memref<!tpu.dma_semaphore, #tpu.memory_space<semaphore_mem>>
      %dma_start3A_184 = arith.constant 0 : i32
      %dma_start3A_185 = arith.constant 0 : i32
      %dma_start3A_186 = tpu.memref_slice %arg20[%dma_start3A_184, %dma_start3A_185] : memref<64x128xf32, #tpu.memory_space<vmem>> -> memref<16x128xf32, #tpu.memory_space<vmem>>
      %dma_start3A_187 = arith.constant 0 : i32
      %dma_start3A_188 = tpu.memref_slice %arg11[%run_scoped3A_167, %dma_start3A_187] : memref<1x64xi32, #tpu.memory_space<vmem>> -> memref<1x16xi32, #tpu.memory_space<vmem>>
      %dma_start3A_189 = tpu.memref_squeeze %dma_start3A_188 : memref<1x16xi32, #tpu.memory_space<vmem>> -> memref<16xi32, #tpu.memory_space<vmem>>
      %dma_start3A_190 = arith.constant 0 : i32
      %dma_start3A_191 = arith.constant 0 : i32
      %dma_start3A_192 = tpu.memref_slice %arg24[%dma_start3A_190, %dma_start3A_191] : memref<10000x128xf32, #tpu.memory_space<vmem_shared>> -> memref<10000x128xf32, #tpu.memory_space<vmem_shared>>
      tpu.enqueue_indirect_dma source(%dma_start3A_186 : memref<16x128xf32, #tpu.memory_space<vmem>>) target(%dma_start3A_192 : memref<10000x128xf32, #tpu.memory_space<vmem_shared>>) offsets(%dma_start3A_189 : memref<16xi32, #tpu.memory_space<vmem>>) semaphore(%run_scoped3A_183 : memref<!tpu.dma_semaphore, #tpu.memory_space<semaphore_mem>>) {add = true}
      %dma_wait3A_193 = arith.constant 0 : i32
      %dma_wait3A_194 = arith.constant 0 : i32
      %dma_wait3A_195 = tpu.memref_slice %arg20[%dma_wait3A_193, %dma_wait3A_194] : memref<64x128xf32, #tpu.memory_space<vmem>> -> memref<16x128xf32, #tpu.memory_space<vmem>>
      %dma_wait3A_196 = arith.constant 0 : i32
      %dma_wait3A_197 = tpu.memref_slice %arg11[%run_scoped3A_167, %dma_wait3A_196] : memref<1x64xi32, #tpu.memory_space<vmem>> -> memref<1x16xi32, #tpu.memory_space<vmem>>
      %dma_wait3A_198 = tpu.memref_squeeze %dma_wait3A_197 : memref<1x16xi32, #tpu.memory_space<vmem>> -> memref<16xi32, #tpu.memory_space<vmem>>
      %dma_wait3A_199 = arith.constant 0 : i32
      %dma_wait3A_200 = arith.constant 0 : i32
      %dma_wait3A_201 = tpu.memref_slice %arg24[%dma_wait3A_199, %dma_wait3A_200] : memref<10000x128xf32, #tpu.memory_space<vmem_shared>> -> memref<10000x128xf32, #tpu.memory_space<vmem_shared>>
      tpu.wait_indirect_dma semaphore(%run_scoped3A_183 : memref<!tpu.dma_semaphore, #tpu.memory_space<semaphore_mem>>) src(%dma_wait3A_195 : memref<16x128xf32, #tpu.memory_space<vmem>>) dst(%dma_wait3A_201 : memref<10000x128xf32, #tpu.memory_space<vmem_shared>>)
      tpu.yield
    }) : () -> ()
    %barrier3A_168 = arith.constant 0 : index
    tpu.barrier barrier_id(%barrier3A_168)
    %mul3A_169 = arith.constant 624 : i32
    %mul3A_170 = arith.muli %arg1, %mul3A_169 : i32
    %mul3A_171 = arith.constant 624 : i32
    %mul3A_172 = arith.muli %arg1, %mul3A_171 : i32
    "tpu.region"() ({
      %run_scoped3A_183 = tpu.sem_alloc : memref<!tpu.dma_semaphore, #tpu.memory_space<semaphore_mem>>
      %dma_start3A_184 = arith.constant 0 : i32
      %dma_start3A_185 = tpu.memref_slice %arg7[%arg0, %mul3A_172, %dma_start3A_184] : memref<2x10000x128xf32, #tpu.memory_space<hbm>> -> memref<1x624x128xf32, #tpu.memory_space<hbm>>
      %dma_start3A_186 = tpu.memref_squeeze %dma_start3A_185 : memref<1x624x128xf32, #tpu.memory_space<hbm>> -> memref<624x128xf32, #tpu.memory_space<hbm>>
      %dma_start3A_187 = arith.constant 0 : i32
      %dma_start3A_188 = tpu.memref_slice %arg24[%mul3A_170, %dma_start3A_187] : memref<10000x128xf32, #tpu.memory_space<vmem_shared>> -> memref<624x128xf32, #tpu.memory_space<vmem_shared>>
      tpu.enqueue_dma source(%dma_start3A_188 : memref<624x128xf32, #tpu.memory_space<vmem_shared>>) target(%dma_start3A_186 : memref<624x128xf32, #tpu.memory_space<hbm>>) target_semaphore(%run_scoped3A_183 : memref<!tpu.dma_semaphore, #tpu.memory_space<semaphore_mem>>)
      %dma_wait3A_189 = arith.constant 0 : i32
      %dma_wait3A_190 = tpu.memref_slice %arg7[%arg0, %mul3A_172, %dma_wait3A_189] : memref<2x10000x128xf32, #tpu.memory_space<hbm>> -> memref<1x624x128xf32, #tpu.memory_space<hbm>>
      %dma_wait3A_191 = tpu.memref_squeeze %dma_wait3A_190 : memref<1x624x128xf32, #tpu.memory_space<hbm>> -> memref<624x128xf32, #tpu.memory_space<hbm>>
      %dma_wait3A_192 = arith.constant 0 : i32
      %dma_wait3A_193 = tpu.memref_slice %arg24[%mul3A_170, %dma_wait3A_192] : memref<10000x128xf32, #tpu.memory_space<vmem_shared>> -> memref<624x128xf32, #tpu.memory_space<vmem_shared>>
      tpu.wait_dma2 semaphore(%run_scoped3A_183 : memref<!tpu.dma_semaphore, #tpu.memory_space<semaphore_mem>>) src(%dma_wait3A_193 : memref<624x128xf32, #tpu.memory_space<vmem_shared>>) dst(%dma_wait3A_191 : memref<624x128xf32, #tpu.memory_space<hbm>>)
      tpu.yield
    }) : () -> ()
    %eq3A_173 = arith.constant 15 : i32
    %eq3A_174 = arith.cmpi eq, %arg1, %eq3A_173 : i32
    %convert_element_type3A_175 = arith.extui %eq3A_174 : i1 to i32
    %cond3A_176 = arith.constant 0 : i32
    %cond3A_177 = arith.cmpi ne, %convert_element_type3A_175, %cond3A_176 : i32
    scf.if %cond3A_177 {
      "tpu.region"() ({
        %run_scoped3A_183 = tpu.sem_alloc : memref<!tpu.dma_semaphore, #tpu.memory_space<semaphore_mem>>
        %dma_start3A_184 = arith.constant 9984 : i32
        %dma_start3A_185 = arith.constant 0 : i32
        %dma_start3A_186 = tpu.memref_slice %arg7[%arg0, %dma_start3A_184, %dma_start3A_185] : memref<2x10000x128xf32, #tpu.memory_space<hbm>> -> memref<1x16x128xf32, #tpu.memory_space<hbm>>
        %dma_start3A_187 = tpu.memref_squeeze %dma_start3A_186 : memref<1x16x128xf32, #tpu.memory_space<hbm>> -> memref<16x128xf32, #tpu.memory_space<hbm>>
        %dma_start3A_188 = arith.constant 9984 : i32
        %dma_start3A_189 = arith.constant 0 : i32
        %dma_start3A_190 = tpu.memref_slice %arg24[%dma_start3A_188, %dma_start3A_189] : memref<10000x128xf32, #tpu.memory_space<vmem_shared>> -> memref<16x128xf32, #tpu.memory_space<vmem_shared>>
        tpu.enqueue_dma source(%dma_start3A_190 : memref<16x128xf32, #tpu.memory_space<vmem_shared>>) target(%dma_start3A_187 : memref<16x128xf32, #tpu.memory_space<hbm>>) target_semaphore(%run_scoped3A_183 : memref<!tpu.dma_semaphore, #tpu.memory_space<semaphore_mem>>)
        %dma_wait3A_191 = arith.constant 9984 : i32
        %dma_wait3A_192 = arith.constant 0 : i32
        %dma_wait3A_193 = tpu.memref_slice %arg7[%arg0, %dma_wait3A_191, %dma_wait3A_192] : memref<2x10000x128xf32, #tpu.memory_space<hbm>> -> memref<1x16x128xf32, #tpu.memory_space<hbm>>
        %dma_wait3A_194 = tpu.memref_squeeze %dma_wait3A_193 : memref<1x16x128xf32, #tpu.memory_space<hbm>> -> memref<16x128xf32, #tpu.memory_space<hbm>>
        %dma_wait3A_195 = arith.constant 9984 : i32
        %dma_wait3A_196 = arith.constant 0 : i32
        %dma_wait3A_197 = tpu.memref_slice %arg24[%dma_wait3A_195, %dma_wait3A_196] : memref<10000x128xf32, #tpu.memory_space<vmem_shared>> -> memref<16x128xf32, #tpu.memory_space<vmem_shared>>
        tpu.wait_dma2 semaphore(%run_scoped3A_183 : memref<!tpu.dma_semaphore, #tpu.memory_space<semaphore_mem>>) src(%dma_wait3A_197 : memref<16x128xf32, #tpu.memory_space<vmem_shared>>) dst(%dma_wait3A_194 : memref<16x128xf32, #tpu.memory_space<hbm>>)
        tpu.yield
      }) : () -> ()
    } else {
    }
    %eq3A_178 = arith.constant 0 : i32
    %eq3A_179 = arith.cmpi eq, %arg1, %eq3A_178 : i32
    %convert_element_type3A_180 = arith.extui %eq3A_179 : i1 to i32
    %cond3A_181 = arith.constant 0 : i32
    %cond3A_182 = arith.cmpi ne, %convert_element_type3A_180, %cond3A_181 : i32
    scf.if %cond3A_182 {
      "tpu.region"() ({
        %run_scoped3A_183 = tpu.sem_alloc : memref<!tpu.dma_semaphore, #tpu.memory_space<semaphore_mem>>
        %dma_start3A_184 = arith.constant 0 : i32
        %dma_start3A_185 = tpu.memref_slice %arg8[%arg0, %dma_start3A_184] : memref<2x10000xf32, #tpu.memory_space<hbm>> -> memref<1x10000xf32, #tpu.memory_space<hbm>>
        %dma_start3A_186 = tpu.memref_squeeze %dma_start3A_185 : memref<1x10000xf32, #tpu.memory_space<hbm>> -> memref<10000xf32, #tpu.memory_space<hbm>>
        tpu.enqueue_dma source(%arg25 : memref<10000xf32, #tpu.memory_space<vmem_shared>>) target(%dma_start3A_186 : memref<10000xf32, #tpu.memory_space<hbm>>) target_semaphore(%run_scoped3A_183 : memref<!tpu.dma_semaphore, #tpu.memory_space<semaphore_mem>>)
        %dma_wait3A_187 = arith.constant 0 : i32
        %dma_wait3A_188 = tpu.memref_slice %arg8[%arg0, %dma_wait3A_187] : memref<2x10000xf32, #tpu.memory_space<hbm>> -> memref<1x10000xf32, #tpu.memory_space<hbm>>
        %dma_wait3A_189 = tpu.memref_squeeze %dma_wait3A_188 : memref<1x10000xf32, #tpu.memory_space<hbm>> -> memref<10000xf32, #tpu.memory_space<hbm>>
        tpu.wait_dma2 semaphore(%run_scoped3A_183 : memref<!tpu.dma_semaphore, #tpu.memory_space<semaphore_mem>>) src(%arg25 : memref<10000xf32, #tpu.memory_space<vmem_shared>>) dst(%dma_wait3A_189 : memref<10000xf32, #tpu.memory_space<hbm>>)
        tpu.yield
      }) : () -> ()
    } else {
    }
    return
  }
}

module attributes {stable_mosaic.version = 14 : i64} {
  func.func @_tc_head_body(%arg0: memref<10000x128xf32, #tpu.memory_space<vmem>>, %arg1: memref<128x128xf32, #tpu.memory_space<vmem>>, %arg2: memref<1x128xf32, #tpu.memory_space<vmem>>, %arg3: memref<1x128xf32, #tpu.memory_space<vmem>>, %arg4: memref<10000x128xf32, #tpu.memory_space<vmem>>, %arg5: memref<1x10000xf32, #tpu.memory_space<vmem>>, %arg6: memref<1x10000xf32, #tpu.memory_space<vmem>>) attributes {dimension_semantics = [], scalar_prefetch = 0 : i64, scratch_operands = 0 : i64, tpu.core_type = #tpu.core_type<tc>} {
    %get3A = arith.constant 0 : index
    %get3A_0 = arith.constant 0 : index
    %get3A_1 = vector.load %arg0[%get3A, %get3A_0] : memref<10000x128xf32, #tpu.memory_space<vmem>>, vector<10000x128xf32>
    %get3A_2 = arith.constant 0 : index
    %get3A_3 = arith.constant 0 : index
    %get3A_4 = vector.load %arg1[%get3A_2, %get3A_3] : memref<128x128xf32, #tpu.memory_space<vmem>>, vector<128x128xf32>
    %dot_general3A = arith.constant dense<0.000000e+00> : vector<10000x128xf32>
    %dot_general3A_5 = tpu.matmul %get3A_1, %get3A_4, %dot_general3A {dimension_numbers = #tpu.dot_dimension_numbers<[1], [0], [0], [1], [0, 0, 1, 1], [], []>, transpose_lhs_hint = false} : vector<10000x128xf32>, vector<128x128xf32>, vector<10000x128xf32> -> vector<10000x128xf32>
    %swap3A = arith.constant 0 : index
    %swap3A_6 = arith.constant 0 : index
    %swap3A_7 = vector.load %arg4[%swap3A, %swap3A_6] : memref<10000x128xf32, #tpu.memory_space<vmem>>, vector<10000x128xf32>
    tpu.vector_store %arg4[%swap3A, %swap3A_6], %dot_general3A_5 {strides = array<i32>} : memref<10000x128xf32, #tpu.memory_space<vmem>>, vector<10000x128xf32>,
    %get3A_8 = arith.constant 0 : index
    %get3A_9 = arith.constant 0 : index
    %get3A_10 = vector.load %arg2[%get3A_8, %get3A_9] : memref<1x128xf32, #tpu.memory_space<vmem>>, vector<1x128xf32>
    %mul3A = vector.broadcast %get3A_10 : vector<1x128xf32> to vector<10000x128xf32>
    %mul3A_11 = arith.mulf %dot_general3A_5, %mul3A : vector<10000x128xf32>
    %reduce_sum3A = arith.constant dense<0.000000e+00> : vector<10000xf32>
    %reduce_sum3A_12 = vector.multi_reduction <add>, %mul3A_11, %reduce_sum3A [1] : vector<10000x128xf32> to vector<10000xf32>
    %reshape3A = vector.shape_cast %reduce_sum3A_12 : vector<10000xf32> to vector<1x10000xf32>
    %swap3A_13 = arith.constant 0 : index
    %swap3A_14 = arith.constant 0 : index
    %swap3A_15 = vector.load %arg5[%swap3A_13, %swap3A_14] : memref<1x10000xf32, #tpu.memory_space<vmem>>, vector<1x10000xf32>
    tpu.vector_store %arg5[%swap3A_13, %swap3A_14], %reshape3A {strides = array<i32>} : memref<1x10000xf32, #tpu.memory_space<vmem>>, vector<1x10000xf32>,
    %get3A_16 = arith.constant 0 : index
    %get3A_17 = arith.constant 0 : index
    %get3A_18 = vector.load %arg3[%get3A_16, %get3A_17] : memref<1x128xf32, #tpu.memory_space<vmem>>, vector<1x128xf32>
    %mul3A_19 = vector.broadcast %get3A_18 : vector<1x128xf32> to vector<10000x128xf32>
    %mul3A_20 = arith.mulf %dot_general3A_5, %mul3A_19 : vector<10000x128xf32>
    %reduce_sum3A_21 = arith.constant dense<0.000000e+00> : vector<10000xf32>
    %reduce_sum3A_22 = vector.multi_reduction <add>, %mul3A_20, %reduce_sum3A_21 [1] : vector<10000x128xf32> to vector<10000xf32>
    %reshape3A_23 = vector.shape_cast %reduce_sum3A_22 : vector<10000xf32> to vector<1x10000xf32>
    %swap3A_24 = arith.constant 0 : index
    %swap3A_25 = arith.constant 0 : index
    %swap3A_26 = vector.load %arg6[%swap3A_24, %swap3A_25] : memref<1x10000xf32, #tpu.memory_space<vmem>>, vector<1x10000xf32>
    tpu.vector_store %arg6[%swap3A_24, %swap3A_25], %reshape3A_23 {strides = array<i32>} : memref<1x10000xf32, #tpu.memory_space<vmem>>, vector<1x10000xf32>,
    return
  }
}

module attributes {stable_mosaic.version = 14 : i64} {
  func.func @_tc_fin_body(%arg0: i32, %arg1: memref<2x1000x128xf32, #tpu.memory_space<vmem>>, %arg2: memref<2x1000x1xf32, #tpu.memory_space<vmem>>, %arg3: memref<1000x128xf32, #tpu.memory_space<vmem>>) attributes {dimension_semantics = [#tpu.dimension_semantics<arbitrary>], iteration_bounds = array<i64: 10>, scalar_prefetch = 0 : i64, scratch_operands = 0 : i64, tpu.core_type = #tpu.core_type<tc>, window_params = [{transform_indices = @transform_0, window_bounds = array<i64: 2, 1000, 128>}, {transform_indices = @transform_1, window_bounds = array<i64: 2, 1000, 1>}, {transform_indices = @transform_2, window_bounds = array<i64: 1000, 128>}]} {
    %get3A = arith.constant 0 : index
    %get3A_0 = arith.constant 0 : index
    %get3A_1 = arith.constant 0 : index
    %get3A_2 = vector.load %arg2[%get3A, %get3A_0, %get3A_1] : memref<2x1000x1xf32, #tpu.memory_space<vmem>>, vector<1x1000x1xf32>
    %get3A_3 = vector.shape_cast %get3A_2 : vector<1x1000x1xf32> to vector<1000x1xf32>
    %get3A_4 = arith.constant 1 : index
    %get3A_5 = arith.constant 0 : index
    %get3A_6 = arith.constant 0 : index
    %get3A_7 = vector.load %arg2[%get3A_4, %get3A_5, %get3A_6] : memref<2x1000x1xf32, #tpu.memory_space<vmem>>, vector<1x1000x1xf32>
    %get3A_8 = vector.shape_cast %get3A_7 : vector<1x1000x1xf32> to vector<1000x1xf32>
    %add3A = arith.addf %get3A_3, %get3A_8 : vector<1000x1xf32>
    %max3A = arith.constant 1.000000e-16 : f32
    %max3A_9 = vector.broadcast %max3A : f32 to vector<1000x1xf32>
    %max3A_10 = arith.maximumf %add3A, %max3A_9 : vector<1000x1xf32>
    %get3A_11 = arith.constant 0 : index
    %get3A_12 = arith.constant 0 : index
    %get3A_13 = arith.constant 0 : index
    %get3A_14 = vector.load %arg1[%get3A_11, %get3A_12, %get3A_13] : memref<2x1000x128xf32, #tpu.memory_space<vmem>>, vector<1x1000x128xf32>
    %get3A_15 = vector.shape_cast %get3A_14 : vector<1x1000x128xf32> to vector<1000x128xf32>
    %get3A_16 = arith.constant 1 : index
    %get3A_17 = arith.constant 0 : index
    %get3A_18 = arith.constant 0 : index
    %get3A_19 = vector.load %arg1[%get3A_16, %get3A_17, %get3A_18] : memref<2x1000x128xf32, #tpu.memory_space<vmem>>, vector<1x1000x128xf32>
    %get3A_20 = vector.shape_cast %get3A_19 : vector<1x1000x128xf32> to vector<1000x128xf32>
    %add3A_21 = arith.addf %get3A_15, %get3A_20 : vector<1000x128xf32>
    %div3A = vector.broadcast %max3A_10 : vector<1000x1xf32> to vector<1000x128xf32>
    %div3A_22 = arith.divf %add3A_21, %div3A : vector<1000x128xf32>
    %swap3A = arith.constant 0 : index
    %swap3A_23 = arith.constant 0 : index
    %swap3A_24 = vector.load %arg3[%swap3A, %swap3A_23] : memref<1000x128xf32, #tpu.memory_space<vmem>>, vector<1000x128xf32>
    tpu.vector_store %arg3[%swap3A, %swap3A_23], %div3A_22 {strides = array<i32>} : memref<1000x128xf32, #tpu.memory_space<vmem>>, vector<1000x128xf32>,
    return
  }
  func.func @transform_0(%arg0: i32) -> (i32, i32, i32) {
    %c0_i32 = arith.constant 0 : i32
    %c0_i32_0 = arith.constant 0 : i32
    %c0_i32_1 = arith.constant 0 : i32
    return %c0_i32, %arg0, %c0_i32_0 : i32, i32, i32
  }
  func.func @transform_1(%arg0: i32) -> (i32, i32, i32) {
    %c0_i32 = arith.constant 0 : i32
    %c0_i32_0 = arith.constant 0 : i32
    %c0_i32_1 = arith.constant 0 : i32
    return %c0_i32, %arg0, %c0_i32_0 : i32, i32, i32
  }
  func.func @transform_2(%arg0: i32) -> (i32, i32) {
    %c0_i32 = arith.constant 0 : i32
    %c0_i32_0 = arith.constant 0 : i32
    return %arg0, %c0_i32 : i32, i32
  }
}

</mosaic_0001>

<sc_bundles>
// kernel: kernel.5.cloned.1.call-start
scs
__scs_entry_jumppad:
0x0: {  	(pc) =	sbr.rel $0x88, $3  }
0x1: {  	(tag) =	ssettag $0x0;
	lr =	simm.s32 $0x1  }
0x2: {  	[smem:$0x3F9C] =	sst lr;
	_ =	strace $0xD0000000  }
0x3: {  	_ = 	snop  }
0x4: {  	_ = 	snop  }
0x5: {  	_ = 	snop  }
0x6: {  	_ = 	snop  }
0x7: {  	_ = 	snop  }
__scs_overlays_trampoline_lowered:
0x8: {  	[smem:$0x3FAB] =	sst s0  }
0x9: {  	[smem:$0x3FAC] =	sst s1  }
0xa: {  	[smem:$0x3FAD] =	sst s2  }
0xb: {  	[smem:$0x3FAE] =	sst s3  }
0xc: {  	[smem:$0x3FAF] =	sst s4  }
0xd: {  	[smem:$0x3FB0] =	sst s5  }
0xe: {  	[smem:$0x3FB1] =	sst s6  }
0xf: {  	[smem:$0x3FB2] =	sst s7  }
0x10: {  	[smem:$0x3FB3] =	sst s8  }
0x11: {  	[smem:$0x3FB4] =	sst s9;
	s0 =	simm.s32 @!p0 $0x0  }
0x12: {  	s1 =	sld [smem:$0x3F9A];
	s0 =	simm.s32 @p0 $0x1  }
0x13: {  	[smem:$0x3FB5] =	sst s0;
	s0 =	simm.s32 @!p1 $0x0  }
0x14: {  	s2 =	sld [smem:$0x3F99];
	s0 =	simm.s32 @p1 $0x1  }
0x15: {  	[smem:$0x3FB6] =	sst s0;
	s0 =	simm.s32 @!p2 $0x0  }
0x16: {  	s3 =	sld [smem:$0x3FDB];
	s0 =	simm.s32 @p2 $0x1  }
0x17: {  	s4 =	simm.s32 $0x1BF5;
	[smem:$0x3FB8] =	sst s0  }
0x18: {  	s0 =	sld [smem:$0x3F9B];
	_ =	swait.ge [sflag:s4], $0x0  }
0x19: {  	s7 =	sld [smem:$0x3F9C]  }
0x1a: {  	s8 =	sadd.s32 $0xFFFFE003, lr  }
0x1b: {  	s9 =	sadd.s32 $0xFFFFFEF7, lr;
	s5 =	simm.s32 $0xFFFFFFFF;
	p2 =	slt.u32 s8, $0xFFFFF086  }
0x1c: {  	p1 =	slt.u32 s9, $0xF7A;
	s5 =	simm.s32 @!p2 $0x0  }
0x1d: {  	s5 =	simm.s32 @p1 $0x1;
	p0 =	seq.s32 s7, s2  }
0x1e: {  	s7 =	smul.u32 @!p0 $0xF7A, s2;
	p2 =	seq.s32 @!p0 s5, $0x0  }
0x1f: {  	s9 =	smul.u32 $0xF7A, s1;
	s8 =	simm.s32 @!p0 $0x1BF5;
	p2 =	por !p2, p0  }
0x20: {  	[sflag:s8] =	ssyncset.s32 @!p0 $0xFFFFF086;
	s6 =	sadd.s32 @!p0 s3, s7;
	s7 =	simm.s32 @!p0 $0x108  }
0x21: {  	s3 =	sadd.s32 s3, s9;
	s6 =	sadd.s32 @!p0 $0x88, s6;
	s7 =	simm.s32 @p2 $0x1082  }
0x22: {  	[simem:s7], [sflag:s8] =	dma.local @!p0 [hbm:s6], $0xF7A  }
0x23: {  	s9 =	sor.u32 $0xD0000000, s2;
	s6 =	simm.s32 $0x108;
	_ =	swait.ge @!p0 [sflag:s8], $0x0  }
0x24: {  	s3 =	sadd.s32 $0x88, s3;
	s6 =	simm.s32 @!p1 $0x1082;
	[sflag:s4] =	ssyncset.s32 $0xFFFFF086  }
0x25: {  	[simem:s6], [sflag:s4] =	dma.local [hbm:s3], $0xF7A  }
0x26: {  	[smem:$0x3F9C] =	sst s1;
	(tag) =	ssettag s2;
	_ =	strace s9  }
0x27: {  	s1 =	sld [smem:$0x3FAC]  }
0x28: {  	s2 =	sld [smem:$0x3FAD]  }
0x29: {  	s4 =	sld [smem:$0x3FAF]  }
0x2a: {  	p0 =	seq.s32 s5, $0x0;
	s5 =	sld [smem:$0x3FB0]  }
0x2b: {  	s6 =	sld [smem:$0x3FB1]  }
0x2c: {  	s7 =	sld [smem:$0x3FB2]  }
0x2d: {  	s3 =	simm.s32 $0x108;
	s8 =	sld [smem:$0x3FB3]  }
0x2e: {  	s3 =	simm.s32 @!p0 $0x1082;
	s9 =	sld [smem:$0x3FB4]  }
0x2f: {  	lr =	sadd.s32 s0, s3;
	s0 =	sld [smem:$0x3FAB]  }
0x30: {  	s3 =	sld [smem:$0x3FAE]  }
0x31: {  	[smem:$0x3FB7] =	sst s10  }
0x32: {  	s10 =	sld [smem:$0x3FB5];
	_ =	sdelay $0x3  }
0x33: {  	p0 =	seq.s32 s10, $0x1;
	s10 =	sld [smem:$0x3FB7];
	_ =	sdelay $0x3  }
0x34: {  	[smem:$0x3FB7] =	sst s10  }
0x35: {  	s10 =	sld [smem:$0x3FB6];
	_ =	sdelay $0x3  }
0x36: {  	p1 =	seq.s32 s10, $0x1;
	s10 =	sld [smem:$0x3FB7];
	_ =	sdelay $0x3  }
0x37: {  	[smem:$0x3FB7] =	sst s10  }
0x38: {  	s10 =	sld [smem:$0x3FB8]  }
0x39: {  	_ = 	snop;
	(pc) =	sbr.ind lr, $3  }
0x3a: {  	_ = 	snop  }
0x3b: {  	_ = 	snop  }
0x3c: {  	p2 =	seq.s32 s10, $0x1;
	s10 =	sld [smem:$0x3FB7]  }
0x3d: {  	_ =	shalt  }
0x3e: {  	_ =	shalt  }
0x3f: {  	_ =	shalt  }
0x40: {  	_ =	shalt  }
0x41: {  	_ =	shalt  }
0x42: {  	_ =	shalt  }
0x43: {  	_ =	shalt  }
0x44: {  	_ =	shalt  }
0x45: {  	_ =	shalt  }
0x46: {  	_ =	shalt  }
0x47: {  	_ =	shalt  }
0x48: {  	_ =	shalt  }
0x49: {  	_ =	shalt  }
0x4a: {  	_ =	shalt  }
0x4b: {  	_ =	shalt  }
0x4c: {  	_ =	shalt  }
0x4d: {  	_ =	shalt  }
0x4e: {  	_ =	shalt  }
0x4f: {  	_ =	shalt  }
0x50: {  	_ =	shalt  }
0x51: {  	_ =	shalt  }
0x52: {  	_ =	shalt  }
0x53: {  	_ =	shalt  }
0x54: {  	_ =	shalt  }
0x55: {  	_ =	shalt  }
0x56: {  	_ =	shalt  }
0x57: {  	_ =	shalt  }
0x58: {  	_ =	shalt  }
0x59: {  	_ =	shalt  }
0x5a: {  	_ =	shalt  }
0x5b: {  	_ =	shalt  }
0x5c: {  	_ =	shalt  }
0x5d: {  	_ =	shalt  }
0x5e: {  	_ =	shalt  }
0x5f: {  	_ =	shalt  }
0x60: {  	_ =	shalt  }
0x61: {  	_ =	shalt  }
0x62: {  	_ =	shalt  }
0x63: {  	_ =	shalt  }
0x64: {  	_ =	shalt  }
0x65: {  	_ =	shalt  }
0x66: {  	_ =	shalt  }
0x67: {  	_ =	shalt  }
0x68: {  	_ =	shalt  }
0x69: {  	_ =	shalt  }
0x6a: {  	_ =	shalt  }
0x6b: {  	_ =	shalt  }
0x6c: {  	_ =	shalt  }
0x6d: {  	_ =	shalt  }
0x6e: {  	_ =	shalt  }
0x6f: {  	_ =	shalt  }
0x70: {  	_ =	shalt  }
0x71: {  	_ =	shalt  }
0x72: {  	_ =	shalt  }
0x73: {  	_ =	shalt  }
0x74: {  	_ =	shalt  }
0x75: {  	_ =	shalt  }
0x76: {  	_ =	shalt  }
0x77: {  	_ =	shalt  }
0x78: {  	_ =	shalt  }
0x79: {  	_ =	shalt  }
0x7a: {  	_ =	shalt  }
0x7b: {  	_ =	shalt  }
0x7c: {  	_ =	shalt  }
0x7d: {  	_ =	shalt  }
0x7e: {  	_ =	shalt  }
0x7f: {  	_ =	shalt  }
0x80: {  	_ =	shalt  }
0x81: {  	_ =	shalt  }
0x82: {  	_ =	shalt  }
0x83: {  	_ =	shalt  }
0x84: {  	_ =	shalt  }
0x85: {  	_ =	shalt  }
0x86: {  	_ =	shalt  }
0x87: {  	_ =	shalt  }
.Lfunc_end0:
.L_simem_size_0:
called_computation_lowered:
.L_overlay_start_0:
0x88: {  	s2 =	sld [smem:$0x3FD9]  }
0x89: {  	s3 =	sld [smem:$0x3FFE];
	_ =	sdelay $0x1  }
0x8a: {  	s1 =	srdreg.scid  }
0x8b: {  	s0 =	sand.u32 $0x1, s1  }
0x8c: {  	s17 =	sshll.u32 s0, $0xA;
	s2 =	sadd.s32 s3, s2  }
0x8d: {  	s2 =	sadd.s32 s2, s17  }
0x8e: {  	[smem:$0x3FC3] =	sst s2  }
0x8f: {  	_ = 	snop  }
0x90: {  	s2 =	sld [smem:$0x3FD0];
	(tm) =	ssettm $0x1  }
0x91: {  	s18 =	sld [smem:$0x3FFB];
	_ =	sdelay $0x3  }
0x92: {  	_ =	strace s18  }
0x93: {  	s3 =	sld [smem:$0x3FFC];
	_ =	sdelay $0x3  }
0x94: {  	_ =	strace s3  }
0x95: {  	s3 =	sld [smem:$0x3FFD];
	_ =	sdelay $0x3  }
0x96: {  	_ =	strace s3  }
0x97: {  	_ =	strace $0x8FFFFFFF  }
0x98: {  	s19 =	sld [smem:$0x3FDB];
	_ =	sdelay $0x1  }
0x99: {  	s4 =	simm.s32 $_scs_section_size  }
0x9a: {  	s5 =	simm.s32 $_size__tile_overlayer_lowered;
	s6 =	simm.s32 $_tile_overlayer_lowered  }
0x9b: {  	s22 =	simm.s32 $0x1BFF;
	s21 =	sshll.u32 s6, $0x1;
	s3 =	sadd.s32 s4, s19  }
0x9c: {  	s7 =	simm.s32 $0x0;
	s20 =	sshll.u32 s5, $0x1;
	s5 =	sadd.s32 s21, s3  }
0x9d: {  	[timem:s7], [sflag:s22] =	dma.local [hbm:s5], s20  }
0x9e: {  	_ =	swait.ge [sflag:s22], s20  }
0x9f: {  	s4 =	ssub.s32 $0x0, s20;
	[sflag:s22] =	ssyncset.done $0x0  }
0xa0: {  	[sflag:s22] =	ssyncadd.s32 s4;
	_ =	sdelay $0x1  }
0xa1: {  	s23 =	simm.s32 $0x1B8B  }
0xa2: {  	_ =	swait.ge [sflag:s23], $0x1  }
0xa3: {  	[sflag:s23] =	ssyncset.done $0x0  }
0xa4: {  	s25 =	simm.s32 $0x1B8E;
	s24 =	sld [smem:$0x3FFE];
	[sflag:s23] =	ssyncadd.s32 $0xFFFFFFFF  }
0xa5: {  	s26 =	simm.s32 $execute0_lowered;
	[smem:$0x3FD2] =	sst s25  }
0xa6: {  	s5 =	sshll.u32 s26, $0x1;
	_ =	strace $0x80000046;
	[dreg:$0x1] =	wrdreg $0xFFFFFFFF  }
0xa7: {  	s28 =	simm.s32 $_size_execute0_lowered;
	s3 =	sadd.s32 s3, s5;
	[dreg:$0x0] =	wrdreg $0x0  }
0xa8: {  	s5 =	sshll.u32 s28, $0x1;
	[dreg:$0x2] =	wrdreg s3  }
0xa9: {  	[dreg:$0x3] =	wrdreg s5  }
0xaa: {  	[dreg:$0x4] =	wrdreg $0xC0  }
0xab: {  	_ =	task [dreg:s7], $0x5FFFF  }
0xac: {  	[dreg:$0x1] =	wrdreg $0xFFFFFFFF  }
0xad: {  	[dreg:$0x0] =	wrdreg $0x60  }
0xae: {  	[dreg:$0x2] =	wrdreg s2  }
0xaf: {  	[dreg:$0x3] =	wrdreg s24  }
0xb0: {  	[dreg:$0x4] =	wrdreg $0xB5800  }
0xb1: {  	[dreg:$0x5] =	wrdreg $0x1EE000  }
0xb2: {  	[dreg:$0x6] =	wrdreg $0x9  }
0xb3: {  	_ =	task.clear_ibuf [dreg:s7], $0x7FFFF;
	_ =	strace $0x90000046  }
0xb4: {  	s29 =	simm.s32 $0x9;
	_ =	strace $0x80000048  }
0xb5: {  	_ =	swait.ge [sflag:s29], $0x1  }
0xb6: {  	[sflag:s29] =	ssyncadd.s32 $0xFFFFFFFF  }
0xb7: {  	_ =	strace $0x90000048  }
0xb8: {  	_ =	sfence  }
0xb9: {  	s30 =	sld [smem:$0x0];
	_ =	sdelay $0x2  }
0xba: {  	s31 =	sshll.u32 s1, $0xD;
	s1 =	sshrl.u32 s1, $0x2  }
0xbb: {  	s3 =	sand.u32 $0x4000, s31;
	s1 =	sadd.s32 s1, s30  }
0xbc: {  	s0 =	sor.u32 s3, s0;
	s1 =	sshll.u32 s1, $0x11  }
0xbd: {  	s0 =	sor.u32 s1, s0  }
0xbe: {  	s0 =	sadd.s32 $0x8F2B, s0  }
0xbf: {  	[sflag:s0] =	ssyncadd.remote.s32 $0x1  }
0xc0: {  	_ =	sfence.sel $0xFFFF  }
0xc1: {  	[dreg:$0x0] =	wrdreg $0xFFFFFFFF;
	(pc) =	sbr.abs _section_cstart, $3  }
0xc2: {  	[dreg:$0x1] =	wrdreg $0xFFFFFFFF  }
0xc3: {  	_ =	task.clear_ibuf [dreg:s7], $0x2FFFF;
	_ =	strace $0x9FFFFFFF  }
0xc4: {  	(tm) =	ssettm $0x7FFFFFFF  }
0xc5: {  	_ =	shalt  }
tec
execute0_lowered:
.L_overlay_start_1:
0x0: {  	(tag) =	ssettag $0x1  }
0x1: {  	s1 =	rddreg [dreg:$0x0]  }
0x2: {  	s0 =	rddreg [dreg:$0x1]  }
0x3: {  	s2 =	rddreg [dreg:$0x2]  }
0x4: {  	s3 =	rddreg [dreg:$0x3]  }
0x5: {  	s4 =	simm.s32 $0x0;
	s15 =	srdreg.scid;
	s29 =	simm.s32 $0x7  }
0x6: {  	s28 =	simm.s32 $0x5000;
	s30 =	simm.s32 $0x9;
	s31 =	simm.s32 $0x9380  }
0x7: {  	[smem:$0x7FF] =	sst s4;
	s5 =	sadd.s32 $0xA000, s0;
	s6 =	sadd.s32 $0x200, s0  }
0x8: {  	s13 =	sadd.s32 $0x13E00, s0;
	s14 =	sadd.s32 $0x14400, s0;
	s7 =	sadd.s32 $0x15400, s0  }
0x9: {  	s4 =	sand.u32 $0x1, s15;
	_ =	strace $0x80000047;
	[dreg:$0x5] =	wrdreg s13  }
0xa: {  	s15 =	sadd.s32 $0x138000, s2;
	s21 =	sadd.s32 $0x2700, s3;
	[dreg:$0x6] =	wrdreg s14  }
0xb: {  	s13 =	stileid.u32;
	s8 =	sshll.u32 s4, $0x4;
	[dreg:$0xb] =	wrdreg s21  }
0xc: {  	s9 =	ssub.s32 $0x2, s4;
	[dreg:$0x9] =	wrdreg s15;
	s10 =	smul.u32 $0x4E000, s13  }
0xd: {  	s0 =	sadd.s32 s8, s0;
	s16 =	sshrl.u32 s9, $0x1;
	s12 =	smul.u32 $0x9C0, s13  }
0xe: {  	s11 =	sshll.u32 s13, $0x1;
	s20 =	smul.u32 $0x13800, s13;
	p0 =	seq.s32 s13, $0x0  }
0xf: {  	p1 =	sne.s32 s13, $0xF;
	s11 =	sor.u32 s4, s11;
	s8 =	ssub.s32 s9, s16  }
0x10: {  	s4 =	smul.u32 $0x138800, s4;
	s0 =	sadd.s32 $0x14A00, s0;
	p2 =	sne.s32 @!p0 s13, $0xF  }
0x11: {  	s13 =	simm.s32 $0x5300;
	s10 =	sshrl.u32 s10, $0x2;
	s11 =	smul.u32 $0x2710, s11  }
0x12: {  	s18 =	sshrl.u32 s12, $0x2;
	[dreg:$0x13] =	wrdreg s0;
	s16 =	smax.u32 s8, $0x1  }
0x13: {  	p2 =	por p2, p0;
	s9 =	sadd.s32 s18, s3;
	[dreg:$0x15] =	wrdreg s16  }
0x14: {  	s0 =	simm.s32 $0x2;
	s22 =	sadd.s32 s10, s2;
	[dreg:$0xa] =	wrdreg s9  }
0x15: {  	s12 =	sadd.s32 s20, s4;
	s17 =	sadd.s32 $0x12000, s22;
	[dreg:$0x7] =	wrdreg s22  }
0x16: {  	s4 =	sshrl.u32 s4, $0x3;
	s18 =	sadd.s32 $0x2000, s22;
	[dreg:$0x8] =	wrdreg s17  }
0x17: {  	s16 =	simm.s32 $0x4F00;
	s20 =	sadd.s32 $0x6000, s22;
	[dreg:$0x17] =	wrdreg s18  }
0x18: {  	s19 =	sshrl.u32 s11, $0x3;
	s21 =	sadd.s32 $0x8000, s22;
	[dreg:$0x19] =	wrdreg s20  }
0x19: {  	s26 =	sshrl.u32 s12, $0x3;
	s23 =	sadd.s32 s6, s19;
	[dreg:$0x1a] =	wrdreg s21  }
0x1a: {  	s4 =	sadd.s32 s7, s4;
	s24 =	sadd.s32 s5, s19;
	[dreg:$0xc] =	wrdreg s23  }
0x1b: {  	s25 =	sadd.s32 $0x8, s19;
	s17 =	sadd.s32 $0x80, s11;
	[dreg:$0xd] =	wrdreg s24  }
0x1c: {  	s10 =	sadd.s32 $0x4E0, s19;
	s19 =	sadd.s32 $0x4000, s22;
	[dreg:$0x16] =	wrdreg s17  }
0x1d: {  	s18 =	simm.s32 $0x5100;
	s14 =	sadd.s32 s6, s25;
	[dreg:$0x18] =	wrdreg s19  }
0x1e: {  	s20 =	simm.s32 $0x40;
	s9 =	sadd.s32 s5, s25;
	[dreg:$0xe] =	wrdreg s14  }
0x1f: {  	s21 =	simm.s32 $0x8;
	s12 =	sadd.s32 s5, s10;
	[dreg:$0xf] =	wrdreg s9  }
0x20: {  	s23 =	sadd.s32 $0xA000, s22;
	s24 =	sadd.s32 $0xC000, s22;
	[dreg:$0x12] =	wrdreg s12  }
0x21: {  	s25 =	sadd.s32 $0xE000, s22;
	s19 =	simm.s32 $0x4F80;
	[dreg:$0x1b] =	wrdreg s23  }
0x22: {  	s9 =	sadd.s32 s7, s26;
	s14 =	sadd.s32 $0x27000, s4;
	[dreg:$0x1c] =	wrdreg s24  }
0x23: {  	[dreg:$0x1d] =	wrdreg s25;
	s26 =	sadd.s32 $0x10000, s22;
	s12 =	simm.s32 $0xA  }
0x24: {  	s23 =	simm.s32 $0x1;
	s24 =	simm.s32 $0x5200;
	[dreg:$0x10] =	wrdreg s9  }
0x25: {  	s25 =	simm.s32 $0x5180;
	s4 =	simm.s32 $0x5280;
	[dreg:$0x14] =	wrdreg s14  }
0x26: {  	s7 =	simm.s32 $0x3;
	s9 =	sadd.s32 s6, s10;
	[dreg:$0x1e] =	wrdreg s26  }
0x27: {  	v0 =	vimm.f32 $0.0e+00;
	s14 =	simm.s32 $0x2780;
	s10 =	simm.s32 $0x0;
	[dreg:$0x11] =	wrdreg s9  }
.LBB2_1:
0x28: {  	[dreg:$0x1f] =	wrdreg s10;
	s8 =	simm.s32 $0x0;
	s9 =	simm.s32 $0x200  }
.LBB2_2:
0x29: {  	p3 =	sne.s32 s9, $0x7E00;
	[tilespmem:s8+$0x53F0] =	vst v0  }
0x2a: {  	[tilespmem:s8+$0x5380] =	vst v0  }
0x2b: {  	[tilespmem:s8+$0x5390] =	vst v0  }
.Ltmp0:
0x2c: {  	[tilespmem:s8+$0x53A0] =	vst v0;
	(pc) =	sbr.rel @p3 .LBB2_2-.Ltmp0, $4  }
0x2d: {  	[tilespmem:s8+$0x53B0] =	vst v0  }
0x2e: {  	[tilespmem:s8+$0x53C0] =	vst v0  }
0x2f: {  	[tilespmem:s8+$0x53D0] =	vst v0  }
0x30: {  	[tilespmem:s8+$0x53E0] =	vst v0;
	s8 =	sshra.s32 s9, $0x2;
	s9 =	sadd.s32 $0x200, s9  }
0x31: {  	[tilespmem:s8+$0x53F0] =	vst v0  }
0x32: {  	[tilespmem:s8+$0x5380] =	vst v0  }
0x33: {  	[tilespmem:s8+$0x5390] =	vst v0  }
0x34: {  	[tilespmem:s8+$0x53A0] =	vst v0  }
0x35: {  	[tilespmem:s8+$0x53B0] =	vst v0  }
0x36: {  	[tilespmem:s8+$0x53C0] =	vst v0  }
0x37: {  	[tilespmem:s8+$0x53D0] =	vst v0  }
0x38: {  	[tilespmem:s8+$0x53E0] =	vst v0;
	s26 =	simm.s32 $0x5380  }
0x39: {  	[spmem:s22] =	stream.linear.scatter [tilespmem:s26], [sflag:$0xA], $0x2000, $0x38;
	[tilespmem:$0x1F078] =	vst v63  }
0x3a: {  	_ =	swait.ge [sflag:s12], $0x2000  }
0x3b: {  	[sflag:s12] =	ssyncset.done $0x0  }
0x3c: {  	s9 =	rddreg [dreg:$0x17];
	[sflag:s12] =	ssyncadd.s32 $0xFFFFE000  }
0x3d: {  	[spmem:s9] =	stream.linear.scatter [tilespmem:s26], [sflag:$0xA], $0x2000, $0x38;
	[tilespmem:$0x1F078] =	vst v63  }
0x3e: {  	_ =	swait.ge [sflag:s12], $0x2000  }
0x3f: {  	[sflag:s12] =	ssyncset.done $0x0  }
0x40: {  	s10 =	rddreg [dreg:$0x18];
	[sflag:s12] =	ssyncadd.s32 $0xFFFFE000  }
0x41: {  	[spmem:s10] =	stream.linear.scatter [tilespmem:s26], [sflag:$0xA], $0x2000, $0x38;
	[tilespmem:$0x1F078] =	vst v63  }
0x42: {  	_ =	swait.ge [sflag:s12], $0x2000  }
0x43: {  	[sflag:s12] =	ssyncset.done $0x0  }
0x44: {  	s17 =	rddreg [dreg:$0x19];
	[sflag:s12] =	ssyncadd.s32 $0xFFFFE000  }
0x45: {  	[spmem:s17] =	stream.linear.scatter [tilespmem:s26], [sflag:$0xA], $0x2000, $0x38;
	[tilespmem:$0x1F078] =	vst v63  }
0x46: {  	_ =	swait.ge [sflag:s12], $0x2000  }
0x47: {  	[sflag:s12] =	ssyncset.done $0x0  }
0x48: {  	s22 =	rddreg [dreg:$0x1a];
	[sflag:s12] =	ssyncadd.s32 $0xFFFFE000  }
0x49: {  	[spmem:s22] =	stream.linear.scatter [tilespmem:s26], [sflag:$0xA], $0x2000, $0x38;
	[tilespmem:$0x1F078] =	vst v63  }
0x4a: {  	_ =	swait.ge [sflag:s12], $0x2000  }
0x4b: {  	[sflag:s12] =	ssyncset.done $0x0  }
0x4c: {  	s9 =	rddreg [dreg:$0x1b];
	[sflag:s12] =	ssyncadd.s32 $0xFFFFE000  }
0x4d: {  	[spmem:s9] =	stream.linear.scatter [tilespmem:s26], [sflag:$0xA], $0x2000, $0x38;
	[tilespmem:$0x1F078] =	vst v63  }
0x4e: {  	_ =	swait.ge [sflag:s12], $0x2000  }
0x4f: {  	[sflag:s12] =	ssyncset.done $0x0  }
0x50: {  	s10 =	rddreg [dreg:$0x1c];
	[sflag:s12] =	ssyncadd.s32 $0xFFFFE000  }
0x51: {  	[spmem:s10] =	stream.linear.scatter [tilespmem:s26], [sflag:$0xA], $0x2000, $0x38;
	[tilespmem:$0x1F078] =	vst v63  }
0x52: {  	_ =	swait.ge [sflag:s12], $0x2000  }
0x53: {  	[sflag:s12] =	ssyncset.done $0x0  }
0x54: {  	s17 =	rddreg [dreg:$0x1d];
	[sflag:s12] =	ssyncadd.s32 $0xFFFFE000  }
0x55: {  	[spmem:s17] =	stream.linear.scatter [tilespmem:s26], [sflag:$0xA], $0x2000, $0x38;
	[tilespmem:$0x1F078] =	vst v63  }
0x56: {  	_ =	swait.ge [sflag:s12], $0x2000  }
0x57: {  	[sflag:s12] =	ssyncset.done $0x0  }
0x58: {  	s22 =	rddreg [dreg:$0x1e];
	[sflag:s12] =	ssyncadd.s32 $0xFFFFE000  }
0x59: {  	[spmem:s22] =	stream.linear.scatter [tilespmem:s26], [sflag:$0xA], $0x2000, $0x38;
	[tilespmem:$0x1F078] =	vst v63  }
0x5a: {  	_ =	swait.ge [sflag:s12], $0x2000  }
0x5b: {  	[sflag:s12] =	ssyncset.done $0x0  }
0x5c: {  	s9 =	rddreg [dreg:$0x8];
	[sflag:s12] =	ssyncadd.s32 $0xFFFFE000  }
0x5d: {  	[spmem:s9] =	stream.linear.scatter [tilespmem:s26], [sflag:$0xA], $0x1800, $0x38;
	[tilespmem:$0x1F078] =	vst v63  }
0x5e: {  	_ =	swait.ge [sflag:s12], $0x1800  }
0x5f: {  	[sflag:s12] =	ssyncset.done $0x0  }
0x60: {  	s8 =	simm.s32 @!p1 $0x5380;
	[sflag:s12] =	ssyncadd.s32 $0xFFFFE800  }
0x61: {  	[spmem:s15] =	stream.linear.scatter @!p1 [tilespmem:s8], [sflag:$0xA], $0x800, $0x38;
	[tilespmem:$0x1F078] =	vst v63  }
0x62: {  	s8 =	simm.s32 @!p1 $0xA  }
0x63: {  	_ =	swait.ge @!p1 [sflag:s8], $0x800  }
0x64: {  	[sflag:s8] =	ssyncset.done @!p1 $0x0  }
0x65: {  	[sflag:s8] =	ssyncadd.s32 @!p1 $0xFFFFF800  }
0x66: {  	[tilespmem:$0x0] =	vst v0  }
0x67: {  	[tilespmem:$0x10] =	vst v0  }
0x68: {  	[tilespmem:$0x20] =	vst v0  }
0x69: {  	[tilespmem:$0x30] =	vst v0  }
0x6a: {  	[tilespmem:$0x40] =	vst v0  }
0x6b: {  	[tilespmem:$0x50] =	vst v0  }
0x6c: {  	[tilespmem:$0x60] =	vst v0  }
0x6d: {  	[tilespmem:$0x70] =	vst v0  }
0x6e: {  	[tilespmem:$0x80] =	vst v0  }
0x6f: {  	[tilespmem:$0x90] =	vst v0  }
0x70: {  	[tilespmem:$0xA0] =	vst v0  }
0x71: {  	[tilespmem:$0xB0] =	vst v0  }
0x72: {  	[tilespmem:$0xC0] =	vst v0  }
0x73: {  	[tilespmem:$0xD0] =	vst v0  }
0x74: {  	[tilespmem:$0xE0] =	vst v0  }
0x75: {  	[tilespmem:$0xF0] =	vst v0  }
0x76: {  	[tilespmem:$0x100] =	vst v0  }
0x77: {  	[tilespmem:$0x110] =	vst v0  }
0x78: {  	[tilespmem:$0x120] =	vst v0  }
0x79: {  	[tilespmem:$0x130] =	vst v0  }
0x7a: {  	[tilespmem:$0x140] =	vst v0  }
0x7b: {  	[tilespmem:$0x150] =	vst v0  }
0x7c: {  	[tilespmem:$0x160] =	vst v0  }
0x7d: {  	[tilespmem:$0x170] =	vst v0  }
0x7e: {  	[tilespmem:$0x180] =	vst v0  }
0x7f: {  	[tilespmem:$0x190] =	vst v0  }
0x80: {  	[tilespmem:$0x1A0] =	vst v0  }
0x81: {  	[tilespmem:$0x1B0] =	vst v0  }
0x82: {  	[tilespmem:$0x1C0] =	vst v0  }
0x83: {  	[tilespmem:$0x1D0] =	vst v0  }
0x84: {  	[tilespmem:$0x1E0] =	vst v0  }
0x85: {  	[tilespmem:$0x1F0] =	vst v0  }
0x86: {  	[tilespmem:$0x200] =	vst v0  }
0x87: {  	[tilespmem:$0x210] =	vst v0  }
0x88: {  	[tilespmem:$0x220] =	vst v0  }
0x89: {  	[tilespmem:$0x230] =	vst v0  }
0x8a: {  	[tilespmem:$0x240] =	vst v0  }
0x8b: {  	[tilespmem:$0x250] =	vst v0  }
0x8c: {  	[tilespmem:$0x260] =	vst v0  }
0x8d: {  	s9 =	simm.s32 $0x0;
	s10 =	rddreg [dreg:$0xa];
	[tilespmem:$0x270] =	vst v0  }
0x8e: {  	[spmem:s10] =	stream.linear.scatter [tilespmem:s9], [sflag:$0xA], $0x270, $0x38;
	[tilespmem:$0x1F078] =	vst v63  }
0x8f: {  	_ =	swait.ge [sflag:s12], $0x270  }
0x90: {  	[sflag:s12] =	ssyncset.done $0x0  }
0x91: {  	s9 =	simm.s32 @!p1 $0x270;
	s10 =	rddreg [dreg:$0xb];
	[sflag:s12] =	ssyncadd.s32 $0xFFFFFD90  }
0x92: {  	[spmem:s10] =	stream.linear.scatter @!p1 [tilespmem:s9], [sflag:$0xA], $0x10, $0x38;
	[tilespmem:$0x1F078] =	vst v63  }
0x93: {  	_ =	swait.ge @!p1 [sflag:s8], $0x10  }
0x94: {  	[sflag:s8] =	ssyncset.done @!p1 $0x0  }
0x95: {  	s17 =	simm.s32 $0x0;
	s10 =	rddreg [dreg:$0x5];
	[sflag:s8] =	ssyncadd.s32 @!p1 $0xFFFFFFF0  }
0x96: {  	[tilespmem:s17], [sflag:$0xA] =	stream.linear.gather [hbm4b:s10+s17], $0x2780, $0x38;
	[tilespmem:$0x1F078] =	vst v63  }
0x97: {  	_ =	swait.ge [sflag:s12], $0x2780  }
0x98: {  	[sflag:s12] =	ssyncset.done $0x0  }
0x99: {  	s15 =	rddreg [dreg:$0x6];
	[sflag:s12] =	ssyncadd.s32 $0xFFFFD880  }
0x9a: {  	[tilespmem:s14], [sflag:$0xA] =	stream.linear.gather [hbm4b:s15+s17], $0x2780, $0x38;
	[tilespmem:$0x1F078] =	vst v63  }
0x9b: {  	_ =	swait.ge [sflag:s12], $0x2780  }
0x9c: {  	[sflag:s12] =	ssyncset.done $0x0  }
0x9d: {  	[sflag:s12] =	ssyncadd.s32 $0xFFFFD880  }
0x9e: {  	[bflag:$0x0] =	sbarrier.arrive $0xFFFF  }
0x9f: {  	s9 =	simm.s32 $0x5080;
	s22 =	rddreg [dreg:$0xc]  }
0xa0: {  	[tilespmem:s9], [sflag:$0x7] =	stream.linear.gather [hbm4b:s22+s17], $0x40, $0x38;
	[tilespmem:$0x1F078] =	vst v63  }
0xa1: {  	s10 =	rddreg [dreg:$0xd]  }
0xa2: {  	[tilespmem:s16], [sflag:$0x7] =	stream.linear.gather [hbm4b:s10+s17], $0x40, $0x38;
	[tilespmem:$0x1F078] =	vst v63  }
0xa3: {  	_ =	swait.ge [sflag:s29], $0x40  }
0xa4: {  	[sflag:s29] =	ssyncset.done $0x0  }
0xa5: {  	[sflag:s29] =	ssyncadd.s32 $0xFFFFFFC0  }
0xa6: {  	_ =	swait.ge [sflag:s29], $0x40  }
0xa7: {  	[sflag:s29] =	ssyncset.done $0x0  }
0xa8: {  	s15 =	rddreg [dreg:$0xe];
	[sflag:s29] =	ssyncadd.s32 $0xFFFFFFC0  }
0xa9: {  	[tilespmem:s18], [sflag:$0x8] =	stream.linear.gather [hbm4b:s15+s17], $0x40, $0x38;
	[tilespmem:$0x1F078] =	vst v63  }
0xaa: {  	s22 =	rddreg [dreg:$0xf]  }
0xab: {  	[tilespmem:s19], [sflag:$0x8] =	stream.linear.gather [hbm4b:s22+s17], $0x40, $0x38;
	[tilespmem:$0x1F078] =	vst v63  }
0xac: {  	s29 =	simm.s32 $0x0  }
0xad: {  	[tilespmem:s26], [sflag:$0x1] =	stream.indirect.gather [hbm4b:s1+s20], $0x80, s9, s20, $0xb8;
	[tilespmem:$0x1F078] =	vst v63  }
.LBB2_4:
0xae: {  	_ =	swait.ge [sflag:s21], $0x40  }
0xaf: {  	[sflag:s21] =	ssyncset.done $0x0  }
0xb0: {  	[sflag:s21] =	ssyncadd.s32 $0xFFFFFFC0  }
0xb1: {  	_ =	swait.ge [sflag:s21], $0x40  }
0xb2: {  	p3 =	seq.s32 s29, $0x0;
	[sflag:s21] =	ssyncset.done $0x0  }
0xb3: {  	s8 =	simm.s32 @!p3 $0x5;
	[sflag:s21] =	ssyncadd.s32 $0xFFFFFFC0  }
0xb4: {  	_ =	swait.ge @!p3 [sflag:s8], $0x2000  }
0xb5: {  	[sflag:s8] =	ssyncset.done @!p3 $0x0  }
0xb6: {  	s10 =	simm.s32 $0x7380;
	[sflag:s8] =	ssyncadd.s32 @!p3 $0xFFFFE000  }
0xb7: {  	[tilespmem:s10], [sflag:$0x2] =	stream.indirect.gather [hbm4b:s1+s20], $0x80, s18, s20, $0xb8;
	[tilespmem:$0x1F078] =	vst v63  }
0xb8: {  	_ =	swait.ge [sflag:s23], $0x2000  }
0xb9: {  	[sflag:s23] =	ssyncset.done $0x0  }
0xba: {  	[sflag:s23] =	ssyncadd.s32 $0xFFFFE000  }
0xbb: {  	v1 =	vld [tilespmem:$0x4F00]  }
0xbc: {  	v2 =	vld [tilespmem:$0x5080];
	_ =	sdelay $0x6  }
0xbd: {  	v1 =	vld.idx.msk [tilespmem:v1+s17+$0x0], $0xffff  }
0xbe: {  	v2 =	vld.idx.msk [tilespmem:v2+s14+$0x0], $0xffff;
	_ =	sdelay $0x4  }
0xbf: {  	v1 =	vadd.f32 v2, v1;
	_ =	sdelay $0x1  }
0xc0: {  	v2 =	vmul.f32 $2.000000030e-01, v1  }
0xc1: {  	vm0 =	vgt.f32 v1, $0.0e+00  }
0xc2: {  	v1 =	vsel vm0, v1, v2  }
0xc3: {  	v1 =	vmul.f32 $1.442695020e+00, v1;
	_ =	sdelay $0x1  }
0xc4: {  	(erf) = vpow2.f32 v1;
	_ =	sdelay $0x2  }
0xc5: {  	v1 =	vld [tilespmem:$0x4F10]  }
0xc6: {  	v2 =	vld [tilespmem:$0x5090];
	_ =	sdelay $0x4  }
0xc7: {  	v3 =	vpop (erf)  }
0xc8: {  	[tilespmem:$0x5200] =	vst v3  }
0xc9: {  	v1 =	vld.idx.msk [tilespmem:v1+s17+$0x0], $0xffff  }
0xca: {  	v2 =	vld.idx.msk [tilespmem:v2+s14+$0x0], $0xffff;
	_ =	sdelay $0x4  }
0xcb: {  	v1 =	vadd.f32 v2, v1;
	_ =	sdelay $0x1  }
0xcc: {  	v2 =	vmul.f32 $2.000000030e-01, v1  }
0xcd: {  	vm13 =	vgt.f32 v1, $0.0e+00  }
0xce: {  	v1 =	vsel vm13, v1, v2  }
0xcf: {  	v1 =	vmul.f32 $1.442695020e+00, v1;
	_ =	sdelay $0x1  }
0xd0: {  	(erf) = vpow2.f32 v1;
	_ =	sdelay $0x2  }
0xd1: {  	v1 =	vld [tilespmem:$0x4F20]  }
0xd2: {  	v2 =	vld [tilespmem:$0x50A0];
	_ =	sdelay $0x4  }
0xd3: {  	v3 =	vpop (erf)  }
0xd4: {  	[tilespmem:$0x5210] =	vst v3  }
0xd5: {  	v1 =	vld.idx.msk [tilespmem:v1+s17+$0x0], $0xffff  }
0xd6: {  	v2 =	vld.idx.msk [tilespmem:v2+s14+$0x0], $0xffff;
	_ =	sdelay $0x4  }
0xd7: {  	v1 =	vadd.f32 v2, v1;
	_ =	sdelay $0x1  }
0xd8: {  	v2 =	vmul.f32 $2.000000030e-01, v1  }
0xd9: {  	vm14 =	vgt.f32 v1, $0.0e+00  }
0xda: {  	v1 =	vsel vm14, v1, v2  }
0xdb: {  	v1 =	vmul.f32 $1.442695020e+00, v1;
	_ =	sdelay $0x1  }
0xdc: {  	(erf) = vpow2.f32 v1;
	_ =	sdelay $0x2  }
0xdd: {  	v1 =	vld [tilespmem:$0x4F30]  }
0xde: {  	v2 =	vld [tilespmem:$0x50B0];
	_ =	sdelay $0x4  }
0xdf: {  	v3 =	vpop (erf)  }
0xe0: {  	[tilespmem:$0x5220] =	vst v3  }
0xe1: {  	v1 =	vld.idx.msk [tilespmem:v1+s17+$0x0], $0xffff  }
0xe2: {  	v2 =	vld.idx.msk [tilespmem:v2+s14+$0x0], $0xffff;
	_ =	sdelay $0x4  }
0xe3: {  	v1 =	vadd.f32 v2, v1;
	_ =	sdelay $0x1  }
0xe4: {  	v2 =	vmul.f32 $2.000000030e-01, v1  }
0xe5: {  	vm15 =	vgt.f32 v1, $0.0e+00  }
0xe6: {  	v1 =	vsel vm15, v1, v2  }
0xe7: {  	v1 =	vmul.f32 $1.442695020e+00, v1;
	_ =	sdelay $0x1  }
0xe8: {  	(erf) = vpow2.f32 v1;
	_ =	sdelay $0x8  }
0xe9: {  	v1 =	vpop (erf)  }
0xea: {  	[tilespmem:$0x5230] =	vst v1  }
0xeb: {  	[spmem:s3] =	stream.indirect.scatter.add.f32 [tilespmem:s24], [sflag:$0xA], $0x1, s16, s20, $0xb8;
	[tilespmem:$0x1F078] =	vst v63  }
0xec: {  	_ =	swait.ge [sflag:s12], $0x40  }
0xed: {  	[sflag:s12] =	ssyncset.done $0x0  }
0xee: {  	[sflag:s12] =	ssyncadd.s32 $0xFFFFFFC0  }
0xef: {  	v1 =	vld [tilespmem:$0x4F00]  }
0xf0: {  	v2 =	vld [tilespmem:$0x4F10]  }
0xf1: {  	v3 =	vld [tilespmem:$0x4F20]  }
0xf2: {  	v4 =	vld [tilespmem:$0x4F30]  }
0xf3: {  	s15 =	smul.u32 $0xC0, s29  }
0xf4: {  	s22 =	rddreg [dreg:$0x16];
	[tilespmem:$0xB380] =	vst v1  }
0xf5: {  	s8 =	sadd.s32 s15, s22;
	[tilespmem:$0xB390] =	vst v2  }
0xf6: {  	s8 =	sshrl.u32 s8, $0x3;
	[tilespmem:$0xB3A0] =	vst v3  }
0xf7: {  	v5 =	vmov s17;
	s9 =	simm.s32 $0x2;
	s26 =	sadd.s32 s6, s8;
	[tilespmem:$0xB3B0] =	vst v4  }
0xf8: {  	v1 =	vand.u32 $0xFFFFFFFC, v5;
	v5 =	vmov s9;
	[tilespmem:s25], [sflag:$0x9] =	stream.linear.gather [hbm4b:s26+s17], $0x40, $0x38;
	[tilespmem:$0x1F078] =	vst v63  }
0xf9: {  	s10 =	simm.s32 $0x5480;
	s8 =	sadd.s32 s5, s8;
	v1 =	vbroadcast v1, $0x0;
	v2 =	vand.u32 $0xFFFFFFFE, v5  }
0xfa: {  	v2 =	vbroadcast v2, $0x0;
	[tilespmem:s28], [sflag:$0x9] =	stream.linear.gather [hbm4b:s8+s17], $0x40, $0x38;
	[tilespmem:$0x1F078] =	vst v63  }
0xfb: {  	v4 =	vld [tilespmem:s10+$0x70]  }
0xfc: {  	v5 =	vld [tilespmem:s10+$0xFFFFFF00]  }
0xfd: {  	s9 =	simm.s32 $0x1;
	v6 =	vld [tilespmem:s10+$0xFFFFFF10]  }
0xfe: {  	v3 =	vmov s9;
	v7 =	vld [tilespmem:s10+$0xFFFFFF20]  }
0xff: {  	v3 =	vand.u32 $0xFFFFFFFD, v3;
	v1 =	vld.idx.msk [tilespmem:v1+s24+$0x0], $0xffff  }
0x100: {  	v3 =	vbroadcast v3, $0x0;
	v2 =	vld.idx.msk [tilespmem:v2+s24+$0x0], $0xffff  }
0x101: {  	v8 =	vld [tilespmem:s10+$0xFFFFFF30]  }
0x102: {  	v9 =	vld [tilespmem:s10+$0xFFFFFF40]  }
0x103: {  	v10 =	vld [tilespmem:s10+$0xFFFFFF50]  }
0x104: {  	v11 =	vld [tilespmem:s10+$0xFFFFFF60];
	v5 =	vmul.f32 v5, v1  }
0x105: {  	v13 =	vld [tilespmem:s10+$0x40];
	v4 =	vmul.f32 v4, v2  }
0x106: {  	v3 =	vld.idx.msk [tilespmem:v3+s24+$0x0], $0xffff;
	[tilespmem:s10+$0xFFFFFF00] =	vst v5;
	v5 =	vmul.f32 v6, v1  }
0x107: {  	v6 =	vld [tilespmem:s10+$0xFFFFFF70];
	[tilespmem:s10+$0x70] =	vst v4;
	v4 =	vmul.f32 v7, v1  }
0x108: {  	v7 =	vld [tilespmem:s10+$0xFFFFFF80];
	[tilespmem:s10+$0xFFFFFF10] =	vst v5;
	v5 =	vmul.f32 v8, v1  }
0x109: {  	v8 =	vld [tilespmem:s10+$0xFFFFFF90];
	[tilespmem:s10+$0xFFFFFF20] =	vst v4;
	v4 =	vmul.f32 v9, v1  }
0x10a: {  	v9 =	vld [tilespmem:s10+$0xFFFFFFA0];
	[tilespmem:s10+$0xFFFFFF30] =	vst v5;
	v5 =	vmul.f32 v10, v1  }
0x10b: {  	v10 =	vld [tilespmem:s10+$0xFFFFFFB0];
	[tilespmem:s10+$0xFFFFFF40] =	vst v4;
	v4 =	vmul.f32 v11, v1  }
0x10c: {  	v11 =	vld [tilespmem:s10+$0xFFFFFFC0];
	v6 =	vmul.f32 v6, v1;
	[tilespmem:s10+$0xFFFFFF50] =	vst v5  }
0x10d: {  	v5 =	vmul.f32 v7, v3;
	v7 =	vld [tilespmem:s10+$0xFFFFFFD0];
	[tilespmem:s10+$0xFFFFFF60] =	vst v4  }
0x10e: {  	s15 =	simm.s32 $0x3;
	v4 =	vld [tilespmem:s10+$0xFFFFFFE0];
	v8 =	vmul.f32 v8, v3;
	[tilespmem:s10+$0xFFFFFF70] =	vst v6  }
0x10f: {  	v12 =	vmov s15;
	v6 =	vld [tilespmem:s10+$0xFFFFFFF0];
	[tilespmem:s10+$0xFFFFFF80] =	vst v5;
	v5 =	vmul.f32 v9, v3  }
0x110: {  	v9 =	vld [tilespmem:s10+$0x0];
	[tilespmem:s10+$0xFFFFFF90] =	vst v8;
	v8 =	vmul.f32 v10, v3  }
0x111: {  	v10 =	vld [tilespmem:s10+$0x10];
	[tilespmem:s10+$0xFFFFFFA0] =	vst v5;
	v5 =	vmul.f32 v11, v3  }
0x112: {  	[tilespmem:s10+$0xFFFFFFB0] =	vst v8;
	v7 =	vmul.f32 v7, v3;
	v8 =	vld [tilespmem:s10+$0x20]  }
0x113: {  	v11 =	vld [tilespmem:s10+$0x30];
	[tilespmem:s10+$0xFFFFFFC0] =	vst v5;
	v4 =	vmul.f32 v4, v3  }
0x114: {  	v1 =	vld.idx.msk [tilespmem:v12+s24+$0x0], $0xffff;
	v3 =	vmul.f32 v6, v3;
	[tilespmem:s10+$0xFFFFFFD0] =	vst v7  }
0x115: {  	v5 =	vmul.f32 v9, v2;
	[tilespmem:s10+$0xFFFFFFE0] =	vst v4;
	v4 =	vld [tilespmem:s10+$0x50]  }
0x116: {  	s22 =	simm.s32 $0x4;
	[tilespmem:s10+$0xFFFFFFF0] =	vst v3;
	v6 =	vmul.f32 v10, v2;
	v3 =	vld [tilespmem:s10+$0x60]  }
0x117: {  	s26 =	simm.s32 $0x7;
	v7 =	vmov s22;
	[tilespmem:s10+$0x0] =	vst v5;
	v9 =	vmul.f32 v8, v2;
	v8 =	vld [tilespmem:s10+$0x80]  }
0x118: {  	s15 =	simm.s32 $0x5;
	s9 =	smul.u32 $0x3, s29;
	v12 =	vand.u32 $0xFFFFFFFC, v7;
	v7 =	vld [tilespmem:s10+$0x90];
	v5 =	vmov s26;
	v10 =	vmul.f32 v11, v2;
	[tilespmem:s10+$0x10] =	vst v6  }
0x119: {  	s8 =	simm.s32 $0x8;
	s26 =	simm.s32 $0x6;
	v11 =	vmul.f32 v13, v2;
	v6 =	vbroadcast v12, $0x0;
	v12 =	vmov s15;
	s15 =	simm.s32 $0x5480;
	[tilespmem:s10+$0x20] =	vst v9;
	v9 =	vld [tilespmem:s10+$0xA0]  }
.LBB2_5:
0x11a: {  	p4 =	slt.u32 s8, $0x3C;
	v12 =	vand.u32 $0xFFFFFFFD, v12;
	v13 =	vmov s26;
	[tilespmem:s10+$0x30] =	vst v10;
	v4 =	vmul.f32 v4, v2;
	v10 =	vld [tilespmem:s10+$0xB0]  }
0x11b: {  	v12 =	vbroadcast v12, $0x0;
	v13 =	vand.u32 $0xFFFFFFFE, v13;
	[tilespmem:s10+$0x40] =	vst v11;
	v2 =	vmul.f32 v3, v2;
	v3 =	vld [tilespmem:s10+$0xC0]  }
0x11c: {  	v11 =	vbroadcast v13, $0x0;
	[tilespmem:s10+$0x50] =	vst v4;
	v4 =	vmul.f32 v8, v1;
	v8 =	vld [tilespmem:s10+$0xD0]  }
0x11d: {  	[tilespmem:s10+$0x60] =	vst v2;
	v2 =	vmul.f32 v7, v1;
	v7 =	vld [tilespmem:s10+$0xE0]  }
0x11e: {  	[tilespmem:s10+$0x80] =	vst v4;
	v4 =	vmul.f32 v9, v1;
	v9 =	vld [tilespmem:s10+$0xF0]  }
0x11f: {  	v5 =	vld.idx.msk [tilespmem:v5+s24+$0x0], $0xffff;
	[tilespmem:s10+$0x90] =	vst v2;
	v2 =	vmul.f32 v10, v1  }
0x120: {  	v6 =	vld.idx.msk [tilespmem:v6+s24+$0x0], $0xffff;
	[tilespmem:s10+$0xA0] =	vst v4;
	v3 =	vmul.f32 v3, v1  }
0x121: {  	v4 =	vld.idx.msk [tilespmem:v12+s24+$0x0], $0xffff;
	[tilespmem:s10+$0xB0] =	vst v2;
	v8 =	vmul.f32 v8, v1  }
0x122: {  	s10 =	sadd.s32 $0x200, s10;
	v2 =	vld.idx.msk [tilespmem:v11+s24+$0x0], $0xffff;
	[tilespmem:s15+$0xC0] =	vst v3;
	v3 =	vmul.f32 v7, v1  }
0x123: {  	v7 =	vld [tilespmem:s10+$0x70];
	[tilespmem:s15+$0xD0] =	vst v8;
	v9 =	vmul.f32 v9, v1  }
0x124: {  	v8 =	vld [tilespmem:s10+$0xFFFFFF00];
	[tilespmem:s15+$0xE0] =	vst v3  }
0x125: {  	v1 =	vmov v5;
	v3 =	vld [tilespmem:s10+$0xFFFFFF10];
	[tilespmem:s15+$0xF0] =	vst v9;
	s15 =	smov.u32 s10  }
0x126: {  	v5 =	vld [tilespmem:s10+$0xFFFFFF20]  }
0x127: {  	v9 =	vld [tilespmem:s10+$0xFFFFFF30]  }
0x128: {  	v10 =	vld [tilespmem:s10+$0xFFFFFF40];
	v7 =	vmul.f32 v7, v2  }
0x129: {  	v8 =	vmul.f32 v8, v6;
	v11 =	vld [tilespmem:s10+$0xFFFFFF50]  }
0x12a: {  	v3 =	vmul.f32 v3, v6;
	v12 =	vld [tilespmem:s10+$0xFFFFFF60];
	[tilespmem:s10+$0x70] =	vst v7  }
0x12b: {  	[tilespmem:s10+$0xFFFFFF00] =	vst v8;
	v5 =	vmul.f32 v5, v6;
	v7 =	vld [tilespmem:s10+$0xFFFFFF70]  }
0x12c: {  	[tilespmem:s10+$0xFFFFFF10] =	vst v3;
	v3 =	vmul.f32 v9, v6;
	v8 =	vld [tilespmem:s10+$0xFFFFFF80]  }
0x12d: {  	[tilespmem:s10+$0xFFFFFF20] =	vst v5;
	v5 =	vmul.f32 v10, v6;
	v9 =	vld [tilespmem:s10+$0xFFFFFF90]  }
0x12e: {  	[tilespmem:s10+$0xFFFFFF30] =	vst v3;
	v3 =	vmul.f32 v11, v6;
	v10 =	vld [tilespmem:s10+$0xFFFFFFA0]  }
0x12f: {  	[tilespmem:s10+$0xFFFFFF40] =	vst v5;
	v5 =	vmul.f32 v12, v6;
	v11 =	vld [tilespmem:s10+$0xFFFFFFB0]  }
0x130: {  	[tilespmem:s10+$0xFFFFFF50] =	vst v3;
	v3 =	vmul.f32 v7, v6;
	v6 =	vld [tilespmem:s10+$0xFFFFFFC0]  }
0x131: {  	[tilespmem:s10+$0xFFFFFF60] =	vst v5;
	v5 =	vmul.f32 v8, v4;
	v7 =	vld [tilespmem:s10+$0xFFFFFFD0]  }
0x132: {  	[tilespmem:s10+$0xFFFFFF70] =	vst v3;
	v3 =	vmul.f32 v9, v4;
	v8 =	vld [tilespmem:s10+$0xFFFFFFE0]  }
0x133: {  	[tilespmem:s10+$0xFFFFFF80] =	vst v5;
	v5 =	vmul.f32 v10, v4;
	v9 =	vld [tilespmem:s10+$0xFFFFFFF0]  }
0x134: {  	[tilespmem:s10+$0xFFFFFF90] =	vst v3;
	v3 =	vmul.f32 v11, v4;
	v10 =	vld [tilespmem:s10+$0x0]  }
0x135: {  	[tilespmem:s10+$0xFFFFFFA0] =	vst v5;
	v5 =	vmul.f32 v6, v4;
	v6 =	vld [tilespmem:s10+$0x10]  }
0x136: {  	[tilespmem:s10+$0xFFFFFFB0] =	vst v3;
	v3 =	vmul.f32 v7, v4;
	v7 =	vld [tilespmem:s10+$0x20]  }
0x137: {  	[tilespmem:s10+$0xFFFFFFC0] =	vst v5;
	v5 =	vmul.f32 v8, v4;
	v11 =	vld [tilespmem:s10+$0x30]  }
0x138: {  	[tilespmem:s10+$0xFFFFFFD0] =	vst v3;
	v3 =	vmul.f32 v9, v4;
	v9 =	vld [tilespmem:s10+$0x40]  }
.Ltmp1:
0x139: {  	[tilespmem:s10+$0xFFFFFFE0] =	vst v5;
	v5 =	vmul.f32 v10, v2;
	v4 =	vld [tilespmem:s10+$0x50];
	(pc) =	sbr.rel @p4 .LBB2_5-.Ltmp1, $4  }
0x13a: {  	[tilespmem:s10+$0xFFFFFFF0] =	vst v3;
	v6 =	vmul.f32 v6, v2;
	v3 =	vld [tilespmem:s10+$0x60]  }
0x13b: {  	s26 =	sadd.s32 $0x3, s8;
	v10 =	vmov s8;
	[tilespmem:s10+$0x0] =	vst v5;
	v13 =	vmul.f32 v7, v2;
	v8 =	vld [tilespmem:s10+$0x80]  }
0x13c: {  	s22 =	sadd.s32 $0x1, s8;
	v12 =	vand.u32 $0xFFFFFFFC, v10;
	v5 =	vmov s26;
	[tilespmem:s10+$0x10] =	vst v6;
	v10 =	vmul.f32 v11, v2;
	v7 =	vld [tilespmem:s10+$0x90]  }
0x13d: {  	s26 =	sadd.s32 $0x2, s8;
	s8 =	sadd.s32 $0x4, s8;
	v6 =	vbroadcast v12, $0x0;
	v12 =	vmov s22;
	[tilespmem:s10+$0x20] =	vst v13;
	v11 =	vmul.f32 v9, v2;
	v9 =	vld [tilespmem:s10+$0xA0]  }
0x13e: {  	v13 =	vld [tilespmem:s10+$0xB0]  }
0x13f: {  	v15 =	vld [tilespmem:s10+$0xC0]  }
0x140: {  	v14 =	vmov s26;
	v16 =	vld [tilespmem:s10+$0xD0]  }
0x141: {  	v17 =	vld [tilespmem:s10+$0xE0];
	[tilespmem:s10+$0x30] =	vst v10;
	v4 =	vmul.f32 v4, v2;
	v14 =	vand.u32 $0xFFFFFFFE, v14  }
0x142: {  	v12 =	vand.u32 $0xFFFFFFFD, v12;
	v5 =	vld.idx.msk [tilespmem:v5+s24+$0x0], $0xffff;
	[tilespmem:s10+$0x40] =	vst v11;
	v2 =	vmul.f32 v3, v2;
	v14 =	vbroadcast v14, $0x0  }
0x143: {  	s8 =	sadd.s32 $0x200, s10;
	v12 =	vbroadcast v12, $0x0;
	v3 =	vld.idx.msk [tilespmem:v6+s24+$0x0], $0xffff;
	v8 =	vmul.f32 v8, v1;
	[tilespmem:s10+$0x50] =	vst v4  }
0x144: {  	v10 =	vld [tilespmem:s8+$0xFFFFFF00];
	v4 =	vmul.f32 v7, v1;
	[tilespmem:s10+$0x60] =	vst v2  }
0x145: {  	[tilespmem:s10+$0x80] =	vst v8;
	v8 =	vld [tilespmem:s10+$0xF0];
	v2 =	vmul.f32 v9, v1  }
0x146: {  	v11 =	vld [tilespmem:s8+$0xFFFFFF10];
	[tilespmem:s10+$0x90] =	vst v4;
	v4 =	vmul.f32 v13, v1  }
0x147: {  	v9 =	vld [tilespmem:s8+$0x70];
	[tilespmem:s10+$0xA0] =	vst v2;
	v2 =	vmul.f32 v15, v1  }
0x148: {  	[tilespmem:s10+$0xB0] =	vst v4;
	v4 =	vmul.f32 v16, v1;
	v7 =	vld.idx.msk [tilespmem:v14+s24+$0x0], $0xffff  }
0x149: {  	v6 =	vld.idx.msk [tilespmem:v12+s24+$0x0], $0xffff;
	[tilespmem:s15+$0xC0] =	vst v2;
	v2 =	vmul.f32 v17, v1  }
0x14a: {  	v12 =	vld [tilespmem:s8+$0xFFFFFF20];
	[tilespmem:s15+$0xD0] =	vst v4;
	v1 =	vmul.f32 v8, v1  }
0x14b: {  	v4 =	vld [tilespmem:s8+$0xFFFFFF30];
	[tilespmem:s15+$0xE0] =	vst v2  }
0x14c: {  	v2 =	vld [tilespmem:s8+$0xFFFFFF40];
	[tilespmem:s15+$0xF0] =	vst v1;
	v1 =	vmul.f32 v10, v3  }
0x14d: {  	v8 =	vmul.f32 v9, v7;
	v9 =	vld [tilespmem:s8+$0xFFFFFF50]  }
0x14e: {  	v10 =	vmul.f32 v11, v3;
	v11 =	vld [tilespmem:s8+$0xFFFFFF60];
	[tilespmem:s8+$0xFFFFFF00] =	vst v1  }
0x14f: {  	v1 =	vmul.f32 v12, v3;
	[tilespmem:s8+$0x70] =	vst v8;
	v8 =	vld [tilespmem:s8+$0xFFFFFF70]  }
0x150: {  	[tilespmem:s8+$0xFFFFFF10] =	vst v10;
	v10 =	vld [tilespmem:s8+$0xFFFFFF80];
	v4 =	vmul.f32 v4, v3  }
0x151: {  	[tilespmem:s8+$0xFFFFFF20] =	vst v1;
	v1 =	vmul.f32 v2, v3;
	v2 =	vld [tilespmem:s8+$0xFFFFFF90]  }
0x152: {  	[tilespmem:s8+$0xFFFFFF30] =	vst v4;
	v4 =	vmul.f32 v9, v3;
	v9 =	vld [tilespmem:s8+$0xFFFFFFA0]  }
0x153: {  	[tilespmem:s8+$0xFFFFFF40] =	vst v1;
	v1 =	vmul.f32 v11, v3;
	v11 =	vld [tilespmem:s8+$0xFFFFFFB0]  }
0x154: {  	[tilespmem:s8+$0xFFFFFF50] =	vst v4;
	v3 =	vmul.f32 v8, v3;
	v4 =	vld [tilespmem:s8+$0xFFFFFFC0]  }
0x155: {  	[tilespmem:s8+$0xFFFFFF60] =	vst v1;
	v1 =	vmul.f32 v10, v6;
	v8 =	vld [tilespmem:s8+$0xFFFFFFD0]  }
0x156: {  	v2 =	vmul.f32 v2, v6;
	[tilespmem:s8+$0xFFFFFF70] =	vst v3;
	v3 =	vld [tilespmem:s8+$0xFFFFFFE0]  }
0x157: {  	[tilespmem:s8+$0xFFFFFF80] =	vst v1;
	v1 =	vmul.f32 v9, v6;
	v9 =	vld [tilespmem:s8+$0xFFFFFFF0]  }
0x158: {  	v10 =	vld [tilespmem:s8+$0x0];
	[tilespmem:s8+$0xFFFFFF90] =	vst v2;
	v2 =	vmul.f32 v11, v6  }
0x159: {  	[tilespmem:s8+$0xFFFFFFA0] =	vst v1;
	v1 =	vmul.f32 v4, v6;
	v4 =	vld [tilespmem:s8+$0x10]  }
0x15a: {  	[tilespmem:s8+$0xFFFFFFB0] =	vst v2;
	v2 =	vmul.f32 v8, v6;
	v8 =	vld [tilespmem:s8+$0x20]  }
0x15b: {  	[tilespmem:s8+$0xFFFFFFC0] =	vst v1;
	v1 =	vmul.f32 v3, v6;
	v3 =	vld [tilespmem:s8+$0x30]  }
0x15c: {  	[tilespmem:s8+$0xFFFFFFD0] =	vst v2;
	v2 =	vmul.f32 v9, v6;
	v6 =	vld [tilespmem:s8+$0x40]  }
0x15d: {  	v9 =	vld [tilespmem:s8+$0x50];
	[tilespmem:s8+$0xFFFFFFE0] =	vst v1;
	v1 =	vmul.f32 v10, v7  }
0x15e: {  	[tilespmem:s8+$0xFFFFFFF0] =	vst v2;
	v2 =	vmul.f32 v4, v7;
	v4 =	vld [tilespmem:s8+$0x60]  }
0x15f: {  	[tilespmem:s8+$0x0] =	vst v1;
	v1 =	vmul.f32 v8, v7;
	v8 =	vld [tilespmem:s8+$0x80]  }
0x160: {  	[tilespmem:s8+$0x10] =	vst v2;
	v2 =	vmul.f32 v3, v7;
	v3 =	vld [tilespmem:s8+$0x90]  }
0x161: {  	[tilespmem:s8+$0x20] =	vst v1;
	v1 =	vmul.f32 v6, v7;
	v6 =	vld [tilespmem:s8+$0xA0]  }
0x162: {  	[tilespmem:s8+$0x30] =	vst v2;
	v2 =	vmul.f32 v9, v7;
	v9 =	vld [tilespmem:s8+$0xB0]  }
0x163: {  	[tilespmem:s8+$0x40] =	vst v1;
	v1 =	vmul.f32 v4, v7;
	v4 =	vld [tilespmem:s8+$0xC0]  }
0x164: {  	v7 =	vld [tilespmem:s8+$0xD0];
	[tilespmem:s8+$0x50] =	vst v2;
	v2 =	vmul.f32 v8, v5  }
0x165: {  	[tilespmem:s8+$0x60] =	vst v1;
	v1 =	vmul.f32 v3, v5;
	v3 =	vld [tilespmem:s8+$0xE0]  }
0x166: {  	[tilespmem:s8+$0x80] =	vst v2;
	v2 =	vmul.f32 v6, v5;
	v6 =	vld [tilespmem:s8+$0xF0]  }
0x167: {  	[tilespmem:s8+$0x90] =	vst v1;
	v1 =	vmul.f32 v9, v5  }
0x168: {  	[tilespmem:s8+$0xA0] =	vst v2;
	v2 =	vmul.f32 v4, v5  }
0x169: {  	[tilespmem:s8+$0xB0] =	vst v1;
	v1 =	vmul.f32 v7, v5  }
0x16a: {  	[tilespmem:s8+$0xC0] =	vst v2;
	v2 =	vmul.f32 v3, v5  }
0x16b: {  	[tilespmem:s8+$0xD0] =	vst v1;
	v1 =	vmul.f32 v6, v5  }
0x16c: {  	[tilespmem:s8+$0xE0] =	vst v2  }
0x16d: {  	s22 =	simm.s32 $0x5380;
	s26 =	simm.s32 $0xB380;
	[tilespmem:s8+$0xF0] =	vst v1  }
0x16e: {  	[spmem:s2] =	stream.indirect.scatter.add.f32 [tilespmem:s22], [sflag:$0x4], $0x80, s26, s20, $0xb8;
	[tilespmem:$0x1F078] =	vst v63  }
0x16f: {  	_ =	swait.ge [sflag:s30], $0x40  }
0x170: {  	[sflag:s30] =	ssyncset.done $0x0  }
0x171: {  	[sflag:s30] =	ssyncadd.s32 $0xFFFFFFC0  }
0x172: {  	_ =	swait.ge [sflag:s30], $0x40  }
0x173: {  	[sflag:s30] =	ssyncset.done $0x0  }
0x174: {  	s8 =	simm.s32 @!p3 $0x6;
	[sflag:s30] =	ssyncadd.s32 $0xFFFFFFC0  }
0x175: {  	_ =	swait.ge @!p3 [sflag:s8], $0x2000  }
0x176: {  	[sflag:s8] =	ssyncset.done @!p3 $0x0  }
0x177: {  	[sflag:s8] =	ssyncadd.s32 @!p3 $0xFFFFE000  }
0x178: {  	[tilespmem:s31], [sflag:$0x3] =	stream.indirect.gather [hbm4b:s1+s20], $0x80, s25, s20, $0xb8;
	[tilespmem:$0x1F078] =	vst v63  }
0x179: {  	_ =	swait.ge [sflag:s0], $0x2000  }
0x17a: {  	[sflag:s0] =	ssyncset.done $0x0  }
0x17b: {  	[sflag:s0] =	ssyncadd.s32 $0xFFFFE000  }
0x17c: {  	v1 =	vld [tilespmem:$0x4F80]  }
0x17d: {  	v2 =	vld [tilespmem:$0x5100];
	_ =	sdelay $0x5  }
0x17e: {  	s8 =	simm.s32 $0x0  }
0x17f: {  	v1 =	vld.idx.msk [tilespmem:v1+s8+$0x0], $0xffff  }
0x180: {  	v2 =	vld.idx.msk [tilespmem:v2+s14+$0x0], $0xffff;
	_ =	sdelay $0x4  }
0x181: {  	v1 =	vadd.f32 v2, v1;
	_ =	sdelay $0x1  }
0x182: {  	v2 =	vmul.f32 $2.000000030e-01, v1  }
0x183: {  	vm0 =	vgt.f32 v1, $0.0e+00  }
0x184: {  	v1 =	vsel vm0, v1, v2  }
0x185: {  	v1 =	vmul.f32 $1.442695020e+00, v1;
	_ =	sdelay $0x1  }
0x186: {  	(erf) = vpow2.f32 v1;
	_ =	sdelay $0x2  }
0x187: {  	v1 =	vld [tilespmem:$0x4F90]  }
0x188: {  	v2 =	vld [tilespmem:$0x5110];
	_ =	sdelay $0x4  }
0x189: {  	v3 =	vpop (erf)  }
0x18a: {  	[tilespmem:$0x5280] =	vst v3  }
0x18b: {  	v1 =	vld.idx.msk [tilespmem:v1+s8+$0x0], $0xffff  }
0x18c: {  	v2 =	vld.idx.msk [tilespmem:v2+s14+$0x0], $0xffff;
	_ =	sdelay $0x4  }
0x18d: {  	v1 =	vadd.f32 v2, v1;
	_ =	sdelay $0x1  }
0x18e: {  	v2 =	vmul.f32 $2.000000030e-01, v1  }
0x18f: {  	vm13 =	vgt.f32 v1, $0.0e+00  }
0x190: {  	v1 =	vsel vm13, v1, v2  }
0x191: {  	v1 =	vmul.f32 $1.442695020e+00, v1;
	_ =	sdelay $0x1  }
0x192: {  	(erf) = vpow2.f32 v1;
	_ =	sdelay $0x2  }
0x193: {  	v1 =	vld [tilespmem:$0x4FA0]  }
0x194: {  	v2 =	vld [tilespmem:$0x5120];
	_ =	sdelay $0x4  }
0x195: {  	v3 =	vpop (erf)  }
0x196: {  	[tilespmem:$0x5290] =	vst v3  }
0x197: {  	v1 =	vld.idx.msk [tilespmem:v1+s8+$0x0], $0xffff  }
0x198: {  	v2 =	vld.idx.msk [tilespmem:v2+s14+$0x0], $0xffff;
	_ =	sdelay $0x4  }
0x199: {  	v1 =	vadd.f32 v2, v1;
	_ =	sdelay $0x1  }
0x19a: {  	v2 =	vmul.f32 $2.000000030e-01, v1  }
0x19b: {  	vm14 =	vgt.f32 v1, $0.0e+00  }
0x19c: {  	v1 =	vsel vm14, v1, v2  }
0x19d: {  	v1 =	vmul.f32 $1.442695020e+00, v1;
	_ =	sdelay $0x1  }
0x19e: {  	(erf) = vpow2.f32 v1;
	_ =	sdelay $0x2  }
0x19f: {  	v1 =	vld [tilespmem:$0x4FB0]  }
0x1a0: {  	v2 =	vld [tilespmem:$0x5130];
	_ =	sdelay $0x4  }
0x1a1: {  	v3 =	vpop (erf)  }
0x1a2: {  	[tilespmem:$0x52A0] =	vst v3  }
0x1a3: {  	v1 =	vld.idx.msk [tilespmem:v1+s8+$0x0], $0xffff  }
0x1a4: {  	v2 =	vld.idx.msk [tilespmem:v2+s14+$0x0], $0xffff;
	_ =	sdelay $0x4  }
0x1a5: {  	v1 =	vadd.f32 v2, v1;
	_ =	sdelay $0x1  }
0x1a6: {  	v2 =	vmul.f32 $2.000000030e-01, v1  }
0x1a7: {  	vm15 =	vgt.f32 v1, $0.0e+00  }
0x1a8: {  	v1 =	vsel vm15, v1, v2  }
0x1a9: {  	v1 =	vmul.f32 $1.442695020e+00, v1;
	_ =	sdelay $0x1  }
0x1aa: {  	(erf) = vpow2.f32 v1;
	_ =	sdelay $0x8  }
0x1ab: {  	v1 =	vpop (erf)  }
0x1ac: {  	[tilespmem:$0x52B0] =	vst v1  }
0x1ad: {  	[spmem:s3] =	stream.indirect.scatter.add.f32 [tilespmem:s4], [sflag:$0xA], $0x1, s19, s20, $0xb8;
	[tilespmem:$0x1F078] =	vst v63  }
0x1ae: {  	_ =	swait.ge [sflag:s12], $0x40  }
0x1af: {  	[sflag:s12] =	ssyncset.done $0x0  }
0x1b0: {  	[sflag:s12] =	ssyncadd.s32 $0xFFFFFFC0  }
0x1b1: {  	v1 =	vld [tilespmem:$0x4F80]  }
0x1b2: {  	v2 =	vld [tilespmem:$0x4F90]  }
0x1b3: {  	v3 =	vld [tilespmem:$0x4FA0]  }
0x1b4: {  	s15 =	sadd.s32 $0x3, s9;
	v4 =	vld [tilespmem:$0x4FB0]  }
0x1b5: {  	s10 =	sshll.u32 s15, $0x6;
	p3 =	seq.s32 s15, $0x9C  }
0x1b6: {  	s10 =	simm.s32 @p3 $0x0;
	[tilespmem:$0xB400] =	vst v1  }
0x1b7: {  	s10 =	sadd.s32 s11, s10;
	[tilespmem:$0xB410] =	vst v2  }
0x1b8: {  	s22 =	simm.s32 $0x2;
	v5 =	vmov s8;
	s10 =	sshrl.u32 s10, $0x3;
	[tilespmem:$0xB420] =	vst v3  }
0x1b9: {  	s26 =	sadd.s32 s6, s10;
	v1 =	vand.u32 $0xFFFFFFFC, v5;
	v5 =	vmov s22;
	[tilespmem:$0xB430] =	vst v4;
	s22 =	simm.s32 $0x5080  }
0x1ba: {  	[tilespmem:s22], [sflag:$0x7] =	stream.linear.gather [hbm4b:s26+s8], $0x40, $0x38;
	[tilespmem:$0x1F078] =	vst v63  }
0x1bb: {  	s10 =	sadd.s32 s5, s10  }
0x1bc: {  	v1 =	vbroadcast v1, $0x0;
	v2 =	vand.u32 $0xFFFFFFFE, v5;
	[tilespmem:s16], [sflag:$0x7] =	stream.linear.gather [hbm4b:s10+s8], $0x40, $0x38;
	[tilespmem:$0x1F078] =	vst v63  }
0x1bd: {  	v2 =	vbroadcast v2, $0x0;
	s10 =	simm.s32 $0x7480  }
0x1be: {  	v4 =	vld [tilespmem:s10+$0x70]  }
0x1bf: {  	v5 =	vld [tilespmem:s10+$0xFFFFFF00]  }
0x1c0: {  	s22 =	simm.s32 $0x1;
	v6 =	vld [tilespmem:s10+$0xFFFFFF10]  }
0x1c1: {  	v3 =	vmov s22;
	v7 =	vld [tilespmem:s10+$0xFFFFFF20]  }
0x1c2: {  	v3 =	vand.u32 $0xFFFFFFFD, v3;
	v1 =	vld.idx.msk [tilespmem:v1+s4+$0x0], $0xffff  }
0x1c3: {  	v3 =	vbroadcast v3, $0x0;
	v2 =	vld.idx.msk [tilespmem:v2+s4+$0x0], $0xffff  }
0x1c4: {  	v8 =	vld [tilespmem:s10+$0xFFFFFF30]  }
0x1c5: {  	v9 =	vld [tilespmem:s10+$0xFFFFFF40]  }
0x1c6: {  	v10 =	vld [tilespmem:s10+$0xFFFFFF50]  }
0x1c7: {  	v11 =	vld [tilespmem:s10+$0xFFFFFF60];
	v5 =	vmul.f32 v5, v1  }
0x1c8: {  	v13 =	vld [tilespmem:s10+$0x40];
	v4 =	vmul.f32 v4, v2  }
0x1c9: {  	v3 =	vld.idx.msk [tilespmem:v3+s4+$0x0], $0xffff;
	[tilespmem:s10+$0xFFFFFF00] =	vst v5;
	v5 =	vmul.f32 v6, v1  }
0x1ca: {  	v6 =	vld [tilespmem:s10+$0xFFFFFF70];
	[tilespmem:s10+$0x70] =	vst v4;
	v4 =	vmul.f32 v7, v1  }
0x1cb: {  	v7 =	vld [tilespmem:s10+$0xFFFFFF80];
	[tilespmem:s10+$0xFFFFFF10] =	vst v5;
	v5 =	vmul.f32 v8, v1  }
0x1cc: {  	v8 =	vld [tilespmem:s10+$0xFFFFFF90];
	[tilespmem:s10+$0xFFFFFF20] =	vst v4;
	v4 =	vmul.f32 v9, v1  }
0x1cd: {  	v9 =	vld [tilespmem:s10+$0xFFFFFFA0];
	[tilespmem:s10+$0xFFFFFF30] =	vst v5;
	v5 =	vmul.f32 v10, v1  }
0x1ce: {  	v10 =	vld [tilespmem:s10+$0xFFFFFFB0];
	[tilespmem:s10+$0xFFFFFF40] =	vst v4;
	v4 =	vmul.f32 v11, v1  }
0x1cf: {  	v11 =	vld [tilespmem:s10+$0xFFFFFFC0];
	v6 =	vmul.f32 v6, v1;
	[tilespmem:s10+$0xFFFFFF50] =	vst v5  }
0x1d0: {  	v5 =	vmul.f32 v7, v3;
	v7 =	vld [tilespmem:s10+$0xFFFFFFD0];
	[tilespmem:s10+$0xFFFFFF60] =	vst v4  }
0x1d1: {  	s26 =	simm.s32 $0x3;
	v4 =	vld [tilespmem:s10+$0xFFFFFFE0];
	v8 =	vmul.f32 v8, v3;
	[tilespmem:s10+$0xFFFFFF70] =	vst v6  }
0x1d2: {  	v12 =	vmov s26;
	v6 =	vld [tilespmem:s10+$0xFFFFFFF0];
	[tilespmem:s10+$0xFFFFFF80] =	vst v5;
	v5 =	vmul.f32 v9, v3  }
0x1d3: {  	v9 =	vld [tilespmem:s10+$0x0];
	[tilespmem:s10+$0xFFFFFF90] =	vst v8;
	v8 =	vmul.f32 v10, v3  }
0x1d4: {  	v10 =	vld [tilespmem:s10+$0x10];
	[tilespmem:s10+$0xFFFFFFA0] =	vst v5;
	v5 =	vmul.f32 v11, v3  }
0x1d5: {  	[tilespmem:s10+$0xFFFFFFB0] =	vst v8;
	v7 =	vmul.f32 v7, v3;
	v8 =	vld [tilespmem:s10+$0x20]  }
0x1d6: {  	v11 =	vld [tilespmem:s10+$0x30];
	[tilespmem:s10+$0xFFFFFFC0] =	vst v5;
	v4 =	vmul.f32 v4, v3  }
0x1d7: {  	v1 =	vld.idx.msk [tilespmem:v12+s4+$0x0], $0xffff;
	v3 =	vmul.f32 v6, v3;
	[tilespmem:s10+$0xFFFFFFD0] =	vst v7  }
0x1d8: {  	v5 =	vmul.f32 v9, v2;
	[tilespmem:s10+$0xFFFFFFE0] =	vst v4;
	v4 =	vld [tilespmem:s10+$0x50]  }
0x1d9: {  	s15 =	simm.s32 $0x4;
	[tilespmem:s10+$0xFFFFFFF0] =	vst v3;
	v6 =	vmul.f32 v10, v2;
	v3 =	vld [tilespmem:s10+$0x60]  }
0x1da: {  	s22 =	simm.s32 $0x7;
	v7 =	vmov s15;
	[tilespmem:s10+$0x0] =	vst v5;
	v9 =	vmul.f32 v8, v2;
	v8 =	vld [tilespmem:s10+$0x80]  }
0x1db: {  	s26 =	simm.s32 $0x5;
	v12 =	vand.u32 $0xFFFFFFFC, v7;
	v7 =	vld [tilespmem:s10+$0x90];
	v5 =	vmov s22;
	v10 =	vmul.f32 v11, v2;
	[tilespmem:s10+$0x10] =	vst v6  }
0x1dc: {  	s8 =	simm.s32 $0x8;
	s15 =	simm.s32 $0x7480;
	v11 =	vmul.f32 v13, v2;
	v6 =	vbroadcast v12, $0x0;
	v12 =	vmov s26;
	s26 =	simm.s32 $0x6;
	[tilespmem:s10+$0x20] =	vst v9;
	v9 =	vld [tilespmem:s10+$0xA0]  }
.LBB2_7:
0x1dd: {  	p3 =	slt.u32 s8, $0x3C;
	v12 =	vand.u32 $0xFFFFFFFD, v12;
	v13 =	vmov s26;
	[tilespmem:s10+$0x30] =	vst v10;
	v4 =	vmul.f32 v4, v2;
	v10 =	vld [tilespmem:s10+$0xB0]  }
0x1de: {  	v12 =	vbroadcast v12, $0x0;
	v13 =	vand.u32 $0xFFFFFFFE, v13;
	[tilespmem:s10+$0x40] =	vst v11;
	v2 =	vmul.f32 v3, v2;
	v3 =	vld [tilespmem:s10+$0xC0]  }
0x1df: {  	v11 =	vbroadcast v13, $0x0;
	[tilespmem:s10+$0x50] =	vst v4;
	v4 =	vmul.f32 v8, v1;
	v8 =	vld [tilespmem:s10+$0xD0]  }
0x1e0: {  	[tilespmem:s10+$0x60] =	vst v2;
	v2 =	vmul.f32 v7, v1;
	v7 =	vld [tilespmem:s10+$0xE0]  }
0x1e1: {  	[tilespmem:s10+$0x80] =	vst v4;
	v4 =	vmul.f32 v9, v1;
	v9 =	vld [tilespmem:s10+$0xF0]  }
0x1e2: {  	v5 =	vld.idx.msk [tilespmem:v5+s4+$0x0], $0xffff;
	[tilespmem:s10+$0x90] =	vst v2;
	v2 =	vmul.f32 v10, v1  }
0x1e3: {  	v6 =	vld.idx.msk [tilespmem:v6+s4+$0x0], $0xffff;
	[tilespmem:s10+$0xA0] =	vst v4;
	v3 =	vmul.f32 v3, v1  }
0x1e4: {  	v4 =	vld.idx.msk [tilespmem:v12+s4+$0x0], $0xffff;
	[tilespmem:s10+$0xB0] =	vst v2;
	v8 =	vmul.f32 v8, v1  }
0x1e5: {  	s10 =	sadd.s32 $0x200, s10;
	v2 =	vld.idx.msk [tilespmem:v11+s4+$0x0], $0xffff;
	[tilespmem:s15+$0xC0] =	vst v3;
	v3 =	vmul.f32 v7, v1  }
0x1e6: {  	v7 =	vld [tilespmem:s10+$0x70];
	[tilespmem:s15+$0xD0] =	vst v8;
	v9 =	vmul.f32 v9, v1  }
0x1e7: {  	v8 =	vld [tilespmem:s10+$0xFFFFFF00];
	[tilespmem:s15+$0xE0] =	vst v3  }
0x1e8: {  	v1 =	vmov v5;
	v3 =	vld [tilespmem:s10+$0xFFFFFF10];
	[tilespmem:s15+$0xF0] =	vst v9;
	s15 =	smov.u32 s10  }
0x1e9: {  	v5 =	vld [tilespmem:s10+$0xFFFFFF20]  }
0x1ea: {  	v9 =	vld [tilespmem:s10+$0xFFFFFF30]  }
0x1eb: {  	v10 =	vld [tilespmem:s10+$0xFFFFFF40];
	v7 =	vmul.f32 v7, v2  }
0x1ec: {  	v8 =	vmul.f32 v8, v6;
	v11 =	vld [tilespmem:s10+$0xFFFFFF50]  }
0x1ed: {  	v3 =	vmul.f32 v3, v6;
	v12 =	vld [tilespmem:s10+$0xFFFFFF60];
	[tilespmem:s10+$0x70] =	vst v7  }
0x1ee: {  	[tilespmem:s10+$0xFFFFFF00] =	vst v8;
	v5 =	vmul.f32 v5, v6;
	v7 =	vld [tilespmem:s10+$0xFFFFFF70]  }
0x1ef: {  	[tilespmem:s10+$0xFFFFFF10] =	vst v3;
	v3 =	vmul.f32 v9, v6;
	v8 =	vld [tilespmem:s10+$0xFFFFFF80]  }
0x1f0: {  	[tilespmem:s10+$0xFFFFFF20] =	vst v5;
	v5 =	vmul.f32 v10, v6;
	v9 =	vld [tilespmem:s10+$0xFFFFFF90]  }
0x1f1: {  	[tilespmem:s10+$0xFFFFFF30] =	vst v3;
	v3 =	vmul.f32 v11, v6;
	v10 =	vld [tilespmem:s10+$0xFFFFFFA0]  }
0x1f2: {  	[tilespmem:s10+$0xFFFFFF40] =	vst v5;
	v5 =	vmul.f32 v12, v6;
	v11 =	vld [tilespmem:s10+$0xFFFFFFB0]  }
0x1f3: {  	[tilespmem:s10+$0xFFFFFF50] =	vst v3;
	v3 =	vmul.f32 v7, v6;
	v6 =	vld [tilespmem:s10+$0xFFFFFFC0]  }
0x1f4: {  	[tilespmem:s10+$0xFFFFFF60] =	vst v5;
	v5 =	vmul.f32 v8, v4;
	v7 =	vld [tilespmem:s10+$0xFFFFFFD0]  }
0x1f5: {  	[tilespmem:s10+$0xFFFFFF70] =	vst v3;
	v3 =	vmul.f32 v9, v4;
	v8 =	vld [tilespmem:s10+$0xFFFFFFE0]  }
0x1f6: {  	[tilespmem:s10+$0xFFFFFF80] =	vst v5;
	v5 =	vmul.f32 v10, v4;
	v9 =	vld [tilespmem:s10+$0xFFFFFFF0]  }
0x1f7: {  	[tilespmem:s10+$0xFFFFFF90] =	vst v3;
	v3 =	vmul.f32 v11, v4;
	v10 =	vld [tilespmem:s10+$0x0]  }
0x1f8: {  	[tilespmem:s10+$0xFFFFFFA0] =	vst v5;
	v5 =	vmul.f32 v6, v4;
	v6 =	vld [tilespmem:s10+$0x10]  }
0x1f9: {  	[tilespmem:s10+$0xFFFFFFB0] =	vst v3;
	v3 =	vmul.f32 v7, v4;
	v7 =	vld [tilespmem:s10+$0x20]  }
0x1fa: {  	[tilespmem:s10+$0xFFFFFFC0] =	vst v5;
	v5 =	vmul.f32 v8, v4;
	v11 =	vld [tilespmem:s10+$0x30]  }
0x1fb: {  	[tilespmem:s10+$0xFFFFFFD0] =	vst v3;
	v3 =	vmul.f32 v9, v4;
	v9 =	vld [tilespmem:s10+$0x40]  }
.Ltmp2:
0x1fc: {  	[tilespmem:s10+$0xFFFFFFE0] =	vst v5;
	v5 =	vmul.f32 v10, v2;
	v4 =	vld [tilespmem:s10+$0x50];
	(pc) =	sbr.rel @p3 .LBB2_7-.Ltmp2, $4  }
0x1fd: {  	[tilespmem:s10+$0xFFFFFFF0] =	vst v3;
	v6 =	vmul.f32 v6, v2;
	v3 =	vld [tilespmem:s10+$0x60]  }
0x1fe: {  	s22 =	sadd.s32 $0x3, s8;
	v10 =	vmov s8;
	[tilespmem:s10+$0x0] =	vst v5;
	v13 =	vmul.f32 v7, v2;
	v8 =	vld [tilespmem:s10+$0x80]  }
0x1ff: {  	s26 =	sadd.s32 $0x1, s8;
	v12 =	vand.u32 $0xFFFFFFFC, v10;
	v5 =	vmov s22;
	[tilespmem:s10+$0x10] =	vst v6;
	v10 =	vmul.f32 v11, v2;
	v7 =	vld [tilespmem:s10+$0x90]  }
0x200: {  	v6 =	vbroadcast v12, $0x0;
	v12 =	vmov s26;
	s26 =	sadd.s32 $0x2, s8;
	s8 =	sadd.s32 $0x4, s8;
	[tilespmem:s10+$0x20] =	vst v13;
	v11 =	vmul.f32 v9, v2;
	v9 =	vld [tilespmem:s10+$0xA0]  }
0x201: {  	v13 =	vld [tilespmem:s10+$0xB0]  }
0x202: {  	v15 =	vld [tilespmem:s10+$0xC0]  }
0x203: {  	v14 =	vmov s26;
	v16 =	vld [tilespmem:s10+$0xD0]  }
0x204: {  	v17 =	vld [tilespmem:s10+$0xE0];
	[tilespmem:s10+$0x30] =	vst v10;
	v4 =	vmul.f32 v4, v2;
	v14 =	vand.u32 $0xFFFFFFFE, v14  }
0x205: {  	v12 =	vand.u32 $0xFFFFFFFD, v12;
	v5 =	vld.idx.msk [tilespmem:v5+s4+$0x0], $0xffff;
	[tilespmem:s10+$0x40] =	vst v11;
	v2 =	vmul.f32 v3, v2;
	v14 =	vbroadcast v14, $0x0  }
0x206: {  	s8 =	sadd.s32 $0x200, s10;
	v12 =	vbroadcast v12, $0x0;
	v3 =	vld.idx.msk [tilespmem:v6+s4+$0x0], $0xffff;
	v8 =	vmul.f32 v8, v1;
	[tilespmem:s10+$0x50] =	vst v4  }
0x207: {  	v10 =	vld [tilespmem:s8+$0xFFFFFF00];
	v4 =	vmul.f32 v7, v1;
	[tilespmem:s10+$0x60] =	vst v2  }
0x208: {  	[tilespmem:s10+$0x80] =	vst v8;
	v8 =	vld [tilespmem:s10+$0xF0];
	v2 =	vmul.f32 v9, v1  }
0x209: {  	v11 =	vld [tilespmem:s8+$0xFFFFFF10];
	[tilespmem:s10+$0x90] =	vst v4;
	v4 =	vmul.f32 v13, v1  }
0x20a: {  	v9 =	vld [tilespmem:s8+$0x70];
	[tilespmem:s10+$0xA0] =	vst v2;
	v2 =	vmul.f32 v15, v1  }
0x20b: {  	[tilespmem:s10+$0xB0] =	vst v4;
	v4 =	vmul.f32 v16, v1;
	v7 =	vld.idx.msk [tilespmem:v14+s4+$0x0], $0xffff  }
0x20c: {  	v6 =	vld.idx.msk [tilespmem:v12+s4+$0x0], $0xffff;
	[tilespmem:s15+$0xC0] =	vst v2;
	v2 =	vmul.f32 v17, v1  }
0x20d: {  	v12 =	vld [tilespmem:s8+$0xFFFFFF20];
	[tilespmem:s15+$0xD0] =	vst v4;
	v1 =	vmul.f32 v8, v1  }
0x20e: {  	v4 =	vld [tilespmem:s8+$0xFFFFFF30];
	[tilespmem:s15+$0xE0] =	vst v2  }
0x20f: {  	v2 =	vld [tilespmem:s8+$0xFFFFFF40];
	[tilespmem:s15+$0xF0] =	vst v1;
	v1 =	vmul.f32 v10, v3  }
0x210: {  	v8 =	vmul.f32 v9, v7;
	v9 =	vld [tilespmem:s8+$0xFFFFFF50]  }
0x211: {  	v10 =	vmul.f32 v11, v3;
	v11 =	vld [tilespmem:s8+$0xFFFFFF60];
	[tilespmem:s8+$0xFFFFFF00] =	vst v1  }
0x212: {  	v1 =	vmul.f32 v12, v3;
	[tilespmem:s8+$0x70] =	vst v8;
	v8 =	vld [tilespmem:s8+$0xFFFFFF70]  }
0x213: {  	[tilespmem:s8+$0xFFFFFF10] =	vst v10;
	v10 =	vld [tilespmem:s8+$0xFFFFFF80];
	v4 =	vmul.f32 v4, v3  }
0x214: {  	[tilespmem:s8+$0xFFFFFF20] =	vst v1;
	v1 =	vmul.f32 v2, v3;
	v2 =	vld [tilespmem:s8+$0xFFFFFF90]  }
0x215: {  	[tilespmem:s8+$0xFFFFFF30] =	vst v4;
	v4 =	vmul.f32 v9, v3;
	v9 =	vld [tilespmem:s8+$0xFFFFFFA0]  }
0x216: {  	[tilespmem:s8+$0xFFFFFF40] =	vst v1;
	v1 =	vmul.f32 v11, v3;
	v11 =	vld [tilespmem:s8+$0xFFFFFFB0]  }
0x217: {  	[tilespmem:s8+$0xFFFFFF50] =	vst v4;
	v3 =	vmul.f32 v8, v3;
	v4 =	vld [tilespmem:s8+$0xFFFFFFC0]  }
0x218: {  	[tilespmem:s8+$0xFFFFFF60] =	vst v1;
	v1 =	vmul.f32 v10, v6;
	v8 =	vld [tilespmem:s8+$0xFFFFFFD0]  }
0x219: {  	v2 =	vmul.f32 v2, v6;
	[tilespmem:s8+$0xFFFFFF70] =	vst v3;
	v3 =	vld [tilespmem:s8+$0xFFFFFFE0]  }
0x21a: {  	[tilespmem:s8+$0xFFFFFF80] =	vst v1;
	v1 =	vmul.f32 v9, v6;
	v9 =	vld [tilespmem:s8+$0xFFFFFFF0]  }
0x21b: {  	v10 =	vld [tilespmem:s8+$0x0];
	[tilespmem:s8+$0xFFFFFF90] =	vst v2;
	v2 =	vmul.f32 v11, v6  }
0x21c: {  	[tilespmem:s8+$0xFFFFFFA0] =	vst v1;
	v1 =	vmul.f32 v4, v6;
	v4 =	vld [tilespmem:s8+$0x10]  }
0x21d: {  	[tilespmem:s8+$0xFFFFFFB0] =	vst v2;
	v2 =	vmul.f32 v8, v6;
	v8 =	vld [tilespmem:s8+$0x20]  }
0x21e: {  	[tilespmem:s8+$0xFFFFFFC0] =	vst v1;
	v1 =	vmul.f32 v3, v6;
	v3 =	vld [tilespmem:s8+$0x30]  }
0x21f: {  	[tilespmem:s8+$0xFFFFFFD0] =	vst v2;
	v2 =	vmul.f32 v9, v6;
	v6 =	vld [tilespmem:s8+$0x40]  }
0x220: {  	v9 =	vld [tilespmem:s8+$0x50];
	[tilespmem:s8+$0xFFFFFFE0] =	vst v1;
	v1 =	vmul.f32 v10, v7  }
0x221: {  	[tilespmem:s8+$0xFFFFFFF0] =	vst v2;
	v2 =	vmul.f32 v4, v7;
	v4 =	vld [tilespmem:s8+$0x60]  }
0x222: {  	[tilespmem:s8+$0x0] =	vst v1;
	v1 =	vmul.f32 v8, v7;
	v8 =	vld [tilespmem:s8+$0x80]  }
0x223: {  	[tilespmem:s8+$0x10] =	vst v2;
	v2 =	vmul.f32 v3, v7;
	v3 =	vld [tilespmem:s8+$0x90]  }
0x224: {  	[tilespmem:s8+$0x20] =	vst v1;
	v1 =	vmul.f32 v6, v7;
	v6 =	vld [tilespmem:s8+$0xA0]  }
0x225: {  	[tilespmem:s8+$0x30] =	vst v2;
	v2 =	vmul.f32 v9, v7;
	v9 =	vld [tilespmem:s8+$0xB0]  }
0x226: {  	[tilespmem:s8+$0x40] =	vst v1;
	v1 =	vmul.f32 v4, v7;
	v4 =	vld [tilespmem:s8+$0xC0]  }
0x227: {  	v7 =	vld [tilespmem:s8+$0xD0];
	[tilespmem:s8+$0x50] =	vst v2;
	v2 =	vmul.f32 v8, v5  }
0x228: {  	[tilespmem:s8+$0x60] =	vst v1;
	v1 =	vmul.f32 v3, v5;
	v3 =	vld [tilespmem:s8+$0xE0]  }
0x229: {  	[tilespmem:s8+$0x80] =	vst v2;
	v2 =	vmul.f32 v6, v5;
	v6 =	vld [tilespmem:s8+$0xF0]  }
0x22a: {  	[tilespmem:s8+$0x90] =	vst v1;
	v1 =	vmul.f32 v9, v5  }
0x22b: {  	[tilespmem:s8+$0xA0] =	vst v2;
	v2 =	vmul.f32 v4, v5  }
0x22c: {  	[tilespmem:s8+$0xB0] =	vst v1;
	v1 =	vmul.f32 v7, v5  }
0x22d: {  	[tilespmem:s8+$0xC0] =	vst v2;
	v2 =	vmul.f32 v3, v5  }
0x22e: {  	[tilespmem:s8+$0xD0] =	vst v1;
	v1 =	vmul.f32 v6, v5  }
0x22f: {  	p3 =	seq.s32 s29, $0x33;
	[tilespmem:s8+$0xE0] =	vst v2  }
0x230: {  	s22 =	simm.s32 $0xB400;
	s15 =	simm.s32 $0x7380;
	[tilespmem:s8+$0xF0] =	vst v1;
	s8 =	simm.s32 @!p3 $0x7  }
0x231: {  	[spmem:s2] =	stream.indirect.scatter.add.f32 [tilespmem:s15], [sflag:$0x5], $0x80, s22, s20, $0xb8;
	[tilespmem:$0x1F078] =	vst v63  }
0x232: {  	_ =	swait.ge @!p3 [sflag:s8], $0x40  }
0x233: {  	[sflag:s8] =	ssyncset.done @!p3 $0x0  }
0x234: {  	[sflag:s8] =	ssyncadd.s32 @!p3 $0xFFFFFFC0  }
0x235: {  	_ =	swait.ge @!p3 [sflag:s8], $0x40  }
0x236: {  	[sflag:s8] =	ssyncset.done @!p3 $0x0  }
0x237: {  	[sflag:s8] =	ssyncadd.s32 @!p3 $0xFFFFFFC0;
	s8 =	simm.s32 @!p3 $0x4  }
0x238: {  	_ =	swait.ge @!p3 [sflag:s8], $0x2000  }
0x239: {  	s10 =	simm.s32 @!p3 $0x5080;
	[sflag:s8] =	ssyncset.done @!p3 $0x0  }
0x23a: {  	s15 =	simm.s32 @!p3 $0x5380;
	[sflag:s8] =	ssyncadd.s32 @!p3 $0xFFFFE000;
	s8 =	simm.s32 @!p3 $0x40  }
0x23b: {  	[tilespmem:s15], [sflag:$0x1] =	stream.indirect.gather @!p3 [hbm4b:s1+s8], $0x80, s10, s8, $0xb8;
	[tilespmem:$0x1F078] =	vst v63  }
0x23c: {  	_ =	swait.ge [sflag:s7], $0x2000  }
0x23d: {  	[sflag:s7] =	ssyncset.done $0x0  }
0x23e: {  	[sflag:s7] =	ssyncadd.s32 $0xFFFFE000  }
0x23f: {  	v1 =	vld [tilespmem:$0x5000]  }
0x240: {  	v2 =	vld [tilespmem:$0x5180];
	_ =	sdelay $0x5  }
0x241: {  	s8 =	simm.s32 $0x0  }
0x242: {  	v1 =	vld.idx.msk [tilespmem:v1+s8+$0x0], $0xffff  }
0x243: {  	v2 =	vld.idx.msk [tilespmem:v2+s14+$0x0], $0xffff;
	_ =	sdelay $0x4  }
0x244: {  	v1 =	vadd.f32 v2, v1;
	_ =	sdelay $0x1  }
0x245: {  	v2 =	vmul.f32 $2.000000030e-01, v1  }
0x246: {  	vm0 =	vgt.f32 v1, $0.0e+00  }
0x247: {  	v1 =	vsel vm0, v1, v2  }
0x248: {  	v1 =	vmul.f32 $1.442695020e+00, v1;
	_ =	sdelay $0x1  }
0x249: {  	(erf) = vpow2.f32 v1;
	_ =	sdelay $0x2  }
0x24a: {  	v1 =	vld [tilespmem:$0x5010]  }
0x24b: {  	v2 =	vld [tilespmem:$0x5190];
	_ =	sdelay $0x4  }
0x24c: {  	v3 =	vpop (erf)  }
0x24d: {  	[tilespmem:$0x5300] =	vst v3  }
0x24e: {  	v1 =	vld.idx.msk [tilespmem:v1+s8+$0x0], $0xffff  }
0x24f: {  	v2 =	vld.idx.msk [tilespmem:v2+s14+$0x0], $0xffff;
	_ =	sdelay $0x4  }
0x250: {  	v1 =	vadd.f32 v2, v1;
	_ =	sdelay $0x1  }
0x251: {  	v2 =	vmul.f32 $2.000000030e-01, v1  }
0x252: {  	vm13 =	vgt.f32 v1, $0.0e+00  }
0x253: {  	v1 =	vsel vm13, v1, v2  }
0x254: {  	v1 =	vmul.f32 $1.442695020e+00, v1;
	_ =	sdelay $0x1  }
0x255: {  	(erf) = vpow2.f32 v1;
	_ =	sdelay $0x2  }
0x256: {  	v1 =	vld [tilespmem:$0x5020]  }
0x257: {  	v2 =	vld [tilespmem:$0x51A0];
	_ =	sdelay $0x4  }
0x258: {  	v3 =	vpop (erf)  }
0x259: {  	[tilespmem:$0x5310] =	vst v3  }
0x25a: {  	v1 =	vld.idx.msk [tilespmem:v1+s8+$0x0], $0xffff  }
0x25b: {  	v2 =	vld.idx.msk [tilespmem:v2+s14+$0x0], $0xffff;
	_ =	sdelay $0x4  }
0x25c: {  	v1 =	vadd.f32 v2, v1;
	_ =	sdelay $0x1  }
0x25d: {  	v2 =	vmul.f32 $2.000000030e-01, v1  }
0x25e: {  	vm14 =	vgt.f32 v1, $0.0e+00  }
0x25f: {  	v1 =	vsel vm14, v1, v2  }
0x260: {  	v1 =	vmul.f32 $1.442695020e+00, v1;
	_ =	sdelay $0x1  }
0x261: {  	(erf) = vpow2.f32 v1;
	_ =	sdelay $0x2  }
0x262: {  	v1 =	vld [tilespmem:$0x5030]  }
0x263: {  	v2 =	vld [tilespmem:$0x51B0];
	_ =	sdelay $0x4  }
0x264: {  	v3 =	vpop (erf)  }
0x265: {  	[tilespmem:$0x5320] =	vst v3  }
0x266: {  	v1 =	vld.idx.msk [tilespmem:v1+s8+$0x0], $0xffff  }
0x267: {  	v2 =	vld.idx.msk [tilespmem:v2+s14+$0x0], $0xffff;
	_ =	sdelay $0x4  }
0x268: {  	v1 =	vadd.f32 v2, v1;
	_ =	sdelay $0x1  }
0x269: {  	v2 =	vmul.f32 $2.000000030e-01, v1  }
0x26a: {  	vm15 =	vgt.f32 v1, $0.0e+00  }
0x26b: {  	v1 =	vsel vm15, v1, v2  }
0x26c: {  	v1 =	vmul.f32 $1.442695020e+00, v1;
	_ =	sdelay $0x1  }
0x26d: {  	(erf) = vpow2.f32 v1;
	_ =	sdelay $0x8  }
0x26e: {  	v1 =	vpop (erf)  }
0x26f: {  	[tilespmem:$0x5330] =	vst v1  }
0x270: {  	[spmem:s3] =	stream.indirect.scatter.add.f32 [tilespmem:s13], [sflag:$0xA], $0x1, s28, s20, $0xb8;
	[tilespmem:$0x1F078] =	vst v63  }
0x271: {  	s9 =	sadd.s32 $0x4, s9;
	_ =	swait.ge [sflag:s12], $0x40  }
0x272: {  	s26 =	sshrl.u32 s9, $0x2;
	[sflag:s12] =	ssyncset.done $0x0  }
0x273: {  	s10 =	smulhi.u32 $0x34834835, s26;
	[sflag:s12] =	ssyncadd.s32 $0xFFFFFFC0  }
0x274: {  	v1 =	vld [tilespmem:$0x5000]  }
0x275: {  	s10 =	sshrl.u32 s10, $0x3;
	v2 =	vld [tilespmem:$0x5010]  }
0x276: {  	s10 =	smul.u32 $0x9C, s10;
	v3 =	vld [tilespmem:$0x5020]  }
0x277: {  	v4 =	vld [tilespmem:$0x5030]  }
0x278: {  	s9 =	ssub.s32 s9, s10  }
0x279: {  	s9 =	sshll.u32 s9, $0x6;
	[tilespmem:$0xB480] =	vst v1  }
0x27a: {  	s9 =	sadd.s32 s11, s9;
	[tilespmem:$0xB490] =	vst v2  }
0x27b: {  	s9 =	sshrl.u32 s9, $0x3;
	[tilespmem:$0xB4A0] =	vst v3  }
0x27c: {  	s15 =	simm.s32 $0x2;
	s22 =	sadd.s32 s6, s9;
	[tilespmem:$0xB4B0] =	vst v4  }
0x27d: {  	v5 =	vmov s8;
	[tilespmem:s18], [sflag:$0x8] =	stream.linear.gather [hbm4b:s22+s8], $0x40, $0x38;
	[tilespmem:$0x1F078] =	vst v63  }
0x27e: {  	s9 =	sadd.s32 s5, s9;
	v1 =	vand.u32 $0xFFFFFFFC, v5;
	v5 =	vmov s15  }
0x27f: {  	v1 =	vbroadcast v1, $0x0;
	v2 =	vand.u32 $0xFFFFFFFE, v5;
	[tilespmem:s19], [sflag:$0x8] =	stream.linear.gather [hbm4b:s9+s8], $0x40, $0x38;
	[tilespmem:$0x1F078] =	vst v63  }
0x280: {  	v2 =	vbroadcast v2, $0x0;
	s9 =	simm.s32 $0x9480  }
0x281: {  	v4 =	vld [tilespmem:s9+$0x70]  }
0x282: {  	v5 =	vld [tilespmem:s9+$0xFFFFFF00]  }
0x283: {  	s26 =	simm.s32 $0x1;
	v6 =	vld [tilespmem:s9+$0xFFFFFF10]  }
0x284: {  	v3 =	vmov s26;
	v7 =	vld [tilespmem:s9+$0xFFFFFF20]  }
0x285: {  	v3 =	vand.u32 $0xFFFFFFFD, v3;
	v1 =	vld.idx.msk [tilespmem:v1+s13+$0x0], $0xffff  }
0x286: {  	v3 =	vbroadcast v3, $0x0;
	v2 =	vld.idx.msk [tilespmem:v2+s13+$0x0], $0xffff  }
0x287: {  	v8 =	vld [tilespmem:s9+$0xFFFFFF30]  }
0x288: {  	v9 =	vld [tilespmem:s9+$0xFFFFFF40]  }
0x289: {  	v10 =	vld [tilespmem:s9+$0xFFFFFF50]  }
0x28a: {  	v11 =	vld [tilespmem:s9+$0xFFFFFF60];
	v5 =	vmul.f32 v5, v1  }
0x28b: {  	v13 =	vld [tilespmem:s9+$0x40];
	v4 =	vmul.f32 v4, v2  }
0x28c: {  	v3 =	vld.idx.msk [tilespmem:v3+s13+$0x0], $0xffff;
	[tilespmem:s9+$0xFFFFFF00] =	vst v5;
	v5 =	vmul.f32 v6, v1  }
0x28d: {  	v6 =	vld [tilespmem:s9+$0xFFFFFF70];
	[tilespmem:s9+$0x70] =	vst v4;
	v4 =	vmul.f32 v7, v1  }
0x28e: {  	v7 =	vld [tilespmem:s9+$0xFFFFFF80];
	[tilespmem:s9+$0xFFFFFF10] =	vst v5;
	v5 =	vmul.f32 v8, v1  }
0x28f: {  	v8 =	vld [tilespmem:s9+$0xFFFFFF90];
	[tilespmem:s9+$0xFFFFFF20] =	vst v4;
	v4 =	vmul.f32 v9, v1  }
0x290: {  	v9 =	vld [tilespmem:s9+$0xFFFFFFA0];
	[tilespmem:s9+$0xFFFFFF30] =	vst v5;
	v5 =	vmul.f32 v10, v1  }
0x291: {  	v10 =	vld [tilespmem:s9+$0xFFFFFFB0];
	[tilespmem:s9+$0xFFFFFF40] =	vst v4;
	v4 =	vmul.f32 v11, v1  }
0x292: {  	v11 =	vld [tilespmem:s9+$0xFFFFFFC0];
	v6 =	vmul.f32 v6, v1;
	[tilespmem:s9+$0xFFFFFF50] =	vst v5  }
0x293: {  	v5 =	vmul.f32 v7, v3;
	v7 =	vld [tilespmem:s9+$0xFFFFFFD0];
	[tilespmem:s9+$0xFFFFFF60] =	vst v4  }
0x294: {  	s10 =	simm.s32 $0x3;
	v4 =	vld [tilespmem:s9+$0xFFFFFFE0];
	v8 =	vmul.f32 v8, v3;
	[tilespmem:s9+$0xFFFFFF70] =	vst v6  }
0x295: {  	v12 =	vmov s10;
	v6 =	vld [tilespmem:s9+$0xFFFFFFF0];
	[tilespmem:s9+$0xFFFFFF80] =	vst v5;
	v5 =	vmul.f32 v9, v3  }
0x296: {  	v9 =	vld [tilespmem:s9+$0x0];
	[tilespmem:s9+$0xFFFFFF90] =	vst v8;
	v8 =	vmul.f32 v10, v3  }
0x297: {  	v10 =	vld [tilespmem:s9+$0x10];
	[tilespmem:s9+$0xFFFFFFA0] =	vst v5;
	v5 =	vmul.f32 v11, v3  }
0x298: {  	[tilespmem:s9+$0xFFFFFFB0] =	vst v8;
	v7 =	vmul.f32 v7, v3;
	v8 =	vld [tilespmem:s9+$0x20]  }
0x299: {  	v11 =	vld [tilespmem:s9+$0x30];
	[tilespmem:s9+$0xFFFFFFC0] =	vst v5;
	v4 =	vmul.f32 v4, v3  }
0x29a: {  	v1 =	vld.idx.msk [tilespmem:v12+s13+$0x0], $0xffff;
	v3 =	vmul.f32 v6, v3;
	[tilespmem:s9+$0xFFFFFFD0] =	vst v7  }
0x29b: {  	v5 =	vmul.f32 v9, v2;
	[tilespmem:s9+$0xFFFFFFE0] =	vst v4;
	v4 =	vld [tilespmem:s9+$0x50]  }
0x29c: {  	s15 =	simm.s32 $0x4;
	[tilespmem:s9+$0xFFFFFFF0] =	vst v3;
	v6 =	vmul.f32 v10, v2;
	v3 =	vld [tilespmem:s9+$0x60]  }
0x29d: {  	s22 =	simm.s32 $0x7;
	v7 =	vmov s15;
	[tilespmem:s9+$0x0] =	vst v5;
	v9 =	vmul.f32 v8, v2;
	v8 =	vld [tilespmem:s9+$0x80]  }
0x29e: {  	s26 =	simm.s32 $0x5;
	v12 =	vand.u32 $0xFFFFFFFC, v7;
	v7 =	vld [tilespmem:s9+$0x90];
	v5 =	vmov s22;
	v10 =	vmul.f32 v11, v2;
	[tilespmem:s9+$0x10] =	vst v6  }
0x29f: {  	s10 =	simm.s32 $0x9480;
	s8 =	simm.s32 $0x8;
	s15 =	simm.s32 $0x6;
	v11 =	vmul.f32 v13, v2;
	v6 =	vbroadcast v12, $0x0;
	v12 =	vmov s26;
	[tilespmem:s9+$0x20] =	vst v9;
	v9 =	vld [tilespmem:s9+$0xA0]  }
.LBB2_9:
0x2a0: {  	p3 =	slt.u32 s8, $0x3C;
	v12 =	vand.u32 $0xFFFFFFFD, v12;
	v13 =	vmov s15;
	[tilespmem:s9+$0x30] =	vst v10;
	v4 =	vmul.f32 v4, v2;
	v10 =	vld [tilespmem:s9+$0xB0]  }
0x2a1: {  	v12 =	vbroadcast v12, $0x0;
	v13 =	vand.u32 $0xFFFFFFFE, v13;
	[tilespmem:s9+$0x40] =	vst v11;
	v2 =	vmul.f32 v3, v2;
	v3 =	vld [tilespmem:s9+$0xC0]  }
0x2a2: {  	v11 =	vbroadcast v13, $0x0;
	[tilespmem:s9+$0x50] =	vst v4;
	v4 =	vmul.f32 v8, v1;
	v8 =	vld [tilespmem:s9+$0xD0]  }
0x2a3: {  	[tilespmem:s9+$0x60] =	vst v2;
	v2 =	vmul.f32 v7, v1;
	v7 =	vld [tilespmem:s9+$0xE0]  }
0x2a4: {  	[tilespmem:s9+$0x80] =	vst v4;
	v4 =	vmul.f32 v9, v1;
	v9 =	vld [tilespmem:s9+$0xF0]  }
0x2a5: {  	v5 =	vld.idx.msk [tilespmem:v5+s13+$0x0], $0xffff;
	[tilespmem:s9+$0x90] =	vst v2;
	v2 =	vmul.f32 v10, v1  }
0x2a6: {  	v6 =	vld.idx.msk [tilespmem:v6+s13+$0x0], $0xffff;
	[tilespmem:s9+$0xA0] =	vst v4;
	v3 =	vmul.f32 v3, v1  }
0x2a7: {  	v4 =	vld.idx.msk [tilespmem:v12+s13+$0x0], $0xffff;
	[tilespmem:s9+$0xB0] =	vst v2;
	v8 =	vmul.f32 v8, v1  }
0x2a8: {  	s9 =	sadd.s32 $0x200, s9;
	v2 =	vld.idx.msk [tilespmem:v11+s13+$0x0], $0xffff;
	[tilespmem:s10+$0xC0] =	vst v3;
	v3 =	vmul.f32 v7, v1  }
0x2a9: {  	v7 =	vld [tilespmem:s9+$0x70];
	[tilespmem:s10+$0xD0] =	vst v8;
	v9 =	vmul.f32 v9, v1  }
0x2aa: {  	v8 =	vld [tilespmem:s9+$0xFFFFFF00];
	[tilespmem:s10+$0xE0] =	vst v3  }
0x2ab: {  	v1 =	vmov v5;
	v3 =	vld [tilespmem:s9+$0xFFFFFF10];
	[tilespmem:s10+$0xF0] =	vst v9;
	s10 =	smov.u32 s9  }
0x2ac: {  	v5 =	vld [tilespmem:s9+$0xFFFFFF20]  }
0x2ad: {  	v9 =	vld [tilespmem:s9+$0xFFFFFF30]  }
0x2ae: {  	v10 =	vld [tilespmem:s9+$0xFFFFFF40];
	v7 =	vmul.f32 v7, v2  }
0x2af: {  	v8 =	vmul.f32 v8, v6;
	v11 =	vld [tilespmem:s9+$0xFFFFFF50]  }
0x2b0: {  	v3 =	vmul.f32 v3, v6;
	v12 =	vld [tilespmem:s9+$0xFFFFFF60];
	[tilespmem:s9+$0x70] =	vst v7  }
0x2b1: {  	[tilespmem:s9+$0xFFFFFF00] =	vst v8;
	v5 =	vmul.f32 v5, v6;
	v7 =	vld [tilespmem:s9+$0xFFFFFF70]  }
0x2b2: {  	[tilespmem:s9+$0xFFFFFF10] =	vst v3;
	v3 =	vmul.f32 v9, v6;
	v8 =	vld [tilespmem:s9+$0xFFFFFF80]  }
0x2b3: {  	[tilespmem:s9+$0xFFFFFF20] =	vst v5;
	v5 =	vmul.f32 v10, v6;
	v9 =	vld [tilespmem:s9+$0xFFFFFF90]  }
0x2b4: {  	[tilespmem:s9+$0xFFFFFF30] =	vst v3;
	v3 =	vmul.f32 v11, v6;
	v10 =	vld [tilespmem:s9+$0xFFFFFFA0]  }
0x2b5: {  	[tilespmem:s9+$0xFFFFFF40] =	vst v5;
	v5 =	vmul.f32 v12, v6;
	v11 =	vld [tilespmem:s9+$0xFFFFFFB0]  }
0x2b6: {  	[tilespmem:s9+$0xFFFFFF50] =	vst v3;
	v3 =	vmul.f32 v7, v6;
	v6 =	vld [tilespmem:s9+$0xFFFFFFC0]  }
0x2b7: {  	[tilespmem:s9+$0xFFFFFF60] =	vst v5;
	v5 =	vmul.f32 v8, v4;
	v7 =	vld [tilespmem:s9+$0xFFFFFFD0]  }
0x2b8: {  	[tilespmem:s9+$0xFFFFFF70] =	vst v3;
	v3 =	vmul.f32 v9, v4;
	v8 =	vld [tilespmem:s9+$0xFFFFFFE0]  }
0x2b9: {  	[tilespmem:s9+$0xFFFFFF80] =	vst v5;
	v5 =	vmul.f32 v10, v4;
	v9 =	vld [tilespmem:s9+$0xFFFFFFF0]  }
0x2ba: {  	[tilespmem:s9+$0xFFFFFF90] =	vst v3;
	v3 =	vmul.f32 v11, v4;
	v10 =	vld [tilespmem:s9+$0x0]  }
0x2bb: {  	[tilespmem:s9+$0xFFFFFFA0] =	vst v5;
	v5 =	vmul.f32 v6, v4;
	v6 =	vld [tilespmem:s9+$0x10]  }
0x2bc: {  	[tilespmem:s9+$0xFFFFFFB0] =	vst v3;
	v3 =	vmul.f32 v7, v4;
	v7 =	vld [tilespmem:s9+$0x20]  }
0x2bd: {  	[tilespmem:s9+$0xFFFFFFC0] =	vst v5;
	v5 =	vmul.f32 v8, v4;
	v11 =	vld [tilespmem:s9+$0x30]  }
0x2be: {  	[tilespmem:s9+$0xFFFFFFD0] =	vst v3;
	v3 =	vmul.f32 v9, v4;
	v9 =	vld [tilespmem:s9+$0x40]  }
.Ltmp3:
0x2bf: {  	[tilespmem:s9+$0xFFFFFFE0] =	vst v5;
	v5 =	vmul.f32 v10, v2;
	v4 =	vld [tilespmem:s9+$0x50];
	(pc) =	sbr.rel @p3 .LBB2_9-.Ltmp3, $4  }
0x2c0: {  	[tilespmem:s9+$0xFFFFFFF0] =	vst v3;
	v6 =	vmul.f32 v6, v2;
	v3 =	vld [tilespmem:s9+$0x60]  }
0x2c1: {  	s15 =	sadd.s32 $0x3, s8;
	v10 =	vmov s8;
	[tilespmem:s9+$0x0] =	vst v5;
	v13 =	vmul.f32 v7, v2;
	v8 =	vld [tilespmem:s9+$0x80]  }
0x2c2: {  	s22 =	sadd.s32 $0x1, s8;
	v12 =	vand.u32 $0xFFFFFFFC, v10;
	v5 =	vmov s15;
	[tilespmem:s9+$0x10] =	vst v6;
	v10 =	vmul.f32 v11, v2;
	v7 =	vld [tilespmem:s9+$0x90]  }
0x2c3: {  	s15 =	sadd.s32 $0x2, s8;
	s8 =	sadd.s32 $0x4, s8;
	v6 =	vbroadcast v12, $0x0;
	v12 =	vmov s22;
	[tilespmem:s9+$0x20] =	vst v13;
	v11 =	vmul.f32 v9, v2;
	v9 =	vld [tilespmem:s9+$0xA0]  }
0x2c4: {  	v13 =	vld [tilespmem:s9+$0xB0]  }
0x2c5: {  	v15 =	vld [tilespmem:s9+$0xC0]  }
0x2c6: {  	v16 =	vld [tilespmem:s9+$0xD0]  }
0x2c7: {  	v17 =	vld [tilespmem:s9+$0xE0]  }
0x2c8: {  	v29 =	vld [tilespmem:s9+$0xF0];
	[tilespmem:s9+$0x30] =	vst v10;
	v4 =	vmul.f32 v4, v2  }
0x2c9: {  	v5 =	vld.idx.msk [tilespmem:v5+s13+$0x0], $0xffff;
	[tilespmem:s9+$0x40] =	vst v11;
	v2 =	vmul.f32 v3, v2  }
0x2ca: {  	s8 =	sadd.s32 $0x200, s9;
	v3 =	vld.idx.msk [tilespmem:v6+s13+$0x0], $0xffff;
	v8 =	vmul.f32 v8, v1;
	[tilespmem:s9+$0x50] =	vst v4  }
0x2cb: {  	v14 =	vmov s15;
	v34 =	vld [tilespmem:s8+$0x70];
	v30 =	vmul.f32 v7, v1;
	[tilespmem:s9+$0x60] =	vst v2  }
0x2cc: {  	v14 =	vand.u32 $0xFFFFFFFE, v14;
	v35 =	vld [tilespmem:s8+$0xFFFFFF00];
	[tilespmem:s9+$0x80] =	vst v8;
	v2 =	vmul.f32 v9, v1  }
0x2cd: {  	v37 =	vld [tilespmem:s8+$0xFFFFFF10];
	v14 =	vbroadcast v14, $0x0;
	[tilespmem:s9+$0x90] =	vst v30;
	v33 =	vmul.f32 v13, v1  }
0x2ce: {  	v38 =	vld [tilespmem:s8+$0xFFFFFF20];
	[tilespmem:s9+$0xA0] =	vst v2;
	v2 =	vmul.f32 v15, v1  }
0x2cf: {  	v12 =	vand.u32 $0xFFFFFFFD, v12;
	v39 =	vld [tilespmem:s8+$0xFFFFFF30];
	v36 =	vmul.f32 v16, v1;
	[tilespmem:s9+$0xB0] =	vst v33  }
0x2d0: {  	v12 =	vbroadcast v12, $0x0;
	v41 =	vld [tilespmem:s8+$0xFFFFFF50];
	[tilespmem:s10+$0xC0] =	vst v2;
	v2 =	vmul.f32 v17, v1  }
0x2d1: {  	v43 =	vld [tilespmem:s8+$0xFFFFFF60];
	[tilespmem:s10+$0xD0] =	vst v36;
	v1 =	vmul.f32 v29, v1  }
0x2d2: {  	v42 =	vmul.f32 v37, v3;
	[tilespmem:s10+$0xE0] =	vst v2;
	v2 =	vld [tilespmem:s8+$0xFFFFFF40]  }
0x2d3: {  	v32 =	vld.idx.msk [tilespmem:v14+s13+$0x0], $0xffff;
	[tilespmem:s10+$0xF0] =	vst v1;
	v1 =	vmul.f32 v35, v3  }
0x2d4: {  	v44 =	vld [tilespmem:s8+$0xFFFFFF70];
	v4 =	vmul.f32 v39, v3;
	[tilespmem:s8+$0xFFFFFF10] =	vst v42  }
0x2d5: {  	v45 =	vld [tilespmem:s8+$0xFFFFFF80];
	[tilespmem:s8+$0xFFFFFF00] =	vst v1;
	v1 =	vmul.f32 v38, v3  }
0x2d6: {  	v46 =	vmul.f32 v41, v3;
	v31 =	vld.idx.msk [tilespmem:v12+s13+$0x0], $0xffff;
	[tilespmem:s8+$0xFFFFFF30] =	vst v4  }
0x2d7: {  	[tilespmem:s8+$0xFFFFFF20] =	vst v1;
	v1 =	vmul.f32 v2, v3;
	v2 =	vld [tilespmem:s8+$0xFFFFFF90]  }
0x2d8: {  	v47 =	vld [tilespmem:s8+$0xFFFFFFA0];
	[tilespmem:s8+$0xFFFFFF50] =	vst v46;
	v40 =	vmul.f32 v34, v32  }
0x2d9: {  	v48 =	vld [tilespmem:s8+$0xFFFFFFB0];
	[tilespmem:s8+$0xFFFFFF40] =	vst v1;
	v1 =	vmul.f32 v43, v3  }
0x2da: {  	v49 =	vld [tilespmem:s8+$0xFFFFFFC0];
	[tilespmem:s8+$0x70] =	vst v40;
	v3 =	vmul.f32 v44, v3  }
0x2db: {  	v50 =	vld [tilespmem:s8+$0xFFFFFFD0];
	[tilespmem:s8+$0xFFFFFF60] =	vst v1;
	v1 =	vmul.f32 v45, v31  }
0x2dc: {  	[tilespmem:s8+$0xFFFFFF70] =	vst v3;
	v3 =	vld [tilespmem:s8+$0xFFFFFFE0];
	v2 =	vmul.f32 v2, v31  }
0x2dd: {  	v51 =	vld [tilespmem:s8+$0xFFFFFFF0];
	[tilespmem:s8+$0xFFFFFF80] =	vst v1;
	v1 =	vmul.f32 v47, v31  }
0x2de: {  	v52 =	vld [tilespmem:s8+$0x0];
	[tilespmem:s8+$0xFFFFFF90] =	vst v2;
	v2 =	vmul.f32 v48, v31  }
0x2df: {  	v53 =	vld [tilespmem:s8+$0x10];
	[tilespmem:s8+$0xFFFFFFA0] =	vst v1;
	v1 =	vmul.f32 v49, v31  }
0x2e0: {  	v54 =	vld [tilespmem:s8+$0x20];
	[tilespmem:s8+$0xFFFFFFB0] =	vst v2;
	v2 =	vmul.f32 v50, v31  }
0x2e1: {  	[tilespmem:s8+$0xFFFFFFC0] =	vst v1;
	v1 =	vmul.f32 v3, v31;
	v3 =	vld [tilespmem:s8+$0x30]  }
0x2e2: {  	v55 =	vld [tilespmem:s8+$0x40];
	[tilespmem:s8+$0xFFFFFFD0] =	vst v2;
	v2 =	vmul.f32 v51, v31  }
0x2e3: {  	v56 =	vld [tilespmem:s8+$0x50];
	[tilespmem:s8+$0xFFFFFFE0] =	vst v1;
	v1 =	vmul.f32 v52, v32  }
0x2e4: {  	v57 =	vld [tilespmem:s8+$0x60];
	[tilespmem:s8+$0xFFFFFFF0] =	vst v2;
	v2 =	vmul.f32 v53, v32  }
0x2e5: {  	v58 =	vld [tilespmem:s8+$0x80];
	[tilespmem:s8+$0x0] =	vst v1;
	v1 =	vmul.f32 v54, v32  }
0x2e6: {  	[tilespmem:s8+$0x10] =	vst v2;
	v2 =	vmul.f32 v3, v32;
	v3 =	vld [tilespmem:s8+$0x90]  }
0x2e7: {  	v59 =	vld [tilespmem:s8+$0xA0];
	[tilespmem:s8+$0x20] =	vst v1;
	v1 =	vmul.f32 v55, v32  }
0x2e8: {  	v60 =	vld [tilespmem:s8+$0xB0];
	[tilespmem:s8+$0x30] =	vst v2;
	v2 =	vmul.f32 v56, v32  }
0x2e9: {  	v61 =	vld [tilespmem:s8+$0xC0];
	[tilespmem:s8+$0x40] =	vst v1;
	v1 =	vmul.f32 v57, v32  }
0x2ea: {  	v62 =	vld [tilespmem:s8+$0xD0];
	[tilespmem:s8+$0x50] =	vst v2;
	v2 =	vmul.f32 v58, v5  }
0x2eb: {  	[tilespmem:s8+$0x60] =	vst v1;
	v1 =	vmul.f32 v3, v5;
	v3 =	vld [tilespmem:s8+$0xE0]  }
0x2ec: {  	v63 =	vld [tilespmem:s8+$0xF0];
	[tilespmem:s8+$0x80] =	vst v2;
	v2 =	vmul.f32 v59, v5  }
0x2ed: {  	[tilespmem:s8+$0x90] =	vst v1;
	v1 =	vmul.f32 v60, v5  }
0x2ee: {  	s29 =	sadd.s32 $0x1, s29;
	[tilespmem:s8+$0xA0] =	vst v2;
	v2 =	vmul.f32 v61, v5  }
0x2ef: {  	p3 =	sne.s32 s29, $0x34;
	[tilespmem:s8+$0xB0] =	vst v1;
	v1 =	vmul.f32 v62, v5  }
.Ltmp4:
0x2f0: {  	[tilespmem:s8+$0xC0] =	vst v2;
	v2 =	vmul.f32 v3, v5;
	(pc) =	sbr.rel @p3 .LBB2_4-.Ltmp4, $4  }
0x2f1: {  	[tilespmem:s8+$0xD0] =	vst v1;
	v1 =	vmul.f32 v63, v5  }
0x2f2: {  	[tilespmem:s8+$0xE0] =	vst v2  }
0x2f3: {  	s26 =	simm.s32 $0xB480;
	[tilespmem:s8+$0xF0] =	vst v1  }
0x2f4: {  	[spmem:s2] =	stream.indirect.scatter.add.f32 [tilespmem:s31], [sflag:$0x6], $0x80, s26, s20, $0xb8;
	[tilespmem:$0x1F078] =	vst v63  }
0x2f5: {  	s8 =	simm.s32 $0x4  }
0x2f6: {  	_ =	swait.ge [sflag:s8], $0x2000  }
0x2f7: {  	[sflag:s8] =	ssyncset.done $0x0  }
0x2f8: {  	s15 =	simm.s32 $0x5;
	[sflag:s8] =	ssyncadd.s32 $0xFFFFE000  }
0x2f9: {  	_ =	swait.ge [sflag:s15], $0x2000  }
0x2fa: {  	[sflag:s15] =	ssyncset.done $0x0  }
0x2fb: {  	s29 =	simm.s32 $0x7;
	[sflag:s15] =	ssyncadd.s32 $0xFFFFE000  }
0x2fc: {  	_ =	swait.ge [sflag:s29], $0x40  }
0x2fd: {  	[sflag:s29] =	ssyncset.done $0x0  }
0x2fe: {  	[sflag:s29] =	ssyncadd.s32 $0xFFFFFFC0  }
0x2ff: {  	_ =	swait.ge [sflag:s29], $0x40  }
0x300: {  	[sflag:s29] =	ssyncset.done $0x0  }
0x301: {  	s17 =	simm.s32 $0x6;
	[sflag:s29] =	ssyncadd.s32 $0xFFFFFFC0  }
0x302: {  	_ =	swait.ge [sflag:s17], $0x2000  }
0x303: {  	[sflag:s17] =	ssyncset.done $0x0  }
0x304: {  	[sflag:s17] =	ssyncadd.s32 $0xFFFFE000  }
0x305: {  	_ =	swait.ge [sflag:s21], $0x40  }
0x306: {  	[sflag:s21] =	ssyncset.done $0x0  }
0x307: {  	[sflag:s21] =	ssyncadd.s32 $0xFFFFFFC0  }
0x308: {  	_ =	swait.ge [sflag:s21], $0x40  }
0x309: {  	s10 =	simm.s32 $0x5080;
	[sflag:s21] =	ssyncset.done $0x0  }
0x30a: {  	s8 =	simm.s32 $0x0;
	s9 =	rddreg [dreg:$0x11];
	[sflag:s21] =	ssyncadd.s32 $0xFFFFFFC0  }
0x30b: {  	[tilespmem:s10], [sflag:$0xA] =	stream.linear.gather [hbm4b:s9+s8], $0x10, $0x38;
	[tilespmem:$0x1F078] =	vst v63  }
0x30c: {  	_ =	swait.ge [sflag:s12], $0x10  }
0x30d: {  	[sflag:s12] =	ssyncset.done $0x0  }
0x30e: {  	s22 =	rddreg [dreg:$0x12];
	[sflag:s12] =	ssyncadd.s32 $0xFFFFFFF0  }
0x30f: {  	[tilespmem:s16], [sflag:$0xA] =	stream.linear.gather [hbm4b:s22+s8], $0x10, $0x38;
	[tilespmem:$0x1F078] =	vst v63  }
0x310: {  	_ =	swait.ge [sflag:s12], $0x10  }
0x311: {  	[sflag:s12] =	ssyncset.done $0x0  }
0x312: {  	[sflag:s12] =	ssyncadd.s32 $0xFFFFFFF0  }
0x313: {  	v1 =	vld [tilespmem:$0x4F00]  }
0x314: {  	v2 =	vld [tilespmem:$0x5080];
	_ =	sdelay $0x6  }
0x315: {  	v1 =	vld.idx.msk [tilespmem:v1+s8+$0x0], $0xffff  }
0x316: {  	v2 =	vld.idx.msk [tilespmem:v2+s14+$0x0], $0xffff;
	_ =	sdelay $0x4  }
0x317: {  	v1 =	vadd.f32 v2, v1;
	_ =	sdelay $0x1  }
0x318: {  	v2 =	vmul.f32 $2.000000030e-01, v1  }
0x319: {  	vm0 =	vgt.f32 v1, $0.0e+00  }
0x31a: {  	v1 =	vsel vm0, v1, v2  }
0x31b: {  	v1 =	vmul.f32 $1.442695020e+00, v1;
	_ =	sdelay $0x1  }
0x31c: {  	(erf) = vpow2.f32 v1;
	_ =	sdelay $0x8  }
0x31d: {  	v1 =	vpop (erf)  }
0x31e: {  	s15 =	simm.s32 $0x10;
	[tilespmem:$0x5200] =	vst v1  }
0x31f: {  	[spmem:s3] =	stream.indirect.scatter.add.f32 [tilespmem:s24], [sflag:$0xA], $0x1, s16, s15, $0xb8;
	[tilespmem:$0x1F078] =	vst v63  }
0x320: {  	_ =	swait.ge [sflag:s12], $0x10  }
0x321: {  	[sflag:s12] =	ssyncset.done $0x0  }
0x322: {  	s26 =	simm.s32 $0x5380;
	[sflag:s12] =	ssyncadd.s32 $0xFFFFFFF0  }
0x323: {  	[tilespmem:s26], [sflag:$0x1] =	stream.indirect.gather [hbm4b:s1+s15], $0x80, s10, s15, $0xb8;
	[tilespmem:$0x1F078] =	vst v63  }
0x324: {  	_ =	swait.ge [sflag:s23], $0x800  }
0x325: {  	v1 =	vmov s8;
	[sflag:s23] =	ssyncset.done $0x0  }
0x326: {  	s8 =	simm.s32 $0x53C0;
	[sflag:s23] =	ssyncadd.s32 $0xFFFFF800  }
0x327: {  	v5 =	vld [tilespmem:s8+$0x30]  }
0x328: {  	v8 =	vld [tilespmem:s8+$0x10]  }
0x329: {  	v6 =	vld [tilespmem:s8+$0xFFFFFFC0]  }
0x32a: {  	v2 =	vld.idx.msk [tilespmem:v1+s24+$0x0], $0xffff  }
0x32b: {  	v10 =	vld [tilespmem:s8+$0xFFFFFFE0]  }
0x32c: {  	v1 =	vld [tilespmem:s8+$0xFFFFFFF0]  }
0x32d: {  	v3 =	vld [tilespmem:s8+$0x20]  }
0x32e: {  	v4 =	vld [tilespmem:s8+$0xFFFFFFD0]  }
0x32f: {  	v9 =	vmul.f32 v5, v2;
	v5 =	vld [tilespmem:s8+$0x0]  }
0x330: {  	v7 =	vmul.f32 v6, v2  }
0x331: {  	s17 =	simm.s32 $0x10;
	s9 =	simm.s32 $0x1;
	s10 =	simm.s32 $0x53C0;
	v6 =	vmul.f32 v10, v2;
	v8 =	vmul.f32 v8, v2  }
.LBB2_12:
0x332: {  	p3 =	sne.s32 s9, $0xF  }
0x333: {  	v4 =	vmul.f32 v4, v2;
	v3 =	vmul.f32 v3, v2;
	[tilespmem:s8+$0x30] =	vst v9;
	s10 =	sadd.s32 $0x80, s10;
	s15 =	smov.u32 s9;
	s9 =	sadd.s32 $0x1, s9  }
0x334: {  	[tilespmem:s8+$0xFFFFFFC0] =	vst v7;
	v7 =	vmul.f32 v1, v2;
	v2 =	vmul.f32 v5, v2  }
0x335: {  	[tilespmem:s8+$0x10] =	vst v8  }
0x336: {  	v5 =	vmov s15;
	[tilespmem:s8+$0xFFFFFFE0] =	vst v6  }
0x337: {  	v1 =	vld [tilespmem:s10+$0xFFFFFFF0];
	[tilespmem:s8+$0xFFFFFFF0] =	vst v7  }
0x338: {  	v6 =	vld [tilespmem:s10+$0x30];
	[tilespmem:s8+$0x0] =	vst v2  }
0x339: {  	v8 =	vld [tilespmem:s10+$0x10];
	[tilespmem:s8+$0x20] =	vst v3  }
0x33a: {  	v7 =	vld [tilespmem:s10+$0xFFFFFFC0];
	[tilespmem:s8+$0xFFFFFFD0] =	vst v4;
	s8 =	smov.u32 s10  }
0x33b: {  	v2 =	vld.idx.msk [tilespmem:v5+s24+$0x0], $0xffff  }
0x33c: {  	v10 =	vld [tilespmem:s10+$0xFFFFFFE0]  }
0x33d: {  	v3 =	vld [tilespmem:s10+$0x20]  }
.Ltmp5:
0x33e: {  	v4 =	vld [tilespmem:s10+$0xFFFFFFD0];
	(pc) =	sbr.rel @p3 .LBB2_12-.Ltmp5, $3  }
0x33f: {  	v5 =	vld [tilespmem:s10+$0x0];
	_ =	sdelay $0x1  }
0x340: {  	v7 =	vmul.f32 v7, v2;
	v9 =	vmul.f32 v6, v2  }
0x341: {  	v8 =	vmul.f32 v8, v2;
	v6 =	vmul.f32 v10, v2  }
0x342: {  	[tilespmem:s8+$0x30] =	vst v9  }
0x343: {  	[tilespmem:s8+$0xFFFFFFC0] =	vst v7  }
0x344: {  	v1 =	vmul.f32 v1, v2;
	[tilespmem:s8+$0x10] =	vst v8  }
0x345: {  	v3 =	vmul.f32 v3, v2;
	[tilespmem:s8+$0xFFFFFFE0] =	vst v6  }
0x346: {  	v5 =	vmul.f32 v5, v2;
	[tilespmem:s8+$0xFFFFFFF0] =	vst v1  }
0x347: {  	v1 =	vmul.f32 v4, v2;
	[tilespmem:s8+$0x20] =	vst v3  }
0x348: {  	[tilespmem:s8+$0x0] =	vst v5  }
0x349: {  	s10 =	simm.s32 $0x5380;
	[tilespmem:s8+$0xFFFFFFD0] =	vst v1  }
0x34a: {  	[spmem:s2] =	stream.indirect.scatter.add.f32 [tilespmem:s10], [sflag:$0xA], $0x80, s16, s17, $0xb8;
	[tilespmem:$0x1F078] =	vst v63  }
0x34b: {  	_ =	swait.ge [sflag:s12], $0x800  }
0x34c: {  	[sflag:s12] =	ssyncset.done $0x0  }
0x34d: {  	[sflag:s12] =	ssyncadd.s32 $0xFFFFF800  }
0x34e: {  	s15 =	stileid.u32;
	[bflag:$0x0] =	sbarrier.arrive $0xFFFF  }
0x34f: {  	s8 =	sshll.u32 s15, $0x6;
	s22 =	rddreg [dreg:$0x7]  }
0x350: {  	s8 =	sor.u32 $0x1C0A, s8;
	s10 =	rddreg [dreg:$0x10];
	s9 =	sshrl.u32 s22, $0x3  }
0x351: {  	[hbm:s10], [sflag:s8] =	dma.local [spmem:s9], $0x2700  }
0x352: {  	s15 =	simm.s32 @p0 $0x20;
	_ =	swait.ge [sflag:s12], $0x2700  }
0x353: {  	s17 =	simm.s32 @p0 $0x10;
	s9 =	sshrl.u32 @p0 s3, $0x3;
	[sflag:s12] =	ssyncset.done $0x0  }
0x354: {  	s10 =	simm.s32 @p0 $0x1;
	s26 =	rddreg [dreg:$0x13];
	[sflag:s12] =	ssyncadd.s32 $0xFFFFD900  }
0x355: {  	[hbm:s26@s15], [sflag:s8] =	dma.strided @p0 [spmem:s9@s17], $0x4F0, s10, $0x10   }
0x356: {  	s9 =	simm.s32 @p0 $0xA  }
0x357: {  	_ =	swait.ge @p0 [sflag:s9], $0x4F0  }
0x358: {  	[sflag:s9] =	ssyncset.done @p0 $0x0;
	s15 =	rddreg [dreg:$0x9]  }
0x359: {  	s10 =	rddreg [dreg:$0x14];
	[sflag:s9] =	ssyncadd.s32 @p0 $0xFFFFFB10;
	s9 =	sshrl.u32 @!p2 s15, $0x3  }
0x35a: {  	[hbm:s10], [sflag:s8] =	dma.local @!p2 [spmem:s9], $0x100  }
0x35b: {  	s8 =	simm.s32 @!p2 $0xA  }
0x35c: {  	_ =	swait.ge @!p2 [sflag:s8], $0x100  }
0x35d: {  	s17 =	rddreg [dreg:$0x1f]  }
0x35e: {  	s26 =	rddreg [dreg:$0x15];
	s10 =	sadd.s32 $0x1, s17  }
0x35f: {  	p3 =	sne.s32 s10, s26  }
.Ltmp6:
0x360: {  	_ = 	snop;
	(pc) =	sbr.rel @p3 .LBB2_1-.Ltmp6, $3  }
0x361: {  	_ =	sdelay $0x1  }
0x362: {  	[sflag:s8] =	ssyncset.done @!p2 $0x0  }
0x363: {  	[sflag:s8] =	ssyncadd.s32 @!p2 $0xFFFFFF00  }
0x364: {  	_ =	sfence.sel $0x180000  }
0x365: {  	[bflag:$0x0] =	sbarrier.arrive $0xFFFF  }
0x366: {  	_ =	strace $0x90000047  }
0x367: {  	s0 =	stileid.u32;
	[bflag:$0x2] =	sbarrier.arrive $0xFFFF  }
0x368: {  	p0 =	sne.s32 s0, $0x0;
	s0 =	rddreg [dreg:$0x4]  }
0x369: {  	s0 =	sadd.s32 @!p0 $0x100000, s0  }
0x36a: {  	[sflag:s0] =	ssyncadd.tile.s32 @!p0 $0x1;
	_ =	shalt  }
.Lfunc_end2:
_tile_overlayer_lowered:
.L_overlay_start_2:
0x36b: {  	(tag) =	ssettag $0x2  }
0x36c: {  	s0 =	rddreg [dreg:$0x0];
	s2 =	stileid.u32  }
0x36d: {  	s1 =	rddreg [dreg:$0x1];
	p0 =	sne.s32 s2, $0x0  }
0x36e: {  	s3 =	rddreg [dreg:$0x2];
	[bflag:$0x3] =	sbarrier.arrive $0xFFFF;
	s2 =	simm.s32 @!p0 $0x1C0A  }
0x36f: {  	[timem:s3], [sflag:s2] =	dma.local @!p0 [hbm:s0], s1  }
0x370: {  	s0 =	simm.s32 @!p0 $0xA  }
0x371: {  	_ =	swait.ge @!p0 [sflag:s0], s1  }
0x372: {  	s1 =	ssub.s32 @!p0 $0x0, s1;
	[sflag:s0] =	ssyncset.done @!p0 $0x0  }
0x373: {  	[sflag:s0] =	ssyncadd.s32 @!p0 s1  }
0x374: {  	[bflag:$0x3] =	sbarrier.arrive $0xFFFF  }
0x375: {  	_ =	shalt  }

</sc_bundles>
